<compile_context>
chip_gen: v7x
topology: tpu7x:2x2x1
jax: 0.10.2.dev20260603
libtpu: 0.0.44.dev20260713+nightly
codegen_flags: <defaults>
</compile_context>

<pallas_src>
import functools

import jax
import jax.numpy as jnp
from jax import lax
from jax.experimental import pallas as pl
from jax.experimental.pallas import tpu as pltpu
from jax.experimental.pallas import tpu_sc as plsc

N = 1000000
LANES = 16
NSUB = 16
NSBLK = 8
SUB = 7808
W = NSBLK * SUB
VPS = SUB // LANES
UNROLL = 8
NCHAIN = 4
ITERS = VPS // UNROLL
TAIL = N - NSUB * W
TAIL_OFF = NSUB * W
TAIL_VECS = TAIL // LANES

_MESH = plsc.VectorSubcoreMesh(
    core_axis_name="c", subcore_axis_name="s", num_cores=1, num_subcores=NSUB
)


def _neg_update(v, s, c):
    s = s + jnp.minimum(v, 0.0)
    c = c + (plsc.bitcast(v, jnp.int32) >> 31)
    return s, c


def _body(score_hbm, out_hbm, buf, tbuf, pvec_f, pvec_i, shared_f, shared_i,
          comb_f, comb_i, out_stage, sems):
    wid = lax.axis_index("s")
    base = wid * W

    copies = [
        pltpu.async_copy(
            score_hbm.at[pl.ds(base + b * SUB, SUB)], buf.at[b], sems.at[b]
        )
        for b in range(NSBLK)
    ]

    zf = jnp.zeros((LANES,), jnp.float32)
    zi = jnp.zeros((LANES,), jnp.int32)
    ss = [zf] * NCHAIN
    cc = [zi] * NCHAIN

    for b in range(NSBLK):
        copies[b].wait()

        def vec_body(t, carry, _b=b):
            sl = list(carry[0])
            cl = list(carry[1])
            off = t * (UNROLL * LANES)
            for j in range(UNROLL):
                v = buf[_b, pl.ds(off + j * LANES, LANES)]
                k = j % NCHAIN
                sl[k], cl[k] = _neg_update(v, sl[k], cl[k])
            return tuple(sl), tuple(cl)

        ss, cc = lax.fori_loop(0, ITERS, vec_body, (tuple(ss), tuple(cc)))
        ss, cc = list(ss), list(cc)

    while len(ss) > 1:
        ss = [a + b2 for a, b2 in zip(ss[::2], ss[1::2])]
        cc = [a + b2 for a, b2 in zip(cc[::2], cc[1::2])]
    s_fin = ss[0]
    c_fin = cc[0]
    pvec_f[...] = s_fin
    pvec_i[...] = c_fin

    @pl.when(wid == 0)
    def _tail():
        pltpu.sync_copy(score_hbm.at[pl.ds(TAIL_OFF, TAIL)], tbuf)
        st, ct = pvec_f[...], pvec_i[...]
        for j in range(TAIL_VECS):
            v = tbuf[pl.ds(j * LANES, LANES)]
            st, ct = _neg_update(v, st, ct)
        pvec_f[...] = st
        pvec_i[...] = ct

    pltpu.sync_copy(pvec_f, shared_f.at[wid])
    pltpu.sync_copy(pvec_i, shared_i.at[wid])
    plsc.subcore_barrier()

    @pl.when(wid == 0)
    def _combine():
        pltpu.sync_copy(shared_f, comb_f)
        pltpu.sync_copy(shared_i, comb_i)
        s_vec = comb_f[0, :]
        c_vec = comb_i[0, :]
        for i in range(1, NSUB):
            s_vec = s_vec + comb_f[i, :]
            c_vec = c_vec + comb_i[i, :]
        total_s = jnp.sum(s_vec)
        total_c = (-jnp.sum(c_vec)).astype(jnp.float32)
        num = jnp.broadcast_to(total_s, (LANES,))
        den = jnp.broadcast_to(total_c, (LANES,))
        out_stage[...] = num / den
        pltpu.sync_copy(out_stage, out_hbm)


_margin_call = functools.partial(
    pl.kernel,
    out_type=jax.ShapeDtypeStruct((LANES,), jnp.float32),
    mesh=_MESH,
    compiler_params=pltpu.CompilerParams(needs_layout_passes=False),
    scratch_types=[
        pltpu.VMEM((NSBLK, SUB), jnp.float32),
        pltpu.VMEM((TAIL,), jnp.float32),
        pltpu.VMEM((LANES,), jnp.float32),
        pltpu.VMEM((LANES,), jnp.int32),
        pltpu.VMEM_SHARED((NSUB, LANES), jnp.float32),
        pltpu.VMEM_SHARED((NSUB, LANES), jnp.int32),
        pltpu.VMEM((NSUB, LANES), jnp.float32),
        pltpu.VMEM((NSUB, LANES), jnp.int32),
        pltpu.VMEM((LANES,), jnp.float32),
        pltpu.SemaphoreType.DMA((NSBLK,)),
    ],
)(_body)


def kernel(preds, lables, score):
    del preds, lables
    return _margin_call(score)[0]

# --- scband reference (transcript-rebuilt; emitter-appended) ---
"""Pipeline reference for scband-nll-margin-loss-7670811590924 (READ-ONLY COPY).

The authoritative reference and input builder live on the scoring server;
editing this copy changes nothing except your own understanding.
"""

import jax, jax.numpy as jnp
import numpy as np

N = 1000000
C = 64

def setup_inputs(seed: int = 0) -> dict:
    key = jax.random.key(seed)
    k1, k2, k3 = jax.random.split(key, 3)
    preds = jax.nn.log_softmax(jax.random.normal(k1, (N, C), dtype=jnp.float32), axis=-1)
    lables = jax.random.randint(k2, (N,), 0, C, dtype=jnp.int64)
    score = jax.random.normal(k3, (N,), dtype=jnp.float32)
    return {"preds": preds, "lables": lables, "score": score}

def reference(preds, lables, score):
    # Faithful translation of NLL_margin_loss.forward.
    # indices = nonzero(score < 0); margin_loss = sum(score[indices]) / len(indices)
    mask = score < 0
    n_neg = jnp.sum(mask).astype(jnp.float32)
    weight_margin = 1.0
    margin_loss = weight_margin * (jnp.sum(jnp.where(mask, score, 0.0)) / n_neg)
    # NLL = F.nll_loss(preds, labels) -- computed in the original (mean of -preds[i, labels[i]])
    # but NOT returned; the module returns only margin_loss.
    nll = -jnp.mean(jnp.take_along_axis(preds, lables[:, None], axis=1).squeeze(-1))
    _ = nll
    return margin_loss

if __name__ == "__main__":
    import jax
    _d = setup_inputs()
    print(jax.jit(kernel)(*tuple(_d.values())))

</pallas_src>

<mosaic_0001>
#map = affine_map<(d0, d1) -> (0)>
module attributes {stable_mosaic.version = 14 : i64} {
  func.func @_body(%arg0: i32, %arg1: i32, %arg2: memref<1000000xf32, #tpu.memory_space<hbm>>, %arg3: memref<16xf32, #tpu.memory_space<hbm>>, %arg4: memref<8x7808xf32, #tpu.memory_space<vmem>>, %arg5: memref<576xf32, #tpu.memory_space<vmem>>, %arg6: memref<16xf32, #tpu.memory_space<vmem>>, %arg7: memref<16xi32, #tpu.memory_space<vmem>>, %arg8: memref<16x16xf32, #tpu.memory_space<vmem_shared>>, %arg9: memref<16x16xi32, #tpu.memory_space<vmem_shared>>, %arg10: memref<16x16xf32, #tpu.memory_space<vmem>>, %arg11: memref<16x16xi32, #tpu.memory_space<vmem>>, %arg12: memref<16xf32, #tpu.memory_space<vmem>>, %arg13: memref<8x!tpu.dma_semaphore, #tpu.memory_space<semaphore_mem>>) attributes {dimension_semantics = [#tpu.dimension_semantics<core_parallel>, #tpu.dimension_semantics<subcore_parallel>], iteration_bounds = array<i64: 1, 16>, scalar_prefetch = 0 : i64, scratch_operands = 10 : i64, tpu.core_type = #tpu.core_type<sc_vector_subcore>, window_params = [{transform_indices = #map}, {transform_indices = #map}]} {
    %mul3A = arith.constant 62464 : i32
    %mul3A_0 = arith.muli %arg1, %mul3A : i32
    %add3A = arith.constant 0 : i32
    %add3A_1 = arith.addi %mul3A_0, %add3A : i32
    %dma_start3A = arith.constant 0 : i32
    %dma_start3A_2 = arith.constant 0 : i32
    %dma_start3A_3 = arith.constant 0 : i32
    %dma_start3A_4 = tpu.memref_slice %arg4[%dma_start3A, %dma_start3A_3] : memref<8x7808xf32, #tpu.memory_space<vmem>> -> memref<1x7808xf32, #tpu.memory_space<vmem>>
    %dma_start3A_5 = tpu.memref_squeeze %dma_start3A_4 : memref<1x7808xf32, #tpu.memory_space<vmem>> -> memref<7808xf32, #tpu.memory_space<vmem>>
    %dma_start3A_6 = tpu.memref_slice %arg2[%add3A_1] : memref<1000000xf32, #tpu.memory_space<hbm>> -> memref<7808xf32, #tpu.memory_space<hbm>>
    %dma_start3A_7 = tpu.memref_slice %arg13[%dma_start3A_2] : memref<8x!tpu.dma_semaphore, #tpu.memory_space<semaphore_mem>> -> memref<1x!tpu.dma_semaphore, #tpu.memory_space<semaphore_mem>>
    %dma_start3A_8 = tpu.memref_squeeze %dma_start3A_7 : memref<1x!tpu.dma_semaphore, #tpu.memory_space<semaphore_mem>> -> memref<!tpu.dma_semaphore, #tpu.memory_space<semaphore_mem>>
    %dma_start3A_9 = arith.constant 0 : i32
    %dma_start3A_10 = tpu.memref_slice %arg4[%dma_start3A, %dma_start3A_9] : memref<8x7808xf32, #tpu.memory_space<vmem>> -> memref<1x7808xf32, #tpu.memory_space<vmem>>
    %dma_start3A_11 = tpu.memref_squeeze %dma_start3A_10 : memref<1x7808xf32, #tpu.memory_space<vmem>> -> memref<7808xf32, #tpu.memory_space<vmem>>
    %dma_start3A_12 = tpu.memref_slice %arg2[%add3A_1] : memref<1000000xf32, #tpu.memory_space<hbm>> -> memref<7808xf32, #tpu.memory_space<hbm>>
    tpu.enqueue_dma source(%dma_start3A_12 : memref<7808xf32, #tpu.memory_space<hbm>>) target(%dma_start3A_11 : memref<7808xf32, #tpu.memory_space<vmem>>) target_semaphore(%dma_start3A_8 : memref<!tpu.dma_semaphore, #tpu.memory_space<semaphore_mem>>)
    %add3A_13 = arith.constant 7808 : i32
    %add3A_14 = arith.addi %mul3A_0, %add3A_13 : i32
    %dma_start3A_15 = arith.constant 1 : i32
    %dma_start3A_16 = arith.constant 1 : i32
    %dma_start3A_17 = arith.constant 0 : i32
    %dma_start3A_18 = tpu.memref_slice %arg4[%dma_start3A_15, %dma_start3A_17] : memref<8x7808xf32, #tpu.memory_space<vmem>> -> memref<1x7808xf32, #tpu.memory_space<vmem>>
    %dma_start3A_19 = tpu.memref_squeeze %dma_start3A_18 : memref<1x7808xf32, #tpu.memory_space<vmem>> -> memref<7808xf32, #tpu.memory_space<vmem>>
    %dma_start3A_20 = tpu.memref_slice %arg2[%add3A_14] : memref<1000000xf32, #tpu.memory_space<hbm>> -> memref<7808xf32, #tpu.memory_space<hbm>>
    %dma_start3A_21 = tpu.memref_slice %arg13[%dma_start3A_16] : memref<8x!tpu.dma_semaphore, #tpu.memory_space<semaphore_mem>> -> memref<1x!tpu.dma_semaphore, #tpu.memory_space<semaphore_mem>>
    %dma_start3A_22 = tpu.memref_squeeze %dma_start3A_21 : memref<1x!tpu.dma_semaphore, #tpu.memory_space<semaphore_mem>> -> memref<!tpu.dma_semaphore, #tpu.memory_space<semaphore_mem>>
    %dma_start3A_23 = arith.constant 0 : i32
    %dma_start3A_24 = tpu.memref_slice %arg4[%dma_start3A_15, %dma_start3A_23] : memref<8x7808xf32, #tpu.memory_space<vmem>> -> memref<1x7808xf32, #tpu.memory_space<vmem>>
    %dma_start3A_25 = tpu.memref_squeeze %dma_start3A_24 : memref<1x7808xf32, #tpu.memory_space<vmem>> -> memref<7808xf32, #tpu.memory_space<vmem>>
    %dma_start3A_26 = tpu.memref_slice %arg2[%add3A_14] : memref<1000000xf32, #tpu.memory_space<hbm>> -> memref<7808xf32, #tpu.memory_space<hbm>>
    tpu.enqueue_dma source(%dma_start3A_26 : memref<7808xf32, #tpu.memory_space<hbm>>) target(%dma_start3A_25 : memref<7808xf32, #tpu.memory_space<vmem>>) target_semaphore(%dma_start3A_22 : memref<!tpu.dma_semaphore, #tpu.memory_space<semaphore_mem>>)
    %add3A_27 = arith.constant 15616 : i32
    %add3A_28 = arith.addi %mul3A_0, %add3A_27 : i32
    %dma_start3A_29 = arith.constant 2 : i32
    %dma_start3A_30 = arith.constant 2 : i32
    %dma_start3A_31 = arith.constant 0 : i32
    %dma_start3A_32 = tpu.memref_slice %arg4[%dma_start3A_29, %dma_start3A_31] : memref<8x7808xf32, #tpu.memory_space<vmem>> -> memref<1x7808xf32, #tpu.memory_space<vmem>>
    %dma_start3A_33 = tpu.memref_squeeze %dma_start3A_32 : memref<1x7808xf32, #tpu.memory_space<vmem>> -> memref<7808xf32, #tpu.memory_space<vmem>>
    %dma_start3A_34 = tpu.memref_slice %arg2[%add3A_28] : memref<1000000xf32, #tpu.memory_space<hbm>> -> memref<7808xf32, #tpu.memory_space<hbm>>
    %dma_start3A_35 = tpu.memref_slice %arg13[%dma_start3A_30] : memref<8x!tpu.dma_semaphore, #tpu.memory_space<semaphore_mem>> -> memref<1x!tpu.dma_semaphore, #tpu.memory_space<semaphore_mem>>
    %dma_start3A_36 = tpu.memref_squeeze %dma_start3A_35 : memref<1x!tpu.dma_semaphore, #tpu.memory_space<semaphore_mem>> -> memref<!tpu.dma_semaphore, #tpu.memory_space<semaphore_mem>>
    %dma_start3A_37 = arith.constant 0 : i32
    %dma_start3A_38 = tpu.memref_slice %arg4[%dma_start3A_29, %dma_start3A_37] : memref<8x7808xf32, #tpu.memory_space<vmem>> -> memref<1x7808xf32, #tpu.memory_space<vmem>>
    %dma_start3A_39 = tpu.memref_squeeze %dma_start3A_38 : memref<1x7808xf32, #tpu.memory_space<vmem>> -> memref<7808xf32, #tpu.memory_space<vmem>>
    %dma_start3A_40 = tpu.memref_slice %arg2[%add3A_28] : memref<1000000xf32, #tpu.memory_space<hbm>> -> memref<7808xf32, #tpu.memory_space<hbm>>
    tpu.enqueue_dma source(%dma_start3A_40 : memref<7808xf32, #tpu.memory_space<hbm>>) target(%dma_start3A_39 : memref<7808xf32, #tpu.memory_space<vmem>>) target_semaphore(%dma_start3A_36 : memref<!tpu.dma_semaphore, #tpu.memory_space<semaphore_mem>>)
    %add3A_41 = arith.constant 23424 : i32
    %add3A_42 = arith.addi %mul3A_0, %add3A_41 : i32
    %dma_start3A_43 = arith.constant 3 : i32
    %dma_start3A_44 = arith.constant 3 : i32
    %dma_start3A_45 = arith.constant 0 : i32
    %dma_start3A_46 = tpu.memref_slice %arg4[%dma_start3A_43, %dma_start3A_45] : memref<8x7808xf32, #tpu.memory_space<vmem>> -> memref<1x7808xf32, #tpu.memory_space<vmem>>
    %dma_start3A_47 = tpu.memref_squeeze %dma_start3A_46 : memref<1x7808xf32, #tpu.memory_space<vmem>> -> memref<7808xf32, #tpu.memory_space<vmem>>
    %dma_start3A_48 = tpu.memref_slice %arg2[%add3A_42] : memref<1000000xf32, #tpu.memory_space<hbm>> -> memref<7808xf32, #tpu.memory_space<hbm>>
    %dma_start3A_49 = tpu.memref_slice %arg13[%dma_start3A_44] : memref<8x!tpu.dma_semaphore, #tpu.memory_space<semaphore_mem>> -> memref<1x!tpu.dma_semaphore, #tpu.memory_space<semaphore_mem>>
    %dma_start3A_50 = tpu.memref_squeeze %dma_start3A_49 : memref<1x!tpu.dma_semaphore, #tpu.memory_space<semaphore_mem>> -> memref<!tpu.dma_semaphore, #tpu.memory_space<semaphore_mem>>
    %dma_start3A_51 = arith.constant 0 : i32
    %dma_start3A_52 = tpu.memref_slice %arg4[%dma_start3A_43, %dma_start3A_51] : memref<8x7808xf32, #tpu.memory_space<vmem>> -> memref<1x7808xf32, #tpu.memory_space<vmem>>
    %dma_start3A_53 = tpu.memref_squeeze %dma_start3A_52 : memref<1x7808xf32, #tpu.memory_space<vmem>> -> memref<7808xf32, #tpu.memory_space<vmem>>
    %dma_start3A_54 = tpu.memref_slice %arg2[%add3A_42] : memref<1000000xf32, #tpu.memory_space<hbm>> -> memref<7808xf32, #tpu.memory_space<hbm>>
    tpu.enqueue_dma source(%dma_start3A_54 : memref<7808xf32, #tpu.memory_space<hbm>>) target(%dma_start3A_53 : memref<7808xf32, #tpu.memory_space<vmem>>) target_semaphore(%dma_start3A_50 : memref<!tpu.dma_semaphore, #tpu.memory_space<semaphore_mem>>)
    %add3A_55 = arith.constant 31232 : i32
    %add3A_56 = arith.addi %mul3A_0, %add3A_55 : i32
    %dma_start3A_57 = arith.constant 4 : i32
    %dma_start3A_58 = arith.constant 4 : i32
    %dma_start3A_59 = arith.constant 0 : i32
    %dma_start3A_60 = tpu.memref_slice %arg4[%dma_start3A_57, %dma_start3A_59] : memref<8x7808xf32, #tpu.memory_space<vmem>> -> memref<1x7808xf32, #tpu.memory_space<vmem>>
    %dma_start3A_61 = tpu.memref_squeeze %dma_start3A_60 : memref<1x7808xf32, #tpu.memory_space<vmem>> -> memref<7808xf32, #tpu.memory_space<vmem>>
    %dma_start3A_62 = tpu.memref_slice %arg2[%add3A_56] : memref<1000000xf32, #tpu.memory_space<hbm>> -> memref<7808xf32, #tpu.memory_space<hbm>>
    %dma_start3A_63 = tpu.memref_slice %arg13[%dma_start3A_58] : memref<8x!tpu.dma_semaphore, #tpu.memory_space<semaphore_mem>> -> memref<1x!tpu.dma_semaphore, #tpu.memory_space<semaphore_mem>>
    %dma_start3A_64 = tpu.memref_squeeze %dma_start3A_63 : memref<1x!tpu.dma_semaphore, #tpu.memory_space<semaphore_mem>> -> memref<!tpu.dma_semaphore, #tpu.memory_space<semaphore_mem>>
    %dma_start3A_65 = arith.constant 0 : i32
    %dma_start3A_66 = tpu.memref_slice %arg4[%dma_start3A_57, %dma_start3A_65] : memref<8x7808xf32, #tpu.memory_space<vmem>> -> memref<1x7808xf32, #tpu.memory_space<vmem>>
    %dma_start3A_67 = tpu.memref_squeeze %dma_start3A_66 : memref<1x7808xf32, #tpu.memory_space<vmem>> -> memref<7808xf32, #tpu.memory_space<vmem>>
    %dma_start3A_68 = tpu.memref_slice %arg2[%add3A_56] : memref<1000000xf32, #tpu.memory_space<hbm>> -> memref<7808xf32, #tpu.memory_space<hbm>>
    tpu.enqueue_dma source(%dma_start3A_68 : memref<7808xf32, #tpu.memory_space<hbm>>) target(%dma_start3A_67 : memref<7808xf32, #tpu.memory_space<vmem>>) target_semaphore(%dma_start3A_64 : memref<!tpu.dma_semaphore, #tpu.memory_space<semaphore_mem>>)
    %add3A_69 = arith.constant 39040 : i32
    %add3A_70 = arith.addi %mul3A_0, %add3A_69 : i32
    %dma_start3A_71 = arith.constant 5 : i32
    %dma_start3A_72 = arith.constant 5 : i32
    %dma_start3A_73 = arith.constant 0 : i32
    %dma_start3A_74 = tpu.memref_slice %arg4[%dma_start3A_71, %dma_start3A_73] : memref<8x7808xf32, #tpu.memory_space<vmem>> -> memref<1x7808xf32, #tpu.memory_space<vmem>>
    %dma_start3A_75 = tpu.memref_squeeze %dma_start3A_74 : memref<1x7808xf32, #tpu.memory_space<vmem>> -> memref<7808xf32, #tpu.memory_space<vmem>>
    %dma_start3A_76 = tpu.memref_slice %arg2[%add3A_70] : memref<1000000xf32, #tpu.memory_space<hbm>> -> memref<7808xf32, #tpu.memory_space<hbm>>
    %dma_start3A_77 = tpu.memref_slice %arg13[%dma_start3A_72] : memref<8x!tpu.dma_semaphore, #tpu.memory_space<semaphore_mem>> -> memref<1x!tpu.dma_semaphore, #tpu.memory_space<semaphore_mem>>
    %dma_start3A_78 = tpu.memref_squeeze %dma_start3A_77 : memref<1x!tpu.dma_semaphore, #tpu.memory_space<semaphore_mem>> -> memref<!tpu.dma_semaphore, #tpu.memory_space<semaphore_mem>>
    %dma_start3A_79 = arith.constant 0 : i32
    %dma_start3A_80 = tpu.memref_slice %arg4[%dma_start3A_71, %dma_start3A_79] : memref<8x7808xf32, #tpu.memory_space<vmem>> -> memref<1x7808xf32, #tpu.memory_space<vmem>>
    %dma_start3A_81 = tpu.memref_squeeze %dma_start3A_80 : memref<1x7808xf32, #tpu.memory_space<vmem>> -> memref<7808xf32, #tpu.memory_space<vmem>>
    %dma_start3A_82 = tpu.memref_slice %arg2[%add3A_70] : memref<1000000xf32, #tpu.memory_space<hbm>> -> memref<7808xf32, #tpu.memory_space<hbm>>
    tpu.enqueue_dma source(%dma_start3A_82 : memref<7808xf32, #tpu.memory_space<hbm>>) target(%dma_start3A_81 : memref<7808xf32, #tpu.memory_space<vmem>>) target_semaphore(%dma_start3A_78 : memref<!tpu.dma_semaphore, #tpu.memory_space<semaphore_mem>>)
    %add3A_83 = arith.constant 46848 : i32
    %add3A_84 = arith.addi %mul3A_0, %add3A_83 : i32
    %dma_start3A_85 = arith.constant 6 : i32
    %dma_start3A_86 = arith.constant 6 : i32
    %dma_start3A_87 = arith.constant 0 : i32
    %dma_start3A_88 = tpu.memref_slice %arg4[%dma_start3A_85, %dma_start3A_87] : memref<8x7808xf32, #tpu.memory_space<vmem>> -> memref<1x7808xf32, #tpu.memory_space<vmem>>
    %dma_start3A_89 = tpu.memref_squeeze %dma_start3A_88 : memref<1x7808xf32, #tpu.memory_space<vmem>> -> memref<7808xf32, #tpu.memory_space<vmem>>
    %dma_start3A_90 = tpu.memref_slice %arg2[%add3A_84] : memref<1000000xf32, #tpu.memory_space<hbm>> -> memref<7808xf32, #tpu.memory_space<hbm>>
    %dma_start3A_91 = tpu.memref_slice %arg13[%dma_start3A_86] : memref<8x!tpu.dma_semaphore, #tpu.memory_space<semaphore_mem>> -> memref<1x!tpu.dma_semaphore, #tpu.memory_space<semaphore_mem>>
    %dma_start3A_92 = tpu.memref_squeeze %dma_start3A_91 : memref<1x!tpu.dma_semaphore, #tpu.memory_space<semaphore_mem>> -> memref<!tpu.dma_semaphore, #tpu.memory_space<semaphore_mem>>
    %dma_start3A_93 = arith.constant 0 : i32
    %dma_start3A_94 = tpu.memref_slice %arg4[%dma_start3A_85, %dma_start3A_93] : memref<8x7808xf32, #tpu.memory_space<vmem>> -> memref<1x7808xf32, #tpu.memory_space<vmem>>
    %dma_start3A_95 = tpu.memref_squeeze %dma_start3A_94 : memref<1x7808xf32, #tpu.memory_space<vmem>> -> memref<7808xf32, #tpu.memory_space<vmem>>
    %dma_start3A_96 = tpu.memref_slice %arg2[%add3A_84] : memref<1000000xf32, #tpu.memory_space<hbm>> -> memref<7808xf32, #tpu.memory_space<hbm>>
    tpu.enqueue_dma source(%dma_start3A_96 : memref<7808xf32, #tpu.memory_space<hbm>>) target(%dma_start3A_95 : memref<7808xf32, #tpu.memory_space<vmem>>) target_semaphore(%dma_start3A_92 : memref<!tpu.dma_semaphore, #tpu.memory_space<semaphore_mem>>)
    %add3A_97 = arith.constant 54656 : i32
    %add3A_98 = arith.addi %mul3A_0, %add3A_97 : i32
    %dma_start3A_99 = arith.constant 7 : i32
    %dma_start3A_100 = arith.constant 7 : i32
    %dma_start3A_101 = arith.constant 0 : i32
    %dma_start3A_102 = tpu.memref_slice %arg4[%dma_start3A_99, %dma_start3A_101] : memref<8x7808xf32, #tpu.memory_space<vmem>> -> memref<1x7808xf32, #tpu.memory_space<vmem>>
    %dma_start3A_103 = tpu.memref_squeeze %dma_start3A_102 : memref<1x7808xf32, #tpu.memory_space<vmem>> -> memref<7808xf32, #tpu.memory_space<vmem>>
    %dma_start3A_104 = tpu.memref_slice %arg2[%add3A_98] : memref<1000000xf32, #tpu.memory_space<hbm>> -> memref<7808xf32, #tpu.memory_space<hbm>>
    %dma_start3A_105 = tpu.memref_slice %arg13[%dma_start3A_100] : memref<8x!tpu.dma_semaphore, #tpu.memory_space<semaphore_mem>> -> memref<1x!tpu.dma_semaphore, #tpu.memory_space<semaphore_mem>>
    %dma_start3A_106 = tpu.memref_squeeze %dma_start3A_105 : memref<1x!tpu.dma_semaphore, #tpu.memory_space<semaphore_mem>> -> memref<!tpu.dma_semaphore, #tpu.memory_space<semaphore_mem>>
    %dma_start3A_107 = arith.constant 0 : i32
    %dma_start3A_108 = tpu.memref_slice %arg4[%dma_start3A_99, %dma_start3A_107] : memref<8x7808xf32, #tpu.memory_space<vmem>> -> memref<1x7808xf32, #tpu.memory_space<vmem>>
    %dma_start3A_109 = tpu.memref_squeeze %dma_start3A_108 : memref<1x7808xf32, #tpu.memory_space<vmem>> -> memref<7808xf32, #tpu.memory_space<vmem>>
    %dma_start3A_110 = tpu.memref_slice %arg2[%add3A_98] : memref<1000000xf32, #tpu.memory_space<hbm>> -> memref<7808xf32, #tpu.memory_space<hbm>>
    tpu.enqueue_dma source(%dma_start3A_110 : memref<7808xf32, #tpu.memory_space<hbm>>) target(%dma_start3A_109 : memref<7808xf32, #tpu.memory_space<vmem>>) target_semaphore(%dma_start3A_106 : memref<!tpu.dma_semaphore, #tpu.memory_space<semaphore_mem>>)
    %broadcast_in_dim3A = arith.constant 0.000000e+00 : f32
    %broadcast_in_dim3A_111 = vector.broadcast %broadcast_in_dim3A : f32 to vector<16xf32>
    %broadcast_in_dim3A_112 = arith.constant 0 : i32
    %broadcast_in_dim3A_113 = vector.broadcast %broadcast_in_dim3A_112 : i32 to vector<16xi32>
    %dma_wait3A = arith.constant 0 : i32
    %dma_wait3A_114 = arith.constant 0 : i32
    %dma_wait3A_115 = arith.constant 0 : i32
    %dma_wait3A_116 = tpu.memref_slice %arg4[%dma_wait3A, %dma_wait3A_115] : memref<8x7808xf32, #tpu.memory_space<vmem>> -> memref<1x7808xf32, #tpu.memory_space<vmem>>
    %dma_wait3A_117 = tpu.memref_squeeze %dma_wait3A_116 : memref<1x7808xf32, #tpu.memory_space<vmem>> -> memref<7808xf32, #tpu.memory_space<vmem>>
    %dma_wait3A_118 = tpu.memref_slice %arg2[%add3A_1] : memref<1000000xf32, #tpu.memory_space<hbm>> -> memref<7808xf32, #tpu.memory_space<hbm>>
    %dma_wait3A_119 = tpu.memref_slice %arg13[%dma_wait3A_114] : memref<8x!tpu.dma_semaphore, #tpu.memory_space<semaphore_mem>> -> memref<1x!tpu.dma_semaphore, #tpu.memory_space<semaphore_mem>>
    %dma_wait3A_120 = tpu.memref_squeeze %dma_wait3A_119 : memref<1x!tpu.dma_semaphore, #tpu.memory_space<semaphore_mem>> -> memref<!tpu.dma_semaphore, #tpu.memory_space<semaphore_mem>>
    %dma_wait3A_121 = arith.constant 0 : i32
    %dma_wait3A_122 = tpu.memref_slice %arg4[%dma_wait3A, %dma_wait3A_121] : memref<8x7808xf32, #tpu.memory_space<vmem>> -> memref<1x7808xf32, #tpu.memory_space<vmem>>
    %dma_wait3A_123 = tpu.memref_squeeze %dma_wait3A_122 : memref<1x7808xf32, #tpu.memory_space<vmem>> -> memref<7808xf32, #tpu.memory_space<vmem>>
    %dma_wait3A_124 = tpu.memref_slice %arg2[%add3A_1] : memref<1000000xf32, #tpu.memory_space<hbm>> -> memref<7808xf32, #tpu.memory_space<hbm>>
    tpu.wait_dma2 semaphore(%dma_wait3A_120 : memref<!tpu.dma_semaphore, #tpu.memory_space<semaphore_mem>>) src(%dma_wait3A_124 : memref<7808xf32, #tpu.memory_space<hbm>>) dst(%dma_wait3A_123 : memref<7808xf32, #tpu.memory_space<vmem>>)
    %scan3A = arith.constant 0 : i32
    %scan3A_125 = arith.constant 61 : i32
    %scan3A_126 = arith.addi %scan3A, %scan3A_125 : i32
    %scan3A_127 = arith.constant 1 : i32
    %scan3A_128:8 = scf.for %scan3A_272 = %scan3A to %scan3A_126 step %scan3A_127 iter_args(%scan3A_273 = %broadcast_in_dim3A_111, %scan3A_274 = %broadcast_in_dim3A_111, %scan3A_275 = %broadcast_in_dim3A_111, %scan3A_276 = %broadcast_in_dim3A_111, %scan3A_277 = %broadcast_in_dim3A_113, %scan3A_278 = %broadcast_in_dim3A_113, %scan3A_279 = %broadcast_in_dim3A_113, %scan3A_280 = %broadcast_in_dim3A_113) -> (vector<16xf32>, vector<16xf32>, vector<16xf32>, vector<16xf32>, vector<16xi32>, vector<16xi32>, vector<16xi32>, vector<16xi32>)  : i32 {
      %mul3A_281 = arith.constant 128 : i32
      %mul3A_282 = arith.muli %scan3A_272, %mul3A_281 : i32
      %add3A_283 = arith.constant 0 : i32
      %add3A_284 = arith.addi %mul3A_282, %add3A_283 : i32
      %get3A = arith.constant 0 : i32
      %get3A_285 = arith.index_cast %get3A : i32 to index
      %get3A_286 = arith.index_cast %add3A_284 : i32 to index
      %get3A_287 = tpu.vector_load %arg4[%get3A_285, %get3A_286] {strides = array<i32>} : memref<8x7808xf32, #tpu.memory_space<vmem>>, vector<16xf32>,
      %min3A = arith.constant 0.000000e+00 : f32
      %min3A_288 = vector.broadcast %min3A : f32 to vector<16xf32>
      %min3A_289 = arith.minimumf %get3A_287, %min3A_288 : vector<16xf32>
      %add3A_290 = arith.addf %scan3A_273, %min3A_289 : vector<16xf32>
      %bitcast3A = vector.bitcast %get3A_287 : vector<16xf32> to vector<16xi32>
      %shift_right_arithmetic3A = arith.constant 31 : i32
      %shift_right_arithmetic3A_291 = vector.broadcast %shift_right_arithmetic3A : i32 to vector<16xi32>
      %shift_right_arithmetic3A_292 = arith.shrsi %bitcast3A, %shift_right_arithmetic3A_291 : vector<16xi32>
      %add3A_293 = arith.addi %scan3A_277, %shift_right_arithmetic3A_292 : vector<16xi32>
      %add3A_294 = arith.constant 16 : i32
      %add3A_295 = arith.addi %mul3A_282, %add3A_294 : i32
      %get3A_296 = arith.constant 0 : i32
      %get3A_297 = arith.index_cast %get3A_296 : i32 to index
      %get3A_298 = arith.index_cast %add3A_295 : i32 to index
      %get3A_299 = tpu.vector_load %arg4[%get3A_297, %get3A_298] {strides = array<i32>} : memref<8x7808xf32, #tpu.memory_space<vmem>>, vector<16xf32>,
      %min3A_300 = arith.constant 0.000000e+00 : f32
      %min3A_301 = vector.broadcast %min3A_300 : f32 to vector<16xf32>
      %min3A_302 = arith.minimumf %get3A_299, %min3A_301 : vector<16xf32>
      %add3A_303 = arith.addf %scan3A_274, %min3A_302 : vector<16xf32>
      %bitcast3A_304 = vector.bitcast %get3A_299 : vector<16xf32> to vector<16xi32>
      %shift_right_arithmetic3A_305 = arith.constant 31 : i32
      %shift_right_arithmetic3A_306 = vector.broadcast %shift_right_arithmetic3A_305 : i32 to vector<16xi32>
      %shift_right_arithmetic3A_307 = arith.shrsi %bitcast3A_304, %shift_right_arithmetic3A_306 : vector<16xi32>
      %add3A_308 = arith.addi %scan3A_278, %shift_right_arithmetic3A_307 : vector<16xi32>
      %add3A_309 = arith.constant 32 : i32
      %add3A_310 = arith.addi %mul3A_282, %add3A_309 : i32
      %get3A_311 = arith.constant 0 : i32
      %get3A_312 = arith.index_cast %get3A_311 : i32 to index
      %get3A_313 = arith.index_cast %add3A_310 : i32 to index
      %get3A_314 = tpu.vector_load %arg4[%get3A_312, %get3A_313] {strides = array<i32>} : memref<8x7808xf32, #tpu.memory_space<vmem>>, vector<16xf32>,
      %min3A_315 = arith.constant 0.000000e+00 : f32
      %min3A_316 = vector.broadcast %min3A_315 : f32 to vector<16xf32>
      %min3A_317 = arith.minimumf %get3A_314, %min3A_316 : vector<16xf32>
      %add3A_318 = arith.addf %scan3A_275, %min3A_317 : vector<16xf32>
      %bitcast3A_319 = vector.bitcast %get3A_314 : vector<16xf32> to vector<16xi32>
      %shift_right_arithmetic3A_320 = arith.constant 31 : i32
      %shift_right_arithmetic3A_321 = vector.broadcast %shift_right_arithmetic3A_320 : i32 to vector<16xi32>
      %shift_right_arithmetic3A_322 = arith.shrsi %bitcast3A_319, %shift_right_arithmetic3A_321 : vector<16xi32>
      %add3A_323 = arith.addi %scan3A_279, %shift_right_arithmetic3A_322 : vector<16xi32>
      %add3A_324 = arith.constant 48 : i32
      %add3A_325 = arith.addi %mul3A_282, %add3A_324 : i32
      %get3A_326 = arith.constant 0 : i32
      %get3A_327 = arith.index_cast %get3A_326 : i32 to index
      %get3A_328 = arith.index_cast %add3A_325 : i32 to index
      %get3A_329 = tpu.vector_load %arg4[%get3A_327, %get3A_328] {strides = array<i32>} : memref<8x7808xf32, #tpu.memory_space<vmem>>, vector<16xf32>,
      %min3A_330 = arith.constant 0.000000e+00 : f32
      %min3A_331 = vector.broadcast %min3A_330 : f32 to vector<16xf32>
      %min3A_332 = arith.minimumf %get3A_329, %min3A_331 : vector<16xf32>
      %add3A_333 = arith.addf %scan3A_276, %min3A_332 : vector<16xf32>
      %bitcast3A_334 = vector.bitcast %get3A_329 : vector<16xf32> to vector<16xi32>
      %shift_right_arithmetic3A_335 = arith.constant 31 : i32
      %shift_right_arithmetic3A_336 = vector.broadcast %shift_right_arithmetic3A_335 : i32 to vector<16xi32>
      %shift_right_arithmetic3A_337 = arith.shrsi %bitcast3A_334, %shift_right_arithmetic3A_336 : vector<16xi32>
      %add3A_338 = arith.addi %scan3A_280, %shift_right_arithmetic3A_337 : vector<16xi32>
      %add3A_339 = arith.constant 64 : i32
      %add3A_340 = arith.addi %mul3A_282, %add3A_339 : i32
      %get3A_341 = arith.constant 0 : i32
      %get3A_342 = arith.index_cast %get3A_341 : i32 to index
      %get3A_343 = arith.index_cast %add3A_340 : i32 to index
      %get3A_344 = tpu.vector_load %arg4[%get3A_342, %get3A_343] {strides = array<i32>} : memref<8x7808xf32, #tpu.memory_space<vmem>>, vector<16xf32>,
      %min3A_345 = arith.constant 0.000000e+00 : f32
      %min3A_346 = vector.broadcast %min3A_345 : f32 to vector<16xf32>
      %min3A_347 = arith.minimumf %get3A_344, %min3A_346 : vector<16xf32>
      %add3A_348 = arith.addf %add3A_290, %min3A_347 : vector<16xf32>
      %bitcast3A_349 = vector.bitcast %get3A_344 : vector<16xf32> to vector<16xi32>
      %shift_right_arithmetic3A_350 = arith.constant 31 : i32
      %shift_right_arithmetic3A_351 = vector.broadcast %shift_right_arithmetic3A_350 : i32 to vector<16xi32>
      %shift_right_arithmetic3A_352 = arith.shrsi %bitcast3A_349, %shift_right_arithmetic3A_351 : vector<16xi32>
      %add3A_353 = arith.addi %add3A_293, %shift_right_arithmetic3A_352 : vector<16xi32>
      %add3A_354 = arith.constant 80 : i32
      %add3A_355 = arith.addi %mul3A_282, %add3A_354 : i32
      %get3A_356 = arith.constant 0 : i32
      %get3A_357 = arith.index_cast %get3A_356 : i32 to index
      %get3A_358 = arith.index_cast %add3A_355 : i32 to index
      %get3A_359 = tpu.vector_load %arg4[%get3A_357, %get3A_358] {strides = array<i32>} : memref<8x7808xf32, #tpu.memory_space<vmem>>, vector<16xf32>,
      %min3A_360 = arith.constant 0.000000e+00 : f32
      %min3A_361 = vector.broadcast %min3A_360 : f32 to vector<16xf32>
      %min3A_362 = arith.minimumf %get3A_359, %min3A_361 : vector<16xf32>
      %add3A_363 = arith.addf %add3A_303, %min3A_362 : vector<16xf32>
      %bitcast3A_364 = vector.bitcast %get3A_359 : vector<16xf32> to vector<16xi32>
      %shift_right_arithmetic3A_365 = arith.constant 31 : i32
      %shift_right_arithmetic3A_366 = vector.broadcast %shift_right_arithmetic3A_365 : i32 to vector<16xi32>
      %shift_right_arithmetic3A_367 = arith.shrsi %bitcast3A_364, %shift_right_arithmetic3A_366 : vector<16xi32>
      %add3A_368 = arith.addi %add3A_308, %shift_right_arithmetic3A_367 : vector<16xi32>
      %add3A_369 = arith.constant 96 : i32
      %add3A_370 = arith.addi %mul3A_282, %add3A_369 : i32
      %get3A_371 = arith.constant 0 : i32
      %get3A_372 = arith.index_cast %get3A_371 : i32 to index
      %get3A_373 = arith.index_cast %add3A_370 : i32 to index
      %get3A_374 = tpu.vector_load %arg4[%get3A_372, %get3A_373] {strides = array<i32>} : memref<8x7808xf32, #tpu.memory_space<vmem>>, vector<16xf32>,
      %min3A_375 = arith.constant 0.000000e+00 : f32
      %min3A_376 = vector.broadcast %min3A_375 : f32 to vector<16xf32>
      %min3A_377 = arith.minimumf %get3A_374, %min3A_376 : vector<16xf32>
      %add3A_378 = arith.addf %add3A_318, %min3A_377 : vector<16xf32>
      %bitcast3A_379 = vector.bitcast %get3A_374 : vector<16xf32> to vector<16xi32>
      %shift_right_arithmetic3A_380 = arith.constant 31 : i32
      %shift_right_arithmetic3A_381 = vector.broadcast %shift_right_arithmetic3A_380 : i32 to vector<16xi32>
      %shift_right_arithmetic3A_382 = arith.shrsi %bitcast3A_379, %shift_right_arithmetic3A_381 : vector<16xi32>
      %add3A_383 = arith.addi %add3A_323, %shift_right_arithmetic3A_382 : vector<16xi32>
      %add3A_384 = arith.constant 112 : i32
      %add3A_385 = arith.addi %mul3A_282, %add3A_384 : i32
      %get3A_386 = arith.constant 0 : i32
      %get3A_387 = arith.index_cast %get3A_386 : i32 to index
      %get3A_388 = arith.index_cast %add3A_385 : i32 to index
      %get3A_389 = tpu.vector_load %arg4[%get3A_387, %get3A_388] {strides = array<i32>} : memref<8x7808xf32, #tpu.memory_space<vmem>>, vector<16xf32>,
      %min3A_390 = arith.constant 0.000000e+00 : f32
      %min3A_391 = vector.broadcast %min3A_390 : f32 to vector<16xf32>
      %min3A_392 = arith.minimumf %get3A_389, %min3A_391 : vector<16xf32>
      %add3A_393 = arith.addf %add3A_333, %min3A_392 : vector<16xf32>
      %bitcast3A_394 = vector.bitcast %get3A_389 : vector<16xf32> to vector<16xi32>
      %shift_right_arithmetic3A_395 = arith.constant 31 : i32
      %shift_right_arithmetic3A_396 = vector.broadcast %shift_right_arithmetic3A_395 : i32 to vector<16xi32>
      %shift_right_arithmetic3A_397 = arith.shrsi %bitcast3A_394, %shift_right_arithmetic3A_396 : vector<16xi32>
      %add3A_398 = arith.addi %add3A_338, %shift_right_arithmetic3A_397 : vector<16xi32>
      scf.yield %add3A_348, %add3A_363, %add3A_378, %add3A_393, %add3A_353, %add3A_368, %add3A_383, %add3A_398 : vector<16xf32>, vector<16xf32>, vector<16xf32>, vector<16xf32>, vector<16xi32>, vector<16xi32>, vector<16xi32>, vector<16xi32>
    }
    %scan3A_129 = arith.constant 61 : i32
    %dma_wait3A_130 = arith.constant 1 : i32
    %dma_wait3A_131 = arith.constant 1 : i32
    %dma_wait3A_132 = arith.constant 0 : i32
    %dma_wait3A_133 = tpu.memref_slice %arg4[%dma_wait3A_130, %dma_wait3A_132] : memref<8x7808xf32, #tpu.memory_space<vmem>> -> memref<1x7808xf32, #tpu.memory_space<vmem>>
    %dma_wait3A_134 = tpu.memref_squeeze %dma_wait3A_133 : memref<1x7808xf32, #tpu.memory_space<vmem>> -> memref<7808xf32, #tpu.memory_space<vmem>>
    %dma_wait3A_135 = tpu.memref_slice %arg2[%add3A_14] : memref<1000000xf32, #tpu.memory_space<hbm>> -> memref<7808xf32, #tpu.memory_space<hbm>>
    %dma_wait3A_136 = tpu.memref_slice %arg13[%dma_wait3A_131] : memref<8x!tpu.dma_semaphore, #tpu.memory_space<semaphore_mem>> -> memref<1x!tpu.dma_semaphore, #tpu.memory_space<semaphore_mem>>
    %dma_wait3A_137 = tpu.memref_squeeze %dma_wait3A_136 : memref<1x!tpu.dma_semaphore, #tpu.memory_space<semaphore_mem>> -> memref<!tpu.dma_semaphore, #tpu.memory_space<semaphore_mem>>
    %dma_wait3A_138 = arith.constant 0 : i32
    %dma_wait3A_139 = tpu.memref_slice %arg4[%dma_wait3A_130, %dma_wait3A_138] : memref<8x7808xf32, #tpu.memory_space<vmem>> -> memref<1x7808xf32, #tpu.memory_space<vmem>>
    %dma_wait3A_140 = tpu.memref_squeeze %dma_wait3A_139 : memref<1x7808xf32, #tpu.memory_space<vmem>> -> memref<7808xf32, #tpu.memory_space<vmem>>
    %dma_wait3A_141 = tpu.memref_slice %arg2[%add3A_14] : memref<1000000xf32, #tpu.memory_space<hbm>> -> memref<7808xf32, #tpu.memory_space<hbm>>
    tpu.wait_dma2 semaphore(%dma_wait3A_137 : memref<!tpu.dma_semaphore, #tpu.memory_space<semaphore_mem>>) src(%dma_wait3A_141 : memref<7808xf32, #tpu.memory_space<hbm>>) dst(%dma_wait3A_140 : memref<7808xf32, #tpu.memory_space<vmem>>)
    %scan3A_142 = arith.constant 0 : i32
    %scan3A_143 = arith.constant 61 : i32
    %scan3A_144 = arith.addi %scan3A_142, %scan3A_143 : i32
    %scan3A_145 = arith.constant 1 : i32
    %scan3A_146:8 = scf.for %scan3A_272 = %scan3A_142 to %scan3A_144 step %scan3A_145 iter_args(%scan3A_273 = %scan3A_128#0, %scan3A_274 = %scan3A_128#1, %scan3A_275 = %scan3A_128#2, %scan3A_276 = %scan3A_128#3, %scan3A_277 = %scan3A_128#4, %scan3A_278 = %scan3A_128#5, %scan3A_279 = %scan3A_128#6, %scan3A_280 = %scan3A_128#7) -> (vector<16xf32>, vector<16xf32>, vector<16xf32>, vector<16xf32>, vector<16xi32>, vector<16xi32>, vector<16xi32>, vector<16xi32>)  : i32 {
      %mul3A_281 = arith.constant 128 : i32
      %mul3A_282 = arith.muli %scan3A_272, %mul3A_281 : i32
      %add3A_283 = arith.constant 0 : i32
      %add3A_284 = arith.addi %mul3A_282, %add3A_283 : i32
      %get3A = arith.constant 1 : i32
      %get3A_285 = arith.index_cast %get3A : i32 to index
      %get3A_286 = arith.index_cast %add3A_284 : i32 to index
      %get3A_287 = tpu.vector_load %arg4[%get3A_285, %get3A_286] {strides = array<i32>} : memref<8x7808xf32, #tpu.memory_space<vmem>>, vector<16xf32>,
      %min3A = arith.constant 0.000000e+00 : f32
      %min3A_288 = vector.broadcast %min3A : f32 to vector<16xf32>
      %min3A_289 = arith.minimumf %get3A_287, %min3A_288 : vector<16xf32>
      %add3A_290 = arith.addf %scan3A_273, %min3A_289 : vector<16xf32>
      %bitcast3A = vector.bitcast %get3A_287 : vector<16xf32> to vector<16xi32>
      %shift_right_arithmetic3A = arith.constant 31 : i32
      %shift_right_arithmetic3A_291 = vector.broadcast %shift_right_arithmetic3A : i32 to vector<16xi32>
      %shift_right_arithmetic3A_292 = arith.shrsi %bitcast3A, %shift_right_arithmetic3A_291 : vector<16xi32>
      %add3A_293 = arith.addi %scan3A_277, %shift_right_arithmetic3A_292 : vector<16xi32>
      %add3A_294 = arith.constant 16 : i32
      %add3A_295 = arith.addi %mul3A_282, %add3A_294 : i32
      %get3A_296 = arith.constant 1 : i32
      %get3A_297 = arith.index_cast %get3A_296 : i32 to index
      %get3A_298 = arith.index_cast %add3A_295 : i32 to index
      %get3A_299 = tpu.vector_load %arg4[%get3A_297, %get3A_298] {strides = array<i32>} : memref<8x7808xf32, #tpu.memory_space<vmem>>, vector<16xf32>,
      %min3A_300 = arith.constant 0.000000e+00 : f32
      %min3A_301 = vector.broadcast %min3A_300 : f32 to vector<16xf32>
      %min3A_302 = arith.minimumf %get3A_299, %min3A_301 : vector<16xf32>
      %add3A_303 = arith.addf %scan3A_274, %min3A_302 : vector<16xf32>
      %bitcast3A_304 = vector.bitcast %get3A_299 : vector<16xf32> to vector<16xi32>
      %shift_right_arithmetic3A_305 = arith.constant 31 : i32
      %shift_right_arithmetic3A_306 = vector.broadcast %shift_right_arithmetic3A_305 : i32 to vector<16xi32>
      %shift_right_arithmetic3A_307 = arith.shrsi %bitcast3A_304, %shift_right_arithmetic3A_306 : vector<16xi32>
      %add3A_308 = arith.addi %scan3A_278, %shift_right_arithmetic3A_307 : vector<16xi32>
      %add3A_309 = arith.constant 32 : i32
      %add3A_310 = arith.addi %mul3A_282, %add3A_309 : i32
      %get3A_311 = arith.constant 1 : i32
      %get3A_312 = arith.index_cast %get3A_311 : i32 to index
      %get3A_313 = arith.index_cast %add3A_310 : i32 to index
      %get3A_314 = tpu.vector_load %arg4[%get3A_312, %get3A_313] {strides = array<i32>} : memref<8x7808xf32, #tpu.memory_space<vmem>>, vector<16xf32>,
      %min3A_315 = arith.constant 0.000000e+00 : f32
      %min3A_316 = vector.broadcast %min3A_315 : f32 to vector<16xf32>
      %min3A_317 = arith.minimumf %get3A_314, %min3A_316 : vector<16xf32>
      %add3A_318 = arith.addf %scan3A_275, %min3A_317 : vector<16xf32>
      %bitcast3A_319 = vector.bitcast %get3A_314 : vector<16xf32> to vector<16xi32>
      %shift_right_arithmetic3A_320 = arith.constant 31 : i32
      %shift_right_arithmetic3A_321 = vector.broadcast %shift_right_arithmetic3A_320 : i32 to vector<16xi32>
      %shift_right_arithmetic3A_322 = arith.shrsi %bitcast3A_319, %shift_right_arithmetic3A_321 : vector<16xi32>
      %add3A_323 = arith.addi %scan3A_279, %shift_right_arithmetic3A_322 : vector<16xi32>
      %add3A_324 = arith.constant 48 : i32
      %add3A_325 = arith.addi %mul3A_282, %add3A_324 : i32
      %get3A_326 = arith.constant 1 : i32
      %get3A_327 = arith.index_cast %get3A_326 : i32 to index
      %get3A_328 = arith.index_cast %add3A_325 : i32 to index
      %get3A_329 = tpu.vector_load %arg4[%get3A_327, %get3A_328] {strides = array<i32>} : memref<8x7808xf32, #tpu.memory_space<vmem>>, vector<16xf32>,
      %min3A_330 = arith.constant 0.000000e+00 : f32
      %min3A_331 = vector.broadcast %min3A_330 : f32 to vector<16xf32>
      %min3A_332 = arith.minimumf %get3A_329, %min3A_331 : vector<16xf32>
      %add3A_333 = arith.addf %scan3A_276, %min3A_332 : vector<16xf32>
      %bitcast3A_334 = vector.bitcast %get3A_329 : vector<16xf32> to vector<16xi32>
      %shift_right_arithmetic3A_335 = arith.constant 31 : i32
      %shift_right_arithmetic3A_336 = vector.broadcast %shift_right_arithmetic3A_335 : i32 to vector<16xi32>
      %shift_right_arithmetic3A_337 = arith.shrsi %bitcast3A_334, %shift_right_arithmetic3A_336 : vector<16xi32>
      %add3A_338 = arith.addi %scan3A_280, %shift_right_arithmetic3A_337 : vector<16xi32>
      %add3A_339 = arith.constant 64 : i32
      %add3A_340 = arith.addi %mul3A_282, %add3A_339 : i32
      %get3A_341 = arith.constant 1 : i32
      %get3A_342 = arith.index_cast %get3A_341 : i32 to index
      %get3A_343 = arith.index_cast %add3A_340 : i32 to index
      %get3A_344 = tpu.vector_load %arg4[%get3A_342, %get3A_343] {strides = array<i32>} : memref<8x7808xf32, #tpu.memory_space<vmem>>, vector<16xf32>,
      %min3A_345 = arith.constant 0.000000e+00 : f32
      %min3A_346 = vector.broadcast %min3A_345 : f32 to vector<16xf32>
      %min3A_347 = arith.minimumf %get3A_344, %min3A_346 : vector<16xf32>
      %add3A_348 = arith.addf %add3A_290, %min3A_347 : vector<16xf32>
      %bitcast3A_349 = vector.bitcast %get3A_344 : vector<16xf32> to vector<16xi32>
      %shift_right_arithmetic3A_350 = arith.constant 31 : i32
      %shift_right_arithmetic3A_351 = vector.broadcast %shift_right_arithmetic3A_350 : i32 to vector<16xi32>
      %shift_right_arithmetic3A_352 = arith.shrsi %bitcast3A_349, %shift_right_arithmetic3A_351 : vector<16xi32>
      %add3A_353 = arith.addi %add3A_293, %shift_right_arithmetic3A_352 : vector<16xi32>
      %add3A_354 = arith.constant 80 : i32
      %add3A_355 = arith.addi %mul3A_282, %add3A_354 : i32
      %get3A_356 = arith.constant 1 : i32
      %get3A_357 = arith.index_cast %get3A_356 : i32 to index
      %get3A_358 = arith.index_cast %add3A_355 : i32 to index
      %get3A_359 = tpu.vector_load %arg4[%get3A_357, %get3A_358] {strides = array<i32>} : memref<8x7808xf32, #tpu.memory_space<vmem>>, vector<16xf32>,
      %min3A_360 = arith.constant 0.000000e+00 : f32
      %min3A_361 = vector.broadcast %min3A_360 : f32 to vector<16xf32>
      %min3A_362 = arith.minimumf %get3A_359, %min3A_361 : vector<16xf32>
      %add3A_363 = arith.addf %add3A_303, %min3A_362 : vector<16xf32>
      %bitcast3A_364 = vector.bitcast %get3A_359 : vector<16xf32> to vector<16xi32>
      %shift_right_arithmetic3A_365 = arith.constant 31 : i32
      %shift_right_arithmetic3A_366 = vector.broadcast %shift_right_arithmetic3A_365 : i32 to vector<16xi32>
      %shift_right_arithmetic3A_367 = arith.shrsi %bitcast3A_364, %shift_right_arithmetic3A_366 : vector<16xi32>
      %add3A_368 = arith.addi %add3A_308, %shift_right_arithmetic3A_367 : vector<16xi32>
      %add3A_369 = arith.constant 96 : i32
      %add3A_370 = arith.addi %mul3A_282, %add3A_369 : i32
      %get3A_371 = arith.constant 1 : i32
      %get3A_372 = arith.index_cast %get3A_371 : i32 to index
      %get3A_373 = arith.index_cast %add3A_370 : i32 to index
      %get3A_374 = tpu.vector_load %arg4[%get3A_372, %get3A_373] {strides = array<i32>} : memref<8x7808xf32, #tpu.memory_space<vmem>>, vector<16xf32>,
      %min3A_375 = arith.constant 0.000000e+00 : f32
      %min3A_376 = vector.broadcast %min3A_375 : f32 to vector<16xf32>
      %min3A_377 = arith.minimumf %get3A_374, %min3A_376 : vector<16xf32>
      %add3A_378 = arith.addf %add3A_318, %min3A_377 : vector<16xf32>
      %bitcast3A_379 = vector.bitcast %get3A_374 : vector<16xf32> to vector<16xi32>
      %shift_right_arithmetic3A_380 = arith.constant 31 : i32
      %shift_right_arithmetic3A_381 = vector.broadcast %shift_right_arithmetic3A_380 : i32 to vector<16xi32>
      %shift_right_arithmetic3A_382 = arith.shrsi %bitcast3A_379, %shift_right_arithmetic3A_381 : vector<16xi32>
      %add3A_383 = arith.addi %add3A_323, %shift_right_arithmetic3A_382 : vector<16xi32>
      %add3A_384 = arith.constant 112 : i32
      %add3A_385 = arith.addi %mul3A_282, %add3A_384 : i32
      %get3A_386 = arith.constant 1 : i32
      %get3A_387 = arith.index_cast %get3A_386 : i32 to index
      %get3A_388 = arith.index_cast %add3A_385 : i32 to index
      %get3A_389 = tpu.vector_load %arg4[%get3A_387, %get3A_388] {strides = array<i32>} : memref<8x7808xf32, #tpu.memory_space<vmem>>, vector<16xf32>,
      %min3A_390 = arith.constant 0.000000e+00 : f32
      %min3A_391 = vector.broadcast %min3A_390 : f32 to vector<16xf32>
      %min3A_392 = arith.minimumf %get3A_389, %min3A_391 : vector<16xf32>
      %add3A_393 = arith.addf %add3A_333, %min3A_392 : vector<16xf32>
      %bitcast3A_394 = vector.bitcast %get3A_389 : vector<16xf32> to vector<16xi32>
      %shift_right_arithmetic3A_395 = arith.constant 31 : i32
      %shift_right_arithmetic3A_396 = vector.broadcast %shift_right_arithmetic3A_395 : i32 to vector<16xi32>
      %shift_right_arithmetic3A_397 = arith.shrsi %bitcast3A_394, %shift_right_arithmetic3A_396 : vector<16xi32>
      %add3A_398 = arith.addi %add3A_338, %shift_right_arithmetic3A_397 : vector<16xi32>
      scf.yield %add3A_348, %add3A_363, %add3A_378, %add3A_393, %add3A_353, %add3A_368, %add3A_383, %add3A_398 : vector<16xf32>, vector<16xf32>, vector<16xf32>, vector<16xf32>, vector<16xi32>, vector<16xi32>, vector<16xi32>, vector<16xi32>
    }
    %scan3A_147 = arith.constant 61 : i32
    %dma_wait3A_148 = arith.constant 2 : i32
    %dma_wait3A_149 = arith.constant 2 : i32
    %dma_wait3A_150 = arith.constant 0 : i32
    %dma_wait3A_151 = tpu.memref_slice %arg4[%dma_wait3A_148, %dma_wait3A_150] : memref<8x7808xf32, #tpu.memory_space<vmem>> -> memref<1x7808xf32, #tpu.memory_space<vmem>>
    %dma_wait3A_152 = tpu.memref_squeeze %dma_wait3A_151 : memref<1x7808xf32, #tpu.memory_space<vmem>> -> memref<7808xf32, #tpu.memory_space<vmem>>
    %dma_wait3A_153 = tpu.memref_slice %arg2[%add3A_28] : memref<1000000xf32, #tpu.memory_space<hbm>> -> memref<7808xf32, #tpu.memory_space<hbm>>
    %dma_wait3A_154 = tpu.memref_slice %arg13[%dma_wait3A_149] : memref<8x!tpu.dma_semaphore, #tpu.memory_space<semaphore_mem>> -> memref<1x!tpu.dma_semaphore, #tpu.memory_space<semaphore_mem>>
    %dma_wait3A_155 = tpu.memref_squeeze %dma_wait3A_154 : memref<1x!tpu.dma_semaphore, #tpu.memory_space<semaphore_mem>> -> memref<!tpu.dma_semaphore, #tpu.memory_space<semaphore_mem>>
    %dma_wait3A_156 = arith.constant 0 : i32
    %dma_wait3A_157 = tpu.memref_slice %arg4[%dma_wait3A_148, %dma_wait3A_156] : memref<8x7808xf32, #tpu.memory_space<vmem>> -> memref<1x7808xf32, #tpu.memory_space<vmem>>
    %dma_wait3A_158 = tpu.memref_squeeze %dma_wait3A_157 : memref<1x7808xf32, #tpu.memory_space<vmem>> -> memref<7808xf32, #tpu.memory_space<vmem>>
    %dma_wait3A_159 = tpu.memref_slice %arg2[%add3A_28] : memref<1000000xf32, #tpu.memory_space<hbm>> -> memref<7808xf32, #tpu.memory_space<hbm>>
    tpu.wait_dma2 semaphore(%dma_wait3A_155 : memref<!tpu.dma_semaphore, #tpu.memory_space<semaphore_mem>>) src(%dma_wait3A_159 : memref<7808xf32, #tpu.memory_space<hbm>>) dst(%dma_wait3A_158 : memref<7808xf32, #tpu.memory_space<vmem>>)
    %scan3A_160 = arith.constant 0 : i32
    %scan3A_161 = arith.constant 61 : i32
    %scan3A_162 = arith.addi %scan3A_160, %scan3A_161 : i32
    %scan3A_163 = arith.constant 1 : i32
    %scan3A_164:8 = scf.for %scan3A_272 = %scan3A_160 to %scan3A_162 step %scan3A_163 iter_args(%scan3A_273 = %scan3A_146#0, %scan3A_274 = %scan3A_146#1, %scan3A_275 = %scan3A_146#2, %scan3A_276 = %scan3A_146#3, %scan3A_277 = %scan3A_146#4, %scan3A_278 = %scan3A_146#5, %scan3A_279 = %scan3A_146#6, %scan3A_280 = %scan3A_146#7) -> (vector<16xf32>, vector<16xf32>, vector<16xf32>, vector<16xf32>, vector<16xi32>, vector<16xi32>, vector<16xi32>, vector<16xi32>)  : i32 {
      %mul3A_281 = arith.constant 128 : i32
      %mul3A_282 = arith.muli %scan3A_272, %mul3A_281 : i32
      %add3A_283 = arith.constant 0 : i32
      %add3A_284 = arith.addi %mul3A_282, %add3A_283 : i32
      %get3A = arith.constant 2 : i32
      %get3A_285 = arith.index_cast %get3A : i32 to index
      %get3A_286 = arith.index_cast %add3A_284 : i32 to index
      %get3A_287 = tpu.vector_load %arg4[%get3A_285, %get3A_286] {strides = array<i32>} : memref<8x7808xf32, #tpu.memory_space<vmem>>, vector<16xf32>,
      %min3A = arith.constant 0.000000e+00 : f32
      %min3A_288 = vector.broadcast %min3A : f32 to vector<16xf32>
      %min3A_289 = arith.minimumf %get3A_287, %min3A_288 : vector<16xf32>
      %add3A_290 = arith.addf %scan3A_273, %min3A_289 : vector<16xf32>
      %bitcast3A = vector.bitcast %get3A_287 : vector<16xf32> to vector<16xi32>
      %shift_right_arithmetic3A = arith.constant 31 : i32
      %shift_right_arithmetic3A_291 = vector.broadcast %shift_right_arithmetic3A : i32 to vector<16xi32>
      %shift_right_arithmetic3A_292 = arith.shrsi %bitcast3A, %shift_right_arithmetic3A_291 : vector<16xi32>
      %add3A_293 = arith.addi %scan3A_277, %shift_right_arithmetic3A_292 : vector<16xi32>
      %add3A_294 = arith.constant 16 : i32
      %add3A_295 = arith.addi %mul3A_282, %add3A_294 : i32
      %get3A_296 = arith.constant 2 : i32
      %get3A_297 = arith.index_cast %get3A_296 : i32 to index
      %get3A_298 = arith.index_cast %add3A_295 : i32 to index
      %get3A_299 = tpu.vector_load %arg4[%get3A_297, %get3A_298] {strides = array<i32>} : memref<8x7808xf32, #tpu.memory_space<vmem>>, vector<16xf32>,
      %min3A_300 = arith.constant 0.000000e+00 : f32
      %min3A_301 = vector.broadcast %min3A_300 : f32 to vector<16xf32>
      %min3A_302 = arith.minimumf %get3A_299, %min3A_301 : vector<16xf32>
      %add3A_303 = arith.addf %scan3A_274, %min3A_302 : vector<16xf32>
      %bitcast3A_304 = vector.bitcast %get3A_299 : vector<16xf32> to vector<16xi32>
      %shift_right_arithmetic3A_305 = arith.constant 31 : i32
      %shift_right_arithmetic3A_306 = vector.broadcast %shift_right_arithmetic3A_305 : i32 to vector<16xi32>
      %shift_right_arithmetic3A_307 = arith.shrsi %bitcast3A_304, %shift_right_arithmetic3A_306 : vector<16xi32>
      %add3A_308 = arith.addi %scan3A_278, %shift_right_arithmetic3A_307 : vector<16xi32>
      %add3A_309 = arith.constant 32 : i32
      %add3A_310 = arith.addi %mul3A_282, %add3A_309 : i32
      %get3A_311 = arith.constant 2 : i32
      %get3A_312 = arith.index_cast %get3A_311 : i32 to index
      %get3A_313 = arith.index_cast %add3A_310 : i32 to index
      %get3A_314 = tpu.vector_load %arg4[%get3A_312, %get3A_313] {strides = array<i32>} : memref<8x7808xf32, #tpu.memory_space<vmem>>, vector<16xf32>,
      %min3A_315 = arith.constant 0.000000e+00 : f32
      %min3A_316 = vector.broadcast %min3A_315 : f32 to vector<16xf32>
      %min3A_317 = arith.minimumf %get3A_314, %min3A_316 : vector<16xf32>
      %add3A_318 = arith.addf %scan3A_275, %min3A_317 : vector<16xf32>
      %bitcast3A_319 = vector.bitcast %get3A_314 : vector<16xf32> to vector<16xi32>
      %shift_right_arithmetic3A_320 = arith.constant 31 : i32
      %shift_right_arithmetic3A_321 = vector.broadcast %shift_right_arithmetic3A_320 : i32 to vector<16xi32>
      %shift_right_arithmetic3A_322 = arith.shrsi %bitcast3A_319, %shift_right_arithmetic3A_321 : vector<16xi32>
      %add3A_323 = arith.addi %scan3A_279, %shift_right_arithmetic3A_322 : vector<16xi32>
      %add3A_324 = arith.constant 48 : i32
      %add3A_325 = arith.addi %mul3A_282, %add3A_324 : i32
      %get3A_326 = arith.constant 2 : i32
      %get3A_327 = arith.index_cast %get3A_326 : i32 to index
      %get3A_328 = arith.index_cast %add3A_325 : i32 to index
      %get3A_329 = tpu.vector_load %arg4[%get3A_327, %get3A_328] {strides = array<i32>} : memref<8x7808xf32, #tpu.memory_space<vmem>>, vector<16xf32>,
      %min3A_330 = arith.constant 0.000000e+00 : f32
      %min3A_331 = vector.broadcast %min3A_330 : f32 to vector<16xf32>
      %min3A_332 = arith.minimumf %get3A_329, %min3A_331 : vector<16xf32>
      %add3A_333 = arith.addf %scan3A_276, %min3A_332 : vector<16xf32>
      %bitcast3A_334 = vector.bitcast %get3A_329 : vector<16xf32> to vector<16xi32>
      %shift_right_arithmetic3A_335 = arith.constant 31 : i32
      %shift_right_arithmetic3A_336 = vector.broadcast %shift_right_arithmetic3A_335 : i32 to vector<16xi32>
      %shift_right_arithmetic3A_337 = arith.shrsi %bitcast3A_334, %shift_right_arithmetic3A_336 : vector<16xi32>
      %add3A_338 = arith.addi %scan3A_280, %shift_right_arithmetic3A_337 : vector<16xi32>
      %add3A_339 = arith.constant 64 : i32
      %add3A_340 = arith.addi %mul3A_282, %add3A_339 : i32
      %get3A_341 = arith.constant 2 : i32
      %get3A_342 = arith.index_cast %get3A_341 : i32 to index
      %get3A_343 = arith.index_cast %add3A_340 : i32 to index
      %get3A_344 = tpu.vector_load %arg4[%get3A_342, %get3A_343] {strides = array<i32>} : memref<8x7808xf32, #tpu.memory_space<vmem>>, vector<16xf32>,
      %min3A_345 = arith.constant 0.000000e+00 : f32
      %min3A_346 = vector.broadcast %min3A_345 : f32 to vector<16xf32>
      %min3A_347 = arith.minimumf %get3A_344, %min3A_346 : vector<16xf32>
      %add3A_348 = arith.addf %add3A_290, %min3A_347 : vector<16xf32>
      %bitcast3A_349 = vector.bitcast %get3A_344 : vector<16xf32> to vector<16xi32>
      %shift_right_arithmetic3A_350 = arith.constant 31 : i32
      %shift_right_arithmetic3A_351 = vector.broadcast %shift_right_arithmetic3A_350 : i32 to vector<16xi32>
      %shift_right_arithmetic3A_352 = arith.shrsi %bitcast3A_349, %shift_right_arithmetic3A_351 : vector<16xi32>
      %add3A_353 = arith.addi %add3A_293, %shift_right_arithmetic3A_352 : vector<16xi32>
      %add3A_354 = arith.constant 80 : i32
      %add3A_355 = arith.addi %mul3A_282, %add3A_354 : i32
      %get3A_356 = arith.constant 2 : i32
      %get3A_357 = arith.index_cast %get3A_356 : i32 to index
      %get3A_358 = arith.index_cast %add3A_355 : i32 to index
      %get3A_359 = tpu.vector_load %arg4[%get3A_357, %get3A_358] {strides = array<i32>} : memref<8x7808xf32, #tpu.memory_space<vmem>>, vector<16xf32>,
      %min3A_360 = arith.constant 0.000000e+00 : f32
      %min3A_361 = vector.broadcast %min3A_360 : f32 to vector<16xf32>
      %min3A_362 = arith.minimumf %get3A_359, %min3A_361 : vector<16xf32>
      %add3A_363 = arith.addf %add3A_303, %min3A_362 : vector<16xf32>
      %bitcast3A_364 = vector.bitcast %get3A_359 : vector<16xf32> to vector<16xi32>
      %shift_right_arithmetic3A_365 = arith.constant 31 : i32
      %shift_right_arithmetic3A_366 = vector.broadcast %shift_right_arithmetic3A_365 : i32 to vector<16xi32>
      %shift_right_arithmetic3A_367 = arith.shrsi %bitcast3A_364, %shift_right_arithmetic3A_366 : vector<16xi32>
      %add3A_368 = arith.addi %add3A_308, %shift_right_arithmetic3A_367 : vector<16xi32>
      %add3A_369 = arith.constant 96 : i32
      %add3A_370 = arith.addi %mul3A_282, %add3A_369 : i32
      %get3A_371 = arith.constant 2 : i32
      %get3A_372 = arith.index_cast %get3A_371 : i32 to index
      %get3A_373 = arith.index_cast %add3A_370 : i32 to index
      %get3A_374 = tpu.vector_load %arg4[%get3A_372, %get3A_373] {strides = array<i32>} : memref<8x7808xf32, #tpu.memory_space<vmem>>, vector<16xf32>,
      %min3A_375 = arith.constant 0.000000e+00 : f32
      %min3A_376 = vector.broadcast %min3A_375 : f32 to vector<16xf32>
      %min3A_377 = arith.minimumf %get3A_374, %min3A_376 : vector<16xf32>
      %add3A_378 = arith.addf %add3A_318, %min3A_377 : vector<16xf32>
      %bitcast3A_379 = vector.bitcast %get3A_374 : vector<16xf32> to vector<16xi32>
      %shift_right_arithmetic3A_380 = arith.constant 31 : i32
      %shift_right_arithmetic3A_381 = vector.broadcast %shift_right_arithmetic3A_380 : i32 to vector<16xi32>
      %shift_right_arithmetic3A_382 = arith.shrsi %bitcast3A_379, %shift_right_arithmetic3A_381 : vector<16xi32>
      %add3A_383 = arith.addi %add3A_323, %shift_right_arithmetic3A_382 : vector<16xi32>
      %add3A_384 = arith.constant 112 : i32
      %add3A_385 = arith.addi %mul3A_282, %add3A_384 : i32
      %get3A_386 = arith.constant 2 : i32
      %get3A_387 = arith.index_cast %get3A_386 : i32 to index
      %get3A_388 = arith.index_cast %add3A_385 : i32 to index
      %get3A_389 = tpu.vector_load %arg4[%get3A_387, %get3A_388] {strides = array<i32>} : memref<8x7808xf32, #tpu.memory_space<vmem>>, vector<16xf32>,
      %min3A_390 = arith.constant 0.000000e+00 : f32
      %min3A_391 = vector.broadcast %min3A_390 : f32 to vector<16xf32>
      %min3A_392 = arith.minimumf %get3A_389, %min3A_391 : vector<16xf32>
      %add3A_393 = arith.addf %add3A_333, %min3A_392 : vector<16xf32>
      %bitcast3A_394 = vector.bitcast %get3A_389 : vector<16xf32> to vector<16xi32>
      %shift_right_arithmetic3A_395 = arith.constant 31 : i32
      %shift_right_arithmetic3A_396 = vector.broadcast %shift_right_arithmetic3A_395 : i32 to vector<16xi32>
      %shift_right_arithmetic3A_397 = arith.shrsi %bitcast3A_394, %shift_right_arithmetic3A_396 : vector<16xi32>
      %add3A_398 = arith.addi %add3A_338, %shift_right_arithmetic3A_397 : vector<16xi32>
      scf.yield %add3A_348, %add3A_363, %add3A_378, %add3A_393, %add3A_353, %add3A_368, %add3A_383, %add3A_398 : vector<16xf32>, vector<16xf32>, vector<16xf32>, vector<16xf32>, vector<16xi32>, vector<16xi32>, vector<16xi32>, vector<16xi32>
    }
    %scan3A_165 = arith.constant 61 : i32
    %dma_wait3A_166 = arith.constant 3 : i32
    %dma_wait3A_167 = arith.constant 3 : i32
    %dma_wait3A_168 = arith.constant 0 : i32
    %dma_wait3A_169 = tpu.memref_slice %arg4[%dma_wait3A_166, %dma_wait3A_168] : memref<8x7808xf32, #tpu.memory_space<vmem>> -> memref<1x7808xf32, #tpu.memory_space<vmem>>
    %dma_wait3A_170 = tpu.memref_squeeze %dma_wait3A_169 : memref<1x7808xf32, #tpu.memory_space<vmem>> -> memref<7808xf32, #tpu.memory_space<vmem>>
    %dma_wait3A_171 = tpu.memref_slice %arg2[%add3A_42] : memref<1000000xf32, #tpu.memory_space<hbm>> -> memref<7808xf32, #tpu.memory_space<hbm>>
    %dma_wait3A_172 = tpu.memref_slice %arg13[%dma_wait3A_167] : memref<8x!tpu.dma_semaphore, #tpu.memory_space<semaphore_mem>> -> memref<1x!tpu.dma_semaphore, #tpu.memory_space<semaphore_mem>>
    %dma_wait3A_173 = tpu.memref_squeeze %dma_wait3A_172 : memref<1x!tpu.dma_semaphore, #tpu.memory_space<semaphore_mem>> -> memref<!tpu.dma_semaphore, #tpu.memory_space<semaphore_mem>>
    %dma_wait3A_174 = arith.constant 0 : i32
    %dma_wait3A_175 = tpu.memref_slice %arg4[%dma_wait3A_166, %dma_wait3A_174] : memref<8x7808xf32, #tpu.memory_space<vmem>> -> memref<1x7808xf32, #tpu.memory_space<vmem>>
    %dma_wait3A_176 = tpu.memref_squeeze %dma_wait3A_175 : memref<1x7808xf32, #tpu.memory_space<vmem>> -> memref<7808xf32, #tpu.memory_space<vmem>>
    %dma_wait3A_177 = tpu.memref_slice %arg2[%add3A_42] : memref<1000000xf32, #tpu.memory_space<hbm>> -> memref<7808xf32, #tpu.memory_space<hbm>>
    tpu.wait_dma2 semaphore(%dma_wait3A_173 : memref<!tpu.dma_semaphore, #tpu.memory_space<semaphore_mem>>) src(%dma_wait3A_177 : memref<7808xf32, #tpu.memory_space<hbm>>) dst(%dma_wait3A_176 : memref<7808xf32, #tpu.memory_space<vmem>>)
    %scan3A_178 = arith.constant 0 : i32
    %scan3A_179 = arith.constant 61 : i32
    %scan3A_180 = arith.addi %scan3A_178, %scan3A_179 : i32
    %scan3A_181 = arith.constant 1 : i32
    %scan3A_182:8 = scf.for %scan3A_272 = %scan3A_178 to %scan3A_180 step %scan3A_181 iter_args(%scan3A_273 = %scan3A_164#0, %scan3A_274 = %scan3A_164#1, %scan3A_275 = %scan3A_164#2, %scan3A_276 = %scan3A_164#3, %scan3A_277 = %scan3A_164#4, %scan3A_278 = %scan3A_164#5, %scan3A_279 = %scan3A_164#6, %scan3A_280 = %scan3A_164#7) -> (vector<16xf32>, vector<16xf32>, vector<16xf32>, vector<16xf32>, vector<16xi32>, vector<16xi32>, vector<16xi32>, vector<16xi32>)  : i32 {
      %mul3A_281 = arith.constant 128 : i32
      %mul3A_282 = arith.muli %scan3A_272, %mul3A_281 : i32
      %add3A_283 = arith.constant 0 : i32
      %add3A_284 = arith.addi %mul3A_282, %add3A_283 : i32
      %get3A = arith.constant 3 : i32
      %get3A_285 = arith.index_cast %get3A : i32 to index
      %get3A_286 = arith.index_cast %add3A_284 : i32 to index
      %get3A_287 = tpu.vector_load %arg4[%get3A_285, %get3A_286] {strides = array<i32>} : memref<8x7808xf32, #tpu.memory_space<vmem>>, vector<16xf32>,
      %min3A = arith.constant 0.000000e+00 : f32
      %min3A_288 = vector.broadcast %min3A : f32 to vector<16xf32>
      %min3A_289 = arith.minimumf %get3A_287, %min3A_288 : vector<16xf32>
      %add3A_290 = arith.addf %scan3A_273, %min3A_289 : vector<16xf32>
      %bitcast3A = vector.bitcast %get3A_287 : vector<16xf32> to vector<16xi32>
      %shift_right_arithmetic3A = arith.constant 31 : i32
      %shift_right_arithmetic3A_291 = vector.broadcast %shift_right_arithmetic3A : i32 to vector<16xi32>
      %shift_right_arithmetic3A_292 = arith.shrsi %bitcast3A, %shift_right_arithmetic3A_291 : vector<16xi32>
      %add3A_293 = arith.addi %scan3A_277, %shift_right_arithmetic3A_292 : vector<16xi32>
      %add3A_294 = arith.constant 16 : i32
      %add3A_295 = arith.addi %mul3A_282, %add3A_294 : i32
      %get3A_296 = arith.constant 3 : i32
      %get3A_297 = arith.index_cast %get3A_296 : i32 to index
      %get3A_298 = arith.index_cast %add3A_295 : i32 to index
      %get3A_299 = tpu.vector_load %arg4[%get3A_297, %get3A_298] {strides = array<i32>} : memref<8x7808xf32, #tpu.memory_space<vmem>>, vector<16xf32>,
      %min3A_300 = arith.constant 0.000000e+00 : f32
      %min3A_301 = vector.broadcast %min3A_300 : f32 to vector<16xf32>
      %min3A_302 = arith.minimumf %get3A_299, %min3A_301 : vector<16xf32>
      %add3A_303 = arith.addf %scan3A_274, %min3A_302 : vector<16xf32>
      %bitcast3A_304 = vector.bitcast %get3A_299 : vector<16xf32> to vector<16xi32>
      %shift_right_arithmetic3A_305 = arith.constant 31 : i32
      %shift_right_arithmetic3A_306 = vector.broadcast %shift_right_arithmetic3A_305 : i32 to vector<16xi32>
      %shift_right_arithmetic3A_307 = arith.shrsi %bitcast3A_304, %shift_right_arithmetic3A_306 : vector<16xi32>
      %add3A_308 = arith.addi %scan3A_278, %shift_right_arithmetic3A_307 : vector<16xi32>
      %add3A_309 = arith.constant 32 : i32
      %add3A_310 = arith.addi %mul3A_282, %add3A_309 : i32
      %get3A_311 = arith.constant 3 : i32
      %get3A_312 = arith.index_cast %get3A_311 : i32 to index
      %get3A_313 = arith.index_cast %add3A_310 : i32 to index
      %get3A_314 = tpu.vector_load %arg4[%get3A_312, %get3A_313] {strides = array<i32>} : memref<8x7808xf32, #tpu.memory_space<vmem>>, vector<16xf32>,
      %min3A_315 = arith.constant 0.000000e+00 : f32
      %min3A_316 = vector.broadcast %min3A_315 : f32 to vector<16xf32>
      %min3A_317 = arith.minimumf %get3A_314, %min3A_316 : vector<16xf32>
      %add3A_318 = arith.addf %scan3A_275, %min3A_317 : vector<16xf32>
      %bitcast3A_319 = vector.bitcast %get3A_314 : vector<16xf32> to vector<16xi32>
      %shift_right_arithmetic3A_320 = arith.constant 31 : i32
      %shift_right_arithmetic3A_321 = vector.broadcast %shift_right_arithmetic3A_320 : i32 to vector<16xi32>
      %shift_right_arithmetic3A_322 = arith.shrsi %bitcast3A_319, %shift_right_arithmetic3A_321 : vector<16xi32>
      %add3A_323 = arith.addi %scan3A_279, %shift_right_arithmetic3A_322 : vector<16xi32>
      %add3A_324 = arith.constant 48 : i32
      %add3A_325 = arith.addi %mul3A_282, %add3A_324 : i32
      %get3A_326 = arith.constant 3 : i32
      %get3A_327 = arith.index_cast %get3A_326 : i32 to index
      %get3A_328 = arith.index_cast %add3A_325 : i32 to index
      %get3A_329 = tpu.vector_load %arg4[%get3A_327, %get3A_328] {strides = array<i32>} : memref<8x7808xf32, #tpu.memory_space<vmem>>, vector<16xf32>,
      %min3A_330 = arith.constant 0.000000e+00 : f32
      %min3A_331 = vector.broadcast %min3A_330 : f32 to vector<16xf32>
      %min3A_332 = arith.minimumf %get3A_329, %min3A_331 : vector<16xf32>
      %add3A_333 = arith.addf %scan3A_276, %min3A_332 : vector<16xf32>
      %bitcast3A_334 = vector.bitcast %get3A_329 : vector<16xf32> to vector<16xi32>
      %shift_right_arithmetic3A_335 = arith.constant 31 : i32
      %shift_right_arithmetic3A_336 = vector.broadcast %shift_right_arithmetic3A_335 : i32 to vector<16xi32>
      %shift_right_arithmetic3A_337 = arith.shrsi %bitcast3A_334, %shift_right_arithmetic3A_336 : vector<16xi32>
      %add3A_338 = arith.addi %scan3A_280, %shift_right_arithmetic3A_337 : vector<16xi32>
      %add3A_339 = arith.constant 64 : i32
      %add3A_340 = arith.addi %mul3A_282, %add3A_339 : i32
      %get3A_341 = arith.constant 3 : i32
      %get3A_342 = arith.index_cast %get3A_341 : i32 to index
      %get3A_343 = arith.index_cast %add3A_340 : i32 to index
      %get3A_344 = tpu.vector_load %arg4[%get3A_342, %get3A_343] {strides = array<i32>} : memref<8x7808xf32, #tpu.memory_space<vmem>>, vector<16xf32>,
      %min3A_345 = arith.constant 0.000000e+00 : f32
      %min3A_346 = vector.broadcast %min3A_345 : f32 to vector<16xf32>
      %min3A_347 = arith.minimumf %get3A_344, %min3A_346 : vector<16xf32>
      %add3A_348 = arith.addf %add3A_290, %min3A_347 : vector<16xf32>
      %bitcast3A_349 = vector.bitcast %get3A_344 : vector<16xf32> to vector<16xi32>
      %shift_right_arithmetic3A_350 = arith.constant 31 : i32
      %shift_right_arithmetic3A_351 = vector.broadcast %shift_right_arithmetic3A_350 : i32 to vector<16xi32>
      %shift_right_arithmetic3A_352 = arith.shrsi %bitcast3A_349, %shift_right_arithmetic3A_351 : vector<16xi32>
      %add3A_353 = arith.addi %add3A_293, %shift_right_arithmetic3A_352 : vector<16xi32>
      %add3A_354 = arith.constant 80 : i32
      %add3A_355 = arith.addi %mul3A_282, %add3A_354 : i32
      %get3A_356 = arith.constant 3 : i32
      %get3A_357 = arith.index_cast %get3A_356 : i32 to index
      %get3A_358 = arith.index_cast %add3A_355 : i32 to index
      %get3A_359 = tpu.vector_load %arg4[%get3A_357, %get3A_358] {strides = array<i32>} : memref<8x7808xf32, #tpu.memory_space<vmem>>, vector<16xf32>,
      %min3A_360 = arith.constant 0.000000e+00 : f32
      %min3A_361 = vector.broadcast %min3A_360 : f32 to vector<16xf32>
      %min3A_362 = arith.minimumf %get3A_359, %min3A_361 : vector<16xf32>
      %add3A_363 = arith.addf %add3A_303, %min3A_362 : vector<16xf32>
      %bitcast3A_364 = vector.bitcast %get3A_359 : vector<16xf32> to vector<16xi32>
      %shift_right_arithmetic3A_365 = arith.constant 31 : i32
      %shift_right_arithmetic3A_366 = vector.broadcast %shift_right_arithmetic3A_365 : i32 to vector<16xi32>
      %shift_right_arithmetic3A_367 = arith.shrsi %bitcast3A_364, %shift_right_arithmetic3A_366 : vector<16xi32>
      %add3A_368 = arith.addi %add3A_308, %shift_right_arithmetic3A_367 : vector<16xi32>
      %add3A_369 = arith.constant 96 : i32
      %add3A_370 = arith.addi %mul3A_282, %add3A_369 : i32
      %get3A_371 = arith.constant 3 : i32
      %get3A_372 = arith.index_cast %get3A_371 : i32 to index
      %get3A_373 = arith.index_cast %add3A_370 : i32 to index
      %get3A_374 = tpu.vector_load %arg4[%get3A_372, %get3A_373] {strides = array<i32>} : memref<8x7808xf32, #tpu.memory_space<vmem>>, vector<16xf32>,
      %min3A_375 = arith.constant 0.000000e+00 : f32
      %min3A_376 = vector.broadcast %min3A_375 : f32 to vector<16xf32>
      %min3A_377 = arith.minimumf %get3A_374, %min3A_376 : vector<16xf32>
      %add3A_378 = arith.addf %add3A_318, %min3A_377 : vector<16xf32>
      %bitcast3A_379 = vector.bitcast %get3A_374 : vector<16xf32> to vector<16xi32>
      %shift_right_arithmetic3A_380 = arith.constant 31 : i32
      %shift_right_arithmetic3A_381 = vector.broadcast %shift_right_arithmetic3A_380 : i32 to vector<16xi32>
      %shift_right_arithmetic3A_382 = arith.shrsi %bitcast3A_379, %shift_right_arithmetic3A_381 : vector<16xi32>
      %add3A_383 = arith.addi %add3A_323, %shift_right_arithmetic3A_382 : vector<16xi32>
      %add3A_384 = arith.constant 112 : i32
      %add3A_385 = arith.addi %mul3A_282, %add3A_384 : i32
      %get3A_386 = arith.constant 3 : i32
      %get3A_387 = arith.index_cast %get3A_386 : i32 to index
      %get3A_388 = arith.index_cast %add3A_385 : i32 to index
      %get3A_389 = tpu.vector_load %arg4[%get3A_387, %get3A_388] {strides = array<i32>} : memref<8x7808xf32, #tpu.memory_space<vmem>>, vector<16xf32>,
      %min3A_390 = arith.constant 0.000000e+00 : f32
      %min3A_391 = vector.broadcast %min3A_390 : f32 to vector<16xf32>
      %min3A_392 = arith.minimumf %get3A_389, %min3A_391 : vector<16xf32>
      %add3A_393 = arith.addf %add3A_333, %min3A_392 : vector<16xf32>
      %bitcast3A_394 = vector.bitcast %get3A_389 : vector<16xf32> to vector<16xi32>
      %shift_right_arithmetic3A_395 = arith.constant 31 : i32
      %shift_right_arithmetic3A_396 = vector.broadcast %shift_right_arithmetic3A_395 : i32 to vector<16xi32>
      %shift_right_arithmetic3A_397 = arith.shrsi %bitcast3A_394, %shift_right_arithmetic3A_396 : vector<16xi32>
      %add3A_398 = arith.addi %add3A_338, %shift_right_arithmetic3A_397 : vector<16xi32>
      scf.yield %add3A_348, %add3A_363, %add3A_378, %add3A_393, %add3A_353, %add3A_368, %add3A_383, %add3A_398 : vector<16xf32>, vector<16xf32>, vector<16xf32>, vector<16xf32>, vector<16xi32>, vector<16xi32>, vector<16xi32>, vector<16xi32>
    }
    %scan3A_183 = arith.constant 61 : i32
    %dma_wait3A_184 = arith.constant 4 : i32
    %dma_wait3A_185 = arith.constant 4 : i32
    %dma_wait3A_186 = arith.constant 0 : i32
    %dma_wait3A_187 = tpu.memref_slice %arg4[%dma_wait3A_184, %dma_wait3A_186] : memref<8x7808xf32, #tpu.memory_space<vmem>> -> memref<1x7808xf32, #tpu.memory_space<vmem>>
    %dma_wait3A_188 = tpu.memref_squeeze %dma_wait3A_187 : memref<1x7808xf32, #tpu.memory_space<vmem>> -> memref<7808xf32, #tpu.memory_space<vmem>>
    %dma_wait3A_189 = tpu.memref_slice %arg2[%add3A_56] : memref<1000000xf32, #tpu.memory_space<hbm>> -> memref<7808xf32, #tpu.memory_space<hbm>>
    %dma_wait3A_190 = tpu.memref_slice %arg13[%dma_wait3A_185] : memref<8x!tpu.dma_semaphore, #tpu.memory_space<semaphore_mem>> -> memref<1x!tpu.dma_semaphore, #tpu.memory_space<semaphore_mem>>
    %dma_wait3A_191 = tpu.memref_squeeze %dma_wait3A_190 : memref<1x!tpu.dma_semaphore, #tpu.memory_space<semaphore_mem>> -> memref<!tpu.dma_semaphore, #tpu.memory_space<semaphore_mem>>
    %dma_wait3A_192 = arith.constant 0 : i32
    %dma_wait3A_193 = tpu.memref_slice %arg4[%dma_wait3A_184, %dma_wait3A_192] : memref<8x7808xf32, #tpu.memory_space<vmem>> -> memref<1x7808xf32, #tpu.memory_space<vmem>>
    %dma_wait3A_194 = tpu.memref_squeeze %dma_wait3A_193 : memref<1x7808xf32, #tpu.memory_space<vmem>> -> memref<7808xf32, #tpu.memory_space<vmem>>
    %dma_wait3A_195 = tpu.memref_slice %arg2[%add3A_56] : memref<1000000xf32, #tpu.memory_space<hbm>> -> memref<7808xf32, #tpu.memory_space<hbm>>
    tpu.wait_dma2 semaphore(%dma_wait3A_191 : memref<!tpu.dma_semaphore, #tpu.memory_space<semaphore_mem>>) src(%dma_wait3A_195 : memref<7808xf32, #tpu.memory_space<hbm>>) dst(%dma_wait3A_194 : memref<7808xf32, #tpu.memory_space<vmem>>)
    %scan3A_196 = arith.constant 0 : i32
    %scan3A_197 = arith.constant 61 : i32
    %scan3A_198 = arith.addi %scan3A_196, %scan3A_197 : i32
    %scan3A_199 = arith.constant 1 : i32
    %scan3A_200:8 = scf.for %scan3A_272 = %scan3A_196 to %scan3A_198 step %scan3A_199 iter_args(%scan3A_273 = %scan3A_182#0, %scan3A_274 = %scan3A_182#1, %scan3A_275 = %scan3A_182#2, %scan3A_276 = %scan3A_182#3, %scan3A_277 = %scan3A_182#4, %scan3A_278 = %scan3A_182#5, %scan3A_279 = %scan3A_182#6, %scan3A_280 = %scan3A_182#7) -> (vector<16xf32>, vector<16xf32>, vector<16xf32>, vector<16xf32>, vector<16xi32>, vector<16xi32>, vector<16xi32>, vector<16xi32>)  : i32 {
      %mul3A_281 = arith.constant 128 : i32
      %mul3A_282 = arith.muli %scan3A_272, %mul3A_281 : i32
      %add3A_283 = arith.constant 0 : i32
      %add3A_284 = arith.addi %mul3A_282, %add3A_283 : i32
      %get3A = arith.constant 4 : i32
      %get3A_285 = arith.index_cast %get3A : i32 to index
      %get3A_286 = arith.index_cast %add3A_284 : i32 to index
      %get3A_287 = tpu.vector_load %arg4[%get3A_285, %get3A_286] {strides = array<i32>} : memref<8x7808xf32, #tpu.memory_space<vmem>>, vector<16xf32>,
      %min3A = arith.constant 0.000000e+00 : f32
      %min3A_288 = vector.broadcast %min3A : f32 to vector<16xf32>
      %min3A_289 = arith.minimumf %get3A_287, %min3A_288 : vector<16xf32>
      %add3A_290 = arith.addf %scan3A_273, %min3A_289 : vector<16xf32>
      %bitcast3A = vector.bitcast %get3A_287 : vector<16xf32> to vector<16xi32>
      %shift_right_arithmetic3A = arith.constant 31 : i32
      %shift_right_arithmetic3A_291 = vector.broadcast %shift_right_arithmetic3A : i32 to vector<16xi32>
      %shift_right_arithmetic3A_292 = arith.shrsi %bitcast3A, %shift_right_arithmetic3A_291 : vector<16xi32>
      %add3A_293 = arith.addi %scan3A_277, %shift_right_arithmetic3A_292 : vector<16xi32>
      %add3A_294 = arith.constant 16 : i32
      %add3A_295 = arith.addi %mul3A_282, %add3A_294 : i32
      %get3A_296 = arith.constant 4 : i32
      %get3A_297 = arith.index_cast %get3A_296 : i32 to index
      %get3A_298 = arith.index_cast %add3A_295 : i32 to index
      %get3A_299 = tpu.vector_load %arg4[%get3A_297, %get3A_298] {strides = array<i32>} : memref<8x7808xf32, #tpu.memory_space<vmem>>, vector<16xf32>,
      %min3A_300 = arith.constant 0.000000e+00 : f32
      %min3A_301 = vector.broadcast %min3A_300 : f32 to vector<16xf32>
      %min3A_302 = arith.minimumf %get3A_299, %min3A_301 : vector<16xf32>
      %add3A_303 = arith.addf %scan3A_274, %min3A_302 : vector<16xf32>
      %bitcast3A_304 = vector.bitcast %get3A_299 : vector<16xf32> to vector<16xi32>
      %shift_right_arithmetic3A_305 = arith.constant 31 : i32
      %shift_right_arithmetic3A_306 = vector.broadcast %shift_right_arithmetic3A_305 : i32 to vector<16xi32>
      %shift_right_arithmetic3A_307 = arith.shrsi %bitcast3A_304, %shift_right_arithmetic3A_306 : vector<16xi32>
      %add3A_308 = arith.addi %scan3A_278, %shift_right_arithmetic3A_307 : vector<16xi32>
      %add3A_309 = arith.constant 32 : i32
      %add3A_310 = arith.addi %mul3A_282, %add3A_309 : i32
      %get3A_311 = arith.constant 4 : i32
      %get3A_312 = arith.index_cast %get3A_311 : i32 to index
      %get3A_313 = arith.index_cast %add3A_310 : i32 to index
      %get3A_314 = tpu.vector_load %arg4[%get3A_312, %get3A_313] {strides = array<i32>} : memref<8x7808xf32, #tpu.memory_space<vmem>>, vector<16xf32>,
      %min3A_315 = arith.constant 0.000000e+00 : f32
      %min3A_316 = vector.broadcast %min3A_315 : f32 to vector<16xf32>
      %min3A_317 = arith.minimumf %get3A_314, %min3A_316 : vector<16xf32>
      %add3A_318 = arith.addf %scan3A_275, %min3A_317 : vector<16xf32>
      %bitcast3A_319 = vector.bitcast %get3A_314 : vector<16xf32> to vector<16xi32>
      %shift_right_arithmetic3A_320 = arith.constant 31 : i32
      %shift_right_arithmetic3A_321 = vector.broadcast %shift_right_arithmetic3A_320 : i32 to vector<16xi32>
      %shift_right_arithmetic3A_322 = arith.shrsi %bitcast3A_319, %shift_right_arithmetic3A_321 : vector<16xi32>
      %add3A_323 = arith.addi %scan3A_279, %shift_right_arithmetic3A_322 : vector<16xi32>
      %add3A_324 = arith.constant 48 : i32
      %add3A_325 = arith.addi %mul3A_282, %add3A_324 : i32
      %get3A_326 = arith.constant 4 : i32
      %get3A_327 = arith.index_cast %get3A_326 : i32 to index
      %get3A_328 = arith.index_cast %add3A_325 : i32 to index
      %get3A_329 = tpu.vector_load %arg4[%get3A_327, %get3A_328] {strides = array<i32>} : memref<8x7808xf32, #tpu.memory_space<vmem>>, vector<16xf32>,
      %min3A_330 = arith.constant 0.000000e+00 : f32
      %min3A_331 = vector.broadcast %min3A_330 : f32 to vector<16xf32>
      %min3A_332 = arith.minimumf %get3A_329, %min3A_331 : vector<16xf32>
      %add3A_333 = arith.addf %scan3A_276, %min3A_332 : vector<16xf32>
      %bitcast3A_334 = vector.bitcast %get3A_329 : vector<16xf32> to vector<16xi32>
      %shift_right_arithmetic3A_335 = arith.constant 31 : i32
      %shift_right_arithmetic3A_336 = vector.broadcast %shift_right_arithmetic3A_335 : i32 to vector<16xi32>
      %shift_right_arithmetic3A_337 = arith.shrsi %bitcast3A_334, %shift_right_arithmetic3A_336 : vector<16xi32>
      %add3A_338 = arith.addi %scan3A_280, %shift_right_arithmetic3A_337 : vector<16xi32>
      %add3A_339 = arith.constant 64 : i32
      %add3A_340 = arith.addi %mul3A_282, %add3A_339 : i32
      %get3A_341 = arith.constant 4 : i32
      %get3A_342 = arith.index_cast %get3A_341 : i32 to index
      %get3A_343 = arith.index_cast %add3A_340 : i32 to index
      %get3A_344 = tpu.vector_load %arg4[%get3A_342, %get3A_343] {strides = array<i32>} : memref<8x7808xf32, #tpu.memory_space<vmem>>, vector<16xf32>,
      %min3A_345 = arith.constant 0.000000e+00 : f32
      %min3A_346 = vector.broadcast %min3A_345 : f32 to vector<16xf32>
      %min3A_347 = arith.minimumf %get3A_344, %min3A_346 : vector<16xf32>
      %add3A_348 = arith.addf %add3A_290, %min3A_347 : vector<16xf32>
      %bitcast3A_349 = vector.bitcast %get3A_344 : vector<16xf32> to vector<16xi32>
      %shift_right_arithmetic3A_350 = arith.constant 31 : i32
      %shift_right_arithmetic3A_351 = vector.broadcast %shift_right_arithmetic3A_350 : i32 to vector<16xi32>
      %shift_right_arithmetic3A_352 = arith.shrsi %bitcast3A_349, %shift_right_arithmetic3A_351 : vector<16xi32>
      %add3A_353 = arith.addi %add3A_293, %shift_right_arithmetic3A_352 : vector<16xi32>
      %add3A_354 = arith.constant 80 : i32
      %add3A_355 = arith.addi %mul3A_282, %add3A_354 : i32
      %get3A_356 = arith.constant 4 : i32
      %get3A_357 = arith.index_cast %get3A_356 : i32 to index
      %get3A_358 = arith.index_cast %add3A_355 : i32 to index
      %get3A_359 = tpu.vector_load %arg4[%get3A_357, %get3A_358] {strides = array<i32>} : memref<8x7808xf32, #tpu.memory_space<vmem>>, vector<16xf32>,
      %min3A_360 = arith.constant 0.000000e+00 : f32
      %min3A_361 = vector.broadcast %min3A_360 : f32 to vector<16xf32>
      %min3A_362 = arith.minimumf %get3A_359, %min3A_361 : vector<16xf32>
      %add3A_363 = arith.addf %add3A_303, %min3A_362 : vector<16xf32>
      %bitcast3A_364 = vector.bitcast %get3A_359 : vector<16xf32> to vector<16xi32>
      %shift_right_arithmetic3A_365 = arith.constant 31 : i32
      %shift_right_arithmetic3A_366 = vector.broadcast %shift_right_arithmetic3A_365 : i32 to vector<16xi32>
      %shift_right_arithmetic3A_367 = arith.shrsi %bitcast3A_364, %shift_right_arithmetic3A_366 : vector<16xi32>
      %add3A_368 = arith.addi %add3A_308, %shift_right_arithmetic3A_367 : vector<16xi32>
      %add3A_369 = arith.constant 96 : i32
      %add3A_370 = arith.addi %mul3A_282, %add3A_369 : i32
      %get3A_371 = arith.constant 4 : i32
      %get3A_372 = arith.index_cast %get3A_371 : i32 to index
      %get3A_373 = arith.index_cast %add3A_370 : i32 to index
      %get3A_374 = tpu.vector_load %arg4[%get3A_372, %get3A_373] {strides = array<i32>} : memref<8x7808xf32, #tpu.memory_space<vmem>>, vector<16xf32>,
      %min3A_375 = arith.constant 0.000000e+00 : f32
      %min3A_376 = vector.broadcast %min3A_375 : f32 to vector<16xf32>
      %min3A_377 = arith.minimumf %get3A_374, %min3A_376 : vector<16xf32>
      %add3A_378 = arith.addf %add3A_318, %min3A_377 : vector<16xf32>
      %bitcast3A_379 = vector.bitcast %get3A_374 : vector<16xf32> to vector<16xi32>
      %shift_right_arithmetic3A_380 = arith.constant 31 : i32
      %shift_right_arithmetic3A_381 = vector.broadcast %shift_right_arithmetic3A_380 : i32 to vector<16xi32>
      %shift_right_arithmetic3A_382 = arith.shrsi %bitcast3A_379, %shift_right_arithmetic3A_381 : vector<16xi32>
      %add3A_383 = arith.addi %add3A_323, %shift_right_arithmetic3A_382 : vector<16xi32>
      %add3A_384 = arith.constant 112 : i32
      %add3A_385 = arith.addi %mul3A_282, %add3A_384 : i32
      %get3A_386 = arith.constant 4 : i32
      %get3A_387 = arith.index_cast %get3A_386 : i32 to index
      %get3A_388 = arith.index_cast %add3A_385 : i32 to index
      %get3A_389 = tpu.vector_load %arg4[%get3A_387, %get3A_388] {strides = array<i32>} : memref<8x7808xf32, #tpu.memory_space<vmem>>, vector<16xf32>,
      %min3A_390 = arith.constant 0.000000e+00 : f32
      %min3A_391 = vector.broadcast %min3A_390 : f32 to vector<16xf32>
      %min3A_392 = arith.minimumf %get3A_389, %min3A_391 : vector<16xf32>
      %add3A_393 = arith.addf %add3A_333, %min3A_392 : vector<16xf32>
      %bitcast3A_394 = vector.bitcast %get3A_389 : vector<16xf32> to vector<16xi32>
      %shift_right_arithmetic3A_395 = arith.constant 31 : i32
      %shift_right_arithmetic3A_396 = vector.broadcast %shift_right_arithmetic3A_395 : i32 to vector<16xi32>
      %shift_right_arithmetic3A_397 = arith.shrsi %bitcast3A_394, %shift_right_arithmetic3A_396 : vector<16xi32>
      %add3A_398 = arith.addi %add3A_338, %shift_right_arithmetic3A_397 : vector<16xi32>
      scf.yield %add3A_348, %add3A_363, %add3A_378, %add3A_393, %add3A_353, %add3A_368, %add3A_383, %add3A_398 : vector<16xf32>, vector<16xf32>, vector<16xf32>, vector<16xf32>, vector<16xi32>, vector<16xi32>, vector<16xi32>, vector<16xi32>
    }
    %scan3A_201 = arith.constant 61 : i32
    %dma_wait3A_202 = arith.constant 5 : i32
    %dma_wait3A_203 = arith.constant 5 : i32
    %dma_wait3A_204 = arith.constant 0 : i32
    %dma_wait3A_205 = tpu.memref_slice %arg4[%dma_wait3A_202, %dma_wait3A_204] : memref<8x7808xf32, #tpu.memory_space<vmem>> -> memref<1x7808xf32, #tpu.memory_space<vmem>>
    %dma_wait3A_206 = tpu.memref_squeeze %dma_wait3A_205 : memref<1x7808xf32, #tpu.memory_space<vmem>> -> memref<7808xf32, #tpu.memory_space<vmem>>
    %dma_wait3A_207 = tpu.memref_slice %arg2[%add3A_70] : memref<1000000xf32, #tpu.memory_space<hbm>> -> memref<7808xf32, #tpu.memory_space<hbm>>
    %dma_wait3A_208 = tpu.memref_slice %arg13[%dma_wait3A_203] : memref<8x!tpu.dma_semaphore, #tpu.memory_space<semaphore_mem>> -> memref<1x!tpu.dma_semaphore, #tpu.memory_space<semaphore_mem>>
    %dma_wait3A_209 = tpu.memref_squeeze %dma_wait3A_208 : memref<1x!tpu.dma_semaphore, #tpu.memory_space<semaphore_mem>> -> memref<!tpu.dma_semaphore, #tpu.memory_space<semaphore_mem>>
    %dma_wait3A_210 = arith.constant 0 : i32
    %dma_wait3A_211 = tpu.memref_slice %arg4[%dma_wait3A_202, %dma_wait3A_210] : memref<8x7808xf32, #tpu.memory_space<vmem>> -> memref<1x7808xf32, #tpu.memory_space<vmem>>
    %dma_wait3A_212 = tpu.memref_squeeze %dma_wait3A_211 : memref<1x7808xf32, #tpu.memory_space<vmem>> -> memref<7808xf32, #tpu.memory_space<vmem>>
    %dma_wait3A_213 = tpu.memref_slice %arg2[%add3A_70] : memref<1000000xf32, #tpu.memory_space<hbm>> -> memref<7808xf32, #tpu.memory_space<hbm>>
    tpu.wait_dma2 semaphore(%dma_wait3A_209 : memref<!tpu.dma_semaphore, #tpu.memory_space<semaphore_mem>>) src(%dma_wait3A_213 : memref<7808xf32, #tpu.memory_space<hbm>>) dst(%dma_wait3A_212 : memref<7808xf32, #tpu.memory_space<vmem>>)
    %scan3A_214 = arith.constant 0 : i32
    %scan3A_215 = arith.constant 61 : i32
    %scan3A_216 = arith.addi %scan3A_214, %scan3A_215 : i32
    %scan3A_217 = arith.constant 1 : i32
    %scan3A_218:8 = scf.for %scan3A_272 = %scan3A_214 to %scan3A_216 step %scan3A_217 iter_args(%scan3A_273 = %scan3A_200#0, %scan3A_274 = %scan3A_200#1, %scan3A_275 = %scan3A_200#2, %scan3A_276 = %scan3A_200#3, %scan3A_277 = %scan3A_200#4, %scan3A_278 = %scan3A_200#5, %scan3A_279 = %scan3A_200#6, %scan3A_280 = %scan3A_200#7) -> (vector<16xf32>, vector<16xf32>, vector<16xf32>, vector<16xf32>, vector<16xi32>, vector<16xi32>, vector<16xi32>, vector<16xi32>)  : i32 {
      %mul3A_281 = arith.constant 128 : i32
      %mul3A_282 = arith.muli %scan3A_272, %mul3A_281 : i32
      %add3A_283 = arith.constant 0 : i32
      %add3A_284 = arith.addi %mul3A_282, %add3A_283 : i32
      %get3A = arith.constant 5 : i32
      %get3A_285 = arith.index_cast %get3A : i32 to index
      %get3A_286 = arith.index_cast %add3A_284 : i32 to index
      %get3A_287 = tpu.vector_load %arg4[%get3A_285, %get3A_286] {strides = array<i32>} : memref<8x7808xf32, #tpu.memory_space<vmem>>, vector<16xf32>,
      %min3A = arith.constant 0.000000e+00 : f32
      %min3A_288 = vector.broadcast %min3A : f32 to vector<16xf32>
      %min3A_289 = arith.minimumf %get3A_287, %min3A_288 : vector<16xf32>
      %add3A_290 = arith.addf %scan3A_273, %min3A_289 : vector<16xf32>
      %bitcast3A = vector.bitcast %get3A_287 : vector<16xf32> to vector<16xi32>
      %shift_right_arithmetic3A = arith.constant 31 : i32
      %shift_right_arithmetic3A_291 = vector.broadcast %shift_right_arithmetic3A : i32 to vector<16xi32>
      %shift_right_arithmetic3A_292 = arith.shrsi %bitcast3A, %shift_right_arithmetic3A_291 : vector<16xi32>
      %add3A_293 = arith.addi %scan3A_277, %shift_right_arithmetic3A_292 : vector<16xi32>
      %add3A_294 = arith.constant 16 : i32
      %add3A_295 = arith.addi %mul3A_282, %add3A_294 : i32
      %get3A_296 = arith.constant 5 : i32
      %get3A_297 = arith.index_cast %get3A_296 : i32 to index
      %get3A_298 = arith.index_cast %add3A_295 : i32 to index
      %get3A_299 = tpu.vector_load %arg4[%get3A_297, %get3A_298] {strides = array<i32>} : memref<8x7808xf32, #tpu.memory_space<vmem>>, vector<16xf32>,
      %min3A_300 = arith.constant 0.000000e+00 : f32
      %min3A_301 = vector.broadcast %min3A_300 : f32 to vector<16xf32>
      %min3A_302 = arith.minimumf %get3A_299, %min3A_301 : vector<16xf32>
      %add3A_303 = arith.addf %scan3A_274, %min3A_302 : vector<16xf32>
      %bitcast3A_304 = vector.bitcast %get3A_299 : vector<16xf32> to vector<16xi32>
      %shift_right_arithmetic3A_305 = arith.constant 31 : i32
      %shift_right_arithmetic3A_306 = vector.broadcast %shift_right_arithmetic3A_305 : i32 to vector<16xi32>
      %shift_right_arithmetic3A_307 = arith.shrsi %bitcast3A_304, %shift_right_arithmetic3A_306 : vector<16xi32>
      %add3A_308 = arith.addi %scan3A_278, %shift_right_arithmetic3A_307 : vector<16xi32>
      %add3A_309 = arith.constant 32 : i32
      %add3A_310 = arith.addi %mul3A_282, %add3A_309 : i32
      %get3A_311 = arith.constant 5 : i32
      %get3A_312 = arith.index_cast %get3A_311 : i32 to index
      %get3A_313 = arith.index_cast %add3A_310 : i32 to index
      %get3A_314 = tpu.vector_load %arg4[%get3A_312, %get3A_313] {strides = array<i32>} : memref<8x7808xf32, #tpu.memory_space<vmem>>, vector<16xf32>,
      %min3A_315 = arith.constant 0.000000e+00 : f32
      %min3A_316 = vector.broadcast %min3A_315 : f32 to vector<16xf32>
      %min3A_317 = arith.minimumf %get3A_314, %min3A_316 : vector<16xf32>
      %add3A_318 = arith.addf %scan3A_275, %min3A_317 : vector<16xf32>
      %bitcast3A_319 = vector.bitcast %get3A_314 : vector<16xf32> to vector<16xi32>
      %shift_right_arithmetic3A_320 = arith.constant 31 : i32
      %shift_right_arithmetic3A_321 = vector.broadcast %shift_right_arithmetic3A_320 : i32 to vector<16xi32>
      %shift_right_arithmetic3A_322 = arith.shrsi %bitcast3A_319, %shift_right_arithmetic3A_321 : vector<16xi32>
      %add3A_323 = arith.addi %scan3A_279, %shift_right_arithmetic3A_322 : vector<16xi32>
      %add3A_324 = arith.constant 48 : i32
      %add3A_325 = arith.addi %mul3A_282, %add3A_324 : i32
      %get3A_326 = arith.constant 5 : i32
      %get3A_327 = arith.index_cast %get3A_326 : i32 to index
      %get3A_328 = arith.index_cast %add3A_325 : i32 to index
      %get3A_329 = tpu.vector_load %arg4[%get3A_327, %get3A_328] {strides = array<i32>} : memref<8x7808xf32, #tpu.memory_space<vmem>>, vector<16xf32>,
      %min3A_330 = arith.constant 0.000000e+00 : f32
      %min3A_331 = vector.broadcast %min3A_330 : f32 to vector<16xf32>
      %min3A_332 = arith.minimumf %get3A_329, %min3A_331 : vector<16xf32>
      %add3A_333 = arith.addf %scan3A_276, %min3A_332 : vector<16xf32>
      %bitcast3A_334 = vector.bitcast %get3A_329 : vector<16xf32> to vector<16xi32>
      %shift_right_arithmetic3A_335 = arith.constant 31 : i32
      %shift_right_arithmetic3A_336 = vector.broadcast %shift_right_arithmetic3A_335 : i32 to vector<16xi32>
      %shift_right_arithmetic3A_337 = arith.shrsi %bitcast3A_334, %shift_right_arithmetic3A_336 : vector<16xi32>
      %add3A_338 = arith.addi %scan3A_280, %shift_right_arithmetic3A_337 : vector<16xi32>
      %add3A_339 = arith.constant 64 : i32
      %add3A_340 = arith.addi %mul3A_282, %add3A_339 : i32
      %get3A_341 = arith.constant 5 : i32
      %get3A_342 = arith.index_cast %get3A_341 : i32 to index
      %get3A_343 = arith.index_cast %add3A_340 : i32 to index
      %get3A_344 = tpu.vector_load %arg4[%get3A_342, %get3A_343] {strides = array<i32>} : memref<8x7808xf32, #tpu.memory_space<vmem>>, vector<16xf32>,
      %min3A_345 = arith.constant 0.000000e+00 : f32
      %min3A_346 = vector.broadcast %min3A_345 : f32 to vector<16xf32>
      %min3A_347 = arith.minimumf %get3A_344, %min3A_346 : vector<16xf32>
      %add3A_348 = arith.addf %add3A_290, %min3A_347 : vector<16xf32>
      %bitcast3A_349 = vector.bitcast %get3A_344 : vector<16xf32> to vector<16xi32>
      %shift_right_arithmetic3A_350 = arith.constant 31 : i32
      %shift_right_arithmetic3A_351 = vector.broadcast %shift_right_arithmetic3A_350 : i32 to vector<16xi32>
      %shift_right_arithmetic3A_352 = arith.shrsi %bitcast3A_349, %shift_right_arithmetic3A_351 : vector<16xi32>
      %add3A_353 = arith.addi %add3A_293, %shift_right_arithmetic3A_352 : vector<16xi32>
      %add3A_354 = arith.constant 80 : i32
      %add3A_355 = arith.addi %mul3A_282, %add3A_354 : i32
      %get3A_356 = arith.constant 5 : i32
      %get3A_357 = arith.index_cast %get3A_356 : i32 to index
      %get3A_358 = arith.index_cast %add3A_355 : i32 to index
      %get3A_359 = tpu.vector_load %arg4[%get3A_357, %get3A_358] {strides = array<i32>} : memref<8x7808xf32, #tpu.memory_space<vmem>>, vector<16xf32>,
      %min3A_360 = arith.constant 0.000000e+00 : f32
      %min3A_361 = vector.broadcast %min3A_360 : f32 to vector<16xf32>
      %min3A_362 = arith.minimumf %get3A_359, %min3A_361 : vector<16xf32>
      %add3A_363 = arith.addf %add3A_303, %min3A_362 : vector<16xf32>
      %bitcast3A_364 = vector.bitcast %get3A_359 : vector<16xf32> to vector<16xi32>
      %shift_right_arithmetic3A_365 = arith.constant 31 : i32
      %shift_right_arithmetic3A_366 = vector.broadcast %shift_right_arithmetic3A_365 : i32 to vector<16xi32>
      %shift_right_arithmetic3A_367 = arith.shrsi %bitcast3A_364, %shift_right_arithmetic3A_366 : vector<16xi32>
      %add3A_368 = arith.addi %add3A_308, %shift_right_arithmetic3A_367 : vector<16xi32>
      %add3A_369 = arith.constant 96 : i32
      %add3A_370 = arith.addi %mul3A_282, %add3A_369 : i32
      %get3A_371 = arith.constant 5 : i32
      %get3A_372 = arith.index_cast %get3A_371 : i32 to index
      %get3A_373 = arith.index_cast %add3A_370 : i32 to index
      %get3A_374 = tpu.vector_load %arg4[%get3A_372, %get3A_373] {strides = array<i32>} : memref<8x7808xf32, #tpu.memory_space<vmem>>, vector<16xf32>,
      %min3A_375 = arith.constant 0.000000e+00 : f32
      %min3A_376 = vector.broadcast %min3A_375 : f32 to vector<16xf32>
      %min3A_377 = arith.minimumf %get3A_374, %min3A_376 : vector<16xf32>
      %add3A_378 = arith.addf %add3A_318, %min3A_377 : vector<16xf32>
      %bitcast3A_379 = vector.bitcast %get3A_374 : vector<16xf32> to vector<16xi32>
      %shift_right_arithmetic3A_380 = arith.constant 31 : i32
      %shift_right_arithmetic3A_381 = vector.broadcast %shift_right_arithmetic3A_380 : i32 to vector<16xi32>
      %shift_right_arithmetic3A_382 = arith.shrsi %bitcast3A_379, %shift_right_arithmetic3A_381 : vector<16xi32>
      %add3A_383 = arith.addi %add3A_323, %shift_right_arithmetic3A_382 : vector<16xi32>
      %add3A_384 = arith.constant 112 : i32
      %add3A_385 = arith.addi %mul3A_282, %add3A_384 : i32
      %get3A_386 = arith.constant 5 : i32
      %get3A_387 = arith.index_cast %get3A_386 : i32 to index
      %get3A_388 = arith.index_cast %add3A_385 : i32 to index
      %get3A_389 = tpu.vector_load %arg4[%get3A_387, %get3A_388] {strides = array<i32>} : memref<8x7808xf32, #tpu.memory_space<vmem>>, vector<16xf32>,
      %min3A_390 = arith.constant 0.000000e+00 : f32
      %min3A_391 = vector.broadcast %min3A_390 : f32 to vector<16xf32>
      %min3A_392 = arith.minimumf %get3A_389, %min3A_391 : vector<16xf32>
      %add3A_393 = arith.addf %add3A_333, %min3A_392 : vector<16xf32>
      %bitcast3A_394 = vector.bitcast %get3A_389 : vector<16xf32> to vector<16xi32>
      %shift_right_arithmetic3A_395 = arith.constant 31 : i32
      %shift_right_arithmetic3A_396 = vector.broadcast %shift_right_arithmetic3A_395 : i32 to vector<16xi32>
      %shift_right_arithmetic3A_397 = arith.shrsi %bitcast3A_394, %shift_right_arithmetic3A_396 : vector<16xi32>
      %add3A_398 = arith.addi %add3A_338, %shift_right_arithmetic3A_397 : vector<16xi32>
      scf.yield %add3A_348, %add3A_363, %add3A_378, %add3A_393, %add3A_353, %add3A_368, %add3A_383, %add3A_398 : vector<16xf32>, vector<16xf32>, vector<16xf32>, vector<16xf32>, vector<16xi32>, vector<16xi32>, vector<16xi32>, vector<16xi32>
    }
    %scan3A_219 = arith.constant 61 : i32
    %dma_wait3A_220 = arith.constant 6 : i32
    %dma_wait3A_221 = arith.constant 6 : i32
    %dma_wait3A_222 = arith.constant 0 : i32
    %dma_wait3A_223 = tpu.memref_slice %arg4[%dma_wait3A_220, %dma_wait3A_222] : memref<8x7808xf32, #tpu.memory_space<vmem>> -> memref<1x7808xf32, #tpu.memory_space<vmem>>
    %dma_wait3A_224 = tpu.memref_squeeze %dma_wait3A_223 : memref<1x7808xf32, #tpu.memory_space<vmem>> -> memref<7808xf32, #tpu.memory_space<vmem>>
    %dma_wait3A_225 = tpu.memref_slice %arg2[%add3A_84] : memref<1000000xf32, #tpu.memory_space<hbm>> -> memref<7808xf32, #tpu.memory_space<hbm>>
    %dma_wait3A_226 = tpu.memref_slice %arg13[%dma_wait3A_221] : memref<8x!tpu.dma_semaphore, #tpu.memory_space<semaphore_mem>> -> memref<1x!tpu.dma_semaphore, #tpu.memory_space<semaphore_mem>>
    %dma_wait3A_227 = tpu.memref_squeeze %dma_wait3A_226 : memref<1x!tpu.dma_semaphore, #tpu.memory_space<semaphore_mem>> -> memref<!tpu.dma_semaphore, #tpu.memory_space<semaphore_mem>>
    %dma_wait3A_228 = arith.constant 0 : i32
    %dma_wait3A_229 = tpu.memref_slice %arg4[%dma_wait3A_220, %dma_wait3A_228] : memref<8x7808xf32, #tpu.memory_space<vmem>> -> memref<1x7808xf32, #tpu.memory_space<vmem>>
    %dma_wait3A_230 = tpu.memref_squeeze %dma_wait3A_229 : memref<1x7808xf32, #tpu.memory_space<vmem>> -> memref<7808xf32, #tpu.memory_space<vmem>>
    %dma_wait3A_231 = tpu.memref_slice %arg2[%add3A_84] : memref<1000000xf32, #tpu.memory_space<hbm>> -> memref<7808xf32, #tpu.memory_space<hbm>>
    tpu.wait_dma2 semaphore(%dma_wait3A_227 : memref<!tpu.dma_semaphore, #tpu.memory_space<semaphore_mem>>) src(%dma_wait3A_231 : memref<7808xf32, #tpu.memory_space<hbm>>) dst(%dma_wait3A_230 : memref<7808xf32, #tpu.memory_space<vmem>>)
    %scan3A_232 = arith.constant 0 : i32
    %scan3A_233 = arith.constant 61 : i32
    %scan3A_234 = arith.addi %scan3A_232, %scan3A_233 : i32
    %scan3A_235 = arith.constant 1 : i32
    %scan3A_236:8 = scf.for %scan3A_272 = %scan3A_232 to %scan3A_234 step %scan3A_235 iter_args(%scan3A_273 = %scan3A_218#0, %scan3A_274 = %scan3A_218#1, %scan3A_275 = %scan3A_218#2, %scan3A_276 = %scan3A_218#3, %scan3A_277 = %scan3A_218#4, %scan3A_278 = %scan3A_218#5, %scan3A_279 = %scan3A_218#6, %scan3A_280 = %scan3A_218#7) -> (vector<16xf32>, vector<16xf32>, vector<16xf32>, vector<16xf32>, vector<16xi32>, vector<16xi32>, vector<16xi32>, vector<16xi32>)  : i32 {
      %mul3A_281 = arith.constant 128 : i32
      %mul3A_282 = arith.muli %scan3A_272, %mul3A_281 : i32
      %add3A_283 = arith.constant 0 : i32
      %add3A_284 = arith.addi %mul3A_282, %add3A_283 : i32
      %get3A = arith.constant 6 : i32
      %get3A_285 = arith.index_cast %get3A : i32 to index
      %get3A_286 = arith.index_cast %add3A_284 : i32 to index
      %get3A_287 = tpu.vector_load %arg4[%get3A_285, %get3A_286] {strides = array<i32>} : memref<8x7808xf32, #tpu.memory_space<vmem>>, vector<16xf32>,
      %min3A = arith.constant 0.000000e+00 : f32
      %min3A_288 = vector.broadcast %min3A : f32 to vector<16xf32>
      %min3A_289 = arith.minimumf %get3A_287, %min3A_288 : vector<16xf32>
      %add3A_290 = arith.addf %scan3A_273, %min3A_289 : vector<16xf32>
      %bitcast3A = vector.bitcast %get3A_287 : vector<16xf32> to vector<16xi32>
      %shift_right_arithmetic3A = arith.constant 31 : i32
      %shift_right_arithmetic3A_291 = vector.broadcast %shift_right_arithmetic3A : i32 to vector<16xi32>
      %shift_right_arithmetic3A_292 = arith.shrsi %bitcast3A, %shift_right_arithmetic3A_291 : vector<16xi32>
      %add3A_293 = arith.addi %scan3A_277, %shift_right_arithmetic3A_292 : vector<16xi32>
      %add3A_294 = arith.constant 16 : i32
      %add3A_295 = arith.addi %mul3A_282, %add3A_294 : i32
      %get3A_296 = arith.constant 6 : i32
      %get3A_297 = arith.index_cast %get3A_296 : i32 to index
      %get3A_298 = arith.index_cast %add3A_295 : i32 to index
      %get3A_299 = tpu.vector_load %arg4[%get3A_297, %get3A_298] {strides = array<i32>} : memref<8x7808xf32, #tpu.memory_space<vmem>>, vector<16xf32>,
      %min3A_300 = arith.constant 0.000000e+00 : f32
      %min3A_301 = vector.broadcast %min3A_300 : f32 to vector<16xf32>
      %min3A_302 = arith.minimumf %get3A_299, %min3A_301 : vector<16xf32>
      %add3A_303 = arith.addf %scan3A_274, %min3A_302 : vector<16xf32>
      %bitcast3A_304 = vector.bitcast %get3A_299 : vector<16xf32> to vector<16xi32>
      %shift_right_arithmetic3A_305 = arith.constant 31 : i32
      %shift_right_arithmetic3A_306 = vector.broadcast %shift_right_arithmetic3A_305 : i32 to vector<16xi32>
      %shift_right_arithmetic3A_307 = arith.shrsi %bitcast3A_304, %shift_right_arithmetic3A_306 : vector<16xi32>
      %add3A_308 = arith.addi %scan3A_278, %shift_right_arithmetic3A_307 : vector<16xi32>
      %add3A_309 = arith.constant 32 : i32
      %add3A_310 = arith.addi %mul3A_282, %add3A_309 : i32
      %get3A_311 = arith.constant 6 : i32
      %get3A_312 = arith.index_cast %get3A_311 : i32 to index
      %get3A_313 = arith.index_cast %add3A_310 : i32 to index
      %get3A_314 = tpu.vector_load %arg4[%get3A_312, %get3A_313] {strides = array<i32>} : memref<8x7808xf32, #tpu.memory_space<vmem>>, vector<16xf32>,
      %min3A_315 = arith.constant 0.000000e+00 : f32
      %min3A_316 = vector.broadcast %min3A_315 : f32 to vector<16xf32>
      %min3A_317 = arith.minimumf %get3A_314, %min3A_316 : vector<16xf32>
      %add3A_318 = arith.addf %scan3A_275, %min3A_317 : vector<16xf32>
      %bitcast3A_319 = vector.bitcast %get3A_314 : vector<16xf32> to vector<16xi32>
      %shift_right_arithmetic3A_320 = arith.constant 31 : i32
      %shift_right_arithmetic3A_321 = vector.broadcast %shift_right_arithmetic3A_320 : i32 to vector<16xi32>
      %shift_right_arithmetic3A_322 = arith.shrsi %bitcast3A_319, %shift_right_arithmetic3A_321 : vector<16xi32>
      %add3A_323 = arith.addi %scan3A_279, %shift_right_arithmetic3A_322 : vector<16xi32>
      %add3A_324 = arith.constant 48 : i32
      %add3A_325 = arith.addi %mul3A_282, %add3A_324 : i32
      %get3A_326 = arith.constant 6 : i32
      %get3A_327 = arith.index_cast %get3A_326 : i32 to index
      %get3A_328 = arith.index_cast %add3A_325 : i32 to index
      %get3A_329 = tpu.vector_load %arg4[%get3A_327, %get3A_328] {strides = array<i32>} : memref<8x7808xf32, #tpu.memory_space<vmem>>, vector<16xf32>,
      %min3A_330 = arith.constant 0.000000e+00 : f32
      %min3A_331 = vector.broadcast %min3A_330 : f32 to vector<16xf32>
      %min3A_332 = arith.minimumf %get3A_329, %min3A_331 : vector<16xf32>
      %add3A_333 = arith.addf %scan3A_276, %min3A_332 : vector<16xf32>
      %bitcast3A_334 = vector.bitcast %get3A_329 : vector<16xf32> to vector<16xi32>
      %shift_right_arithmetic3A_335 = arith.constant 31 : i32
      %shift_right_arithmetic3A_336 = vector.broadcast %shift_right_arithmetic3A_335 : i32 to vector<16xi32>
      %shift_right_arithmetic3A_337 = arith.shrsi %bitcast3A_334, %shift_right_arithmetic3A_336 : vector<16xi32>
      %add3A_338 = arith.addi %scan3A_280, %shift_right_arithmetic3A_337 : vector<16xi32>
      %add3A_339 = arith.constant 64 : i32
      %add3A_340 = arith.addi %mul3A_282, %add3A_339 : i32
      %get3A_341 = arith.constant 6 : i32
      %get3A_342 = arith.index_cast %get3A_341 : i32 to index
      %get3A_343 = arith.index_cast %add3A_340 : i32 to index
      %get3A_344 = tpu.vector_load %arg4[%get3A_342, %get3A_343] {strides = array<i32>} : memref<8x7808xf32, #tpu.memory_space<vmem>>, vector<16xf32>,
      %min3A_345 = arith.constant 0.000000e+00 : f32
      %min3A_346 = vector.broadcast %min3A_345 : f32 to vector<16xf32>
      %min3A_347 = arith.minimumf %get3A_344, %min3A_346 : vector<16xf32>
      %add3A_348 = arith.addf %add3A_290, %min3A_347 : vector<16xf32>
      %bitcast3A_349 = vector.bitcast %get3A_344 : vector<16xf32> to vector<16xi32>
      %shift_right_arithmetic3A_350 = arith.constant 31 : i32
      %shift_right_arithmetic3A_351 = vector.broadcast %shift_right_arithmetic3A_350 : i32 to vector<16xi32>
      %shift_right_arithmetic3A_352 = arith.shrsi %bitcast3A_349, %shift_right_arithmetic3A_351 : vector<16xi32>
      %add3A_353 = arith.addi %add3A_293, %shift_right_arithmetic3A_352 : vector<16xi32>
      %add3A_354 = arith.constant 80 : i32
      %add3A_355 = arith.addi %mul3A_282, %add3A_354 : i32
      %get3A_356 = arith.constant 6 : i32
      %get3A_357 = arith.index_cast %get3A_356 : i32 to index
      %get3A_358 = arith.index_cast %add3A_355 : i32 to index
      %get3A_359 = tpu.vector_load %arg4[%get3A_357, %get3A_358] {strides = array<i32>} : memref<8x7808xf32, #tpu.memory_space<vmem>>, vector<16xf32>,
      %min3A_360 = arith.constant 0.000000e+00 : f32
      %min3A_361 = vector.broadcast %min3A_360 : f32 to vector<16xf32>
      %min3A_362 = arith.minimumf %get3A_359, %min3A_361 : vector<16xf32>
      %add3A_363 = arith.addf %add3A_303, %min3A_362 : vector<16xf32>
      %bitcast3A_364 = vector.bitcast %get3A_359 : vector<16xf32> to vector<16xi32>
      %shift_right_arithmetic3A_365 = arith.constant 31 : i32
      %shift_right_arithmetic3A_366 = vector.broadcast %shift_right_arithmetic3A_365 : i32 to vector<16xi32>
      %shift_right_arithmetic3A_367 = arith.shrsi %bitcast3A_364, %shift_right_arithmetic3A_366 : vector<16xi32>
      %add3A_368 = arith.addi %add3A_308, %shift_right_arithmetic3A_367 : vector<16xi32>
      %add3A_369 = arith.constant 96 : i32
      %add3A_370 = arith.addi %mul3A_282, %add3A_369 : i32
      %get3A_371 = arith.constant 6 : i32
      %get3A_372 = arith.index_cast %get3A_371 : i32 to index
      %get3A_373 = arith.index_cast %add3A_370 : i32 to index
      %get3A_374 = tpu.vector_load %arg4[%get3A_372, %get3A_373] {strides = array<i32>} : memref<8x7808xf32, #tpu.memory_space<vmem>>, vector<16xf32>,
      %min3A_375 = arith.constant 0.000000e+00 : f32
      %min3A_376 = vector.broadcast %min3A_375 : f32 to vector<16xf32>
      %min3A_377 = arith.minimumf %get3A_374, %min3A_376 : vector<16xf32>
      %add3A_378 = arith.addf %add3A_318, %min3A_377 : vector<16xf32>
      %bitcast3A_379 = vector.bitcast %get3A_374 : vector<16xf32> to vector<16xi32>
      %shift_right_arithmetic3A_380 = arith.constant 31 : i32
      %shift_right_arithmetic3A_381 = vector.broadcast %shift_right_arithmetic3A_380 : i32 to vector<16xi32>
      %shift_right_arithmetic3A_382 = arith.shrsi %bitcast3A_379, %shift_right_arithmetic3A_381 : vector<16xi32>
      %add3A_383 = arith.addi %add3A_323, %shift_right_arithmetic3A_382 : vector<16xi32>
      %add3A_384 = arith.constant 112 : i32
      %add3A_385 = arith.addi %mul3A_282, %add3A_384 : i32
      %get3A_386 = arith.constant 6 : i32
      %get3A_387 = arith.index_cast %get3A_386 : i32 to index
      %get3A_388 = arith.index_cast %add3A_385 : i32 to index
      %get3A_389 = tpu.vector_load %arg4[%get3A_387, %get3A_388] {strides = array<i32>} : memref<8x7808xf32, #tpu.memory_space<vmem>>, vector<16xf32>,
      %min3A_390 = arith.constant 0.000000e+00 : f32
      %min3A_391 = vector.broadcast %min3A_390 : f32 to vector<16xf32>
      %min3A_392 = arith.minimumf %get3A_389, %min3A_391 : vector<16xf32>
      %add3A_393 = arith.addf %add3A_333, %min3A_392 : vector<16xf32>
      %bitcast3A_394 = vector.bitcast %get3A_389 : vector<16xf32> to vector<16xi32>
      %shift_right_arithmetic3A_395 = arith.constant 31 : i32
      %shift_right_arithmetic3A_396 = vector.broadcast %shift_right_arithmetic3A_395 : i32 to vector<16xi32>
      %shift_right_arithmetic3A_397 = arith.shrsi %bitcast3A_394, %shift_right_arithmetic3A_396 : vector<16xi32>
      %add3A_398 = arith.addi %add3A_338, %shift_right_arithmetic3A_397 : vector<16xi32>
      scf.yield %add3A_348, %add3A_363, %add3A_378, %add3A_393, %add3A_353, %add3A_368, %add3A_383, %add3A_398 : vector<16xf32>, vector<16xf32>, vector<16xf32>, vector<16xf32>, vector<16xi32>, vector<16xi32>, vector<16xi32>, vector<16xi32>
    }
    %scan3A_237 = arith.constant 61 : i32
    %dma_wait3A_238 = arith.constant 7 : i32
    %dma_wait3A_239 = arith.constant 7 : i32
    %dma_wait3A_240 = arith.constant 0 : i32
    %dma_wait3A_241 = tpu.memref_slice %arg4[%dma_wait3A_238, %dma_wait3A_240] : memref<8x7808xf32, #tpu.memory_space<vmem>> -> memref<1x7808xf32, #tpu.memory_space<vmem>>
    %dma_wait3A_242 = tpu.memref_squeeze %dma_wait3A_241 : memref<1x7808xf32, #tpu.memory_space<vmem>> -> memref<7808xf32, #tpu.memory_space<vmem>>
    %dma_wait3A_243 = tpu.memref_slice %arg2[%add3A_98] : memref<1000000xf32, #tpu.memory_space<hbm>> -> memref<7808xf32, #tpu.memory_space<hbm>>
    %dma_wait3A_244 = tpu.memref_slice %arg13[%dma_wait3A_239] : memref<8x!tpu.dma_semaphore, #tpu.memory_space<semaphore_mem>> -> memref<1x!tpu.dma_semaphore, #tpu.memory_space<semaphore_mem>>
    %dma_wait3A_245 = tpu.memref_squeeze %dma_wait3A_244 : memref<1x!tpu.dma_semaphore, #tpu.memory_space<semaphore_mem>> -> memref<!tpu.dma_semaphore, #tpu.memory_space<semaphore_mem>>
    %dma_wait3A_246 = arith.constant 0 : i32
    %dma_wait3A_247 = tpu.memref_slice %arg4[%dma_wait3A_238, %dma_wait3A_246] : memref<8x7808xf32, #tpu.memory_space<vmem>> -> memref<1x7808xf32, #tpu.memory_space<vmem>>
    %dma_wait3A_248 = tpu.memref_squeeze %dma_wait3A_247 : memref<1x7808xf32, #tpu.memory_space<vmem>> -> memref<7808xf32, #tpu.memory_space<vmem>>
    %dma_wait3A_249 = tpu.memref_slice %arg2[%add3A_98] : memref<1000000xf32, #tpu.memory_space<hbm>> -> memref<7808xf32, #tpu.memory_space<hbm>>
    tpu.wait_dma2 semaphore(%dma_wait3A_245 : memref<!tpu.dma_semaphore, #tpu.memory_space<semaphore_mem>>) src(%dma_wait3A_249 : memref<7808xf32, #tpu.memory_space<hbm>>) dst(%dma_wait3A_248 : memref<7808xf32, #tpu.memory_space<vmem>>)
    %scan3A_250 = arith.constant 0 : i32
    %scan3A_251 = arith.constant 61 : i32
    %scan3A_252 = arith.addi %scan3A_250, %scan3A_251 : i32
    %scan3A_253 = arith.constant 1 : i32
    %scan3A_254:8 = scf.for %scan3A_272 = %scan3A_250 to %scan3A_252 step %scan3A_253 iter_args(%scan3A_273 = %scan3A_236#0, %scan3A_274 = %scan3A_236#1, %scan3A_275 = %scan3A_236#2, %scan3A_276 = %scan3A_236#3, %scan3A_277 = %scan3A_236#4, %scan3A_278 = %scan3A_236#5, %scan3A_279 = %scan3A_236#6, %scan3A_280 = %scan3A_236#7) -> (vector<16xf32>, vector<16xf32>, vector<16xf32>, vector<16xf32>, vector<16xi32>, vector<16xi32>, vector<16xi32>, vector<16xi32>)  : i32 {
      %mul3A_281 = arith.constant 128 : i32
      %mul3A_282 = arith.muli %scan3A_272, %mul3A_281 : i32
      %add3A_283 = arith.constant 0 : i32
      %add3A_284 = arith.addi %mul3A_282, %add3A_283 : i32
      %get3A = arith.constant 7 : i32
      %get3A_285 = arith.index_cast %get3A : i32 to index
      %get3A_286 = arith.index_cast %add3A_284 : i32 to index
      %get3A_287 = tpu.vector_load %arg4[%get3A_285, %get3A_286] {strides = array<i32>} : memref<8x7808xf32, #tpu.memory_space<vmem>>, vector<16xf32>,
      %min3A = arith.constant 0.000000e+00 : f32
      %min3A_288 = vector.broadcast %min3A : f32 to vector<16xf32>
      %min3A_289 = arith.minimumf %get3A_287, %min3A_288 : vector<16xf32>
      %add3A_290 = arith.addf %scan3A_273, %min3A_289 : vector<16xf32>
      %bitcast3A = vector.bitcast %get3A_287 : vector<16xf32> to vector<16xi32>
      %shift_right_arithmetic3A = arith.constant 31 : i32
      %shift_right_arithmetic3A_291 = vector.broadcast %shift_right_arithmetic3A : i32 to vector<16xi32>
      %shift_right_arithmetic3A_292 = arith.shrsi %bitcast3A, %shift_right_arithmetic3A_291 : vector<16xi32>
      %add3A_293 = arith.addi %scan3A_277, %shift_right_arithmetic3A_292 : vector<16xi32>
      %add3A_294 = arith.constant 16 : i32
      %add3A_295 = arith.addi %mul3A_282, %add3A_294 : i32
      %get3A_296 = arith.constant 7 : i32
      %get3A_297 = arith.index_cast %get3A_296 : i32 to index
      %get3A_298 = arith.index_cast %add3A_295 : i32 to index
      %get3A_299 = tpu.vector_load %arg4[%get3A_297, %get3A_298] {strides = array<i32>} : memref<8x7808xf32, #tpu.memory_space<vmem>>, vector<16xf32>,
      %min3A_300 = arith.constant 0.000000e+00 : f32
      %min3A_301 = vector.broadcast %min3A_300 : f32 to vector<16xf32>
      %min3A_302 = arith.minimumf %get3A_299, %min3A_301 : vector<16xf32>
      %add3A_303 = arith.addf %scan3A_274, %min3A_302 : vector<16xf32>
      %bitcast3A_304 = vector.bitcast %get3A_299 : vector<16xf32> to vector<16xi32>
      %shift_right_arithmetic3A_305 = arith.constant 31 : i32
      %shift_right_arithmetic3A_306 = vector.broadcast %shift_right_arithmetic3A_305 : i32 to vector<16xi32>
      %shift_right_arithmetic3A_307 = arith.shrsi %bitcast3A_304, %shift_right_arithmetic3A_306 : vector<16xi32>
      %add3A_308 = arith.addi %scan3A_278, %shift_right_arithmetic3A_307 : vector<16xi32>
      %add3A_309 = arith.constant 32 : i32
      %add3A_310 = arith.addi %mul3A_282, %add3A_309 : i32
      %get3A_311 = arith.constant 7 : i32
      %get3A_312 = arith.index_cast %get3A_311 : i32 to index
      %get3A_313 = arith.index_cast %add3A_310 : i32 to index
      %get3A_314 = tpu.vector_load %arg4[%get3A_312, %get3A_313] {strides = array<i32>} : memref<8x7808xf32, #tpu.memory_space<vmem>>, vector<16xf32>,
      %min3A_315 = arith.constant 0.000000e+00 : f32
      %min3A_316 = vector.broadcast %min3A_315 : f32 to vector<16xf32>
      %min3A_317 = arith.minimumf %get3A_314, %min3A_316 : vector<16xf32>
      %add3A_318 = arith.addf %scan3A_275, %min3A_317 : vector<16xf32>
      %bitcast3A_319 = vector.bitcast %get3A_314 : vector<16xf32> to vector<16xi32>
      %shift_right_arithmetic3A_320 = arith.constant 31 : i32
      %shift_right_arithmetic3A_321 = vector.broadcast %shift_right_arithmetic3A_320 : i32 to vector<16xi32>
      %shift_right_arithmetic3A_322 = arith.shrsi %bitcast3A_319, %shift_right_arithmetic3A_321 : vector<16xi32>
      %add3A_323 = arith.addi %scan3A_279, %shift_right_arithmetic3A_322 : vector<16xi32>
      %add3A_324 = arith.constant 48 : i32
      %add3A_325 = arith.addi %mul3A_282, %add3A_324 : i32
      %get3A_326 = arith.constant 7 : i32
      %get3A_327 = arith.index_cast %get3A_326 : i32 to index
      %get3A_328 = arith.index_cast %add3A_325 : i32 to index
      %get3A_329 = tpu.vector_load %arg4[%get3A_327, %get3A_328] {strides = array<i32>} : memref<8x7808xf32, #tpu.memory_space<vmem>>, vector<16xf32>,
      %min3A_330 = arith.constant 0.000000e+00 : f32
      %min3A_331 = vector.broadcast %min3A_330 : f32 to vector<16xf32>
      %min3A_332 = arith.minimumf %get3A_329, %min3A_331 : vector<16xf32>
      %add3A_333 = arith.addf %scan3A_276, %min3A_332 : vector<16xf32>
      %bitcast3A_334 = vector.bitcast %get3A_329 : vector<16xf32> to vector<16xi32>
      %shift_right_arithmetic3A_335 = arith.constant 31 : i32
      %shift_right_arithmetic3A_336 = vector.broadcast %shift_right_arithmetic3A_335 : i32 to vector<16xi32>
      %shift_right_arithmetic3A_337 = arith.shrsi %bitcast3A_334, %shift_right_arithmetic3A_336 : vector<16xi32>
      %add3A_338 = arith.addi %scan3A_280, %shift_right_arithmetic3A_337 : vector<16xi32>
      %add3A_339 = arith.constant 64 : i32
      %add3A_340 = arith.addi %mul3A_282, %add3A_339 : i32
      %get3A_341 = arith.constant 7 : i32
      %get3A_342 = arith.index_cast %get3A_341 : i32 to index
      %get3A_343 = arith.index_cast %add3A_340 : i32 to index
      %get3A_344 = tpu.vector_load %arg4[%get3A_342, %get3A_343] {strides = array<i32>} : memref<8x7808xf32, #tpu.memory_space<vmem>>, vector<16xf32>,
      %min3A_345 = arith.constant 0.000000e+00 : f32
      %min3A_346 = vector.broadcast %min3A_345 : f32 to vector<16xf32>
      %min3A_347 = arith.minimumf %get3A_344, %min3A_346 : vector<16xf32>
      %add3A_348 = arith.addf %add3A_290, %min3A_347 : vector<16xf32>
      %bitcast3A_349 = vector.bitcast %get3A_344 : vector<16xf32> to vector<16xi32>
      %shift_right_arithmetic3A_350 = arith.constant 31 : i32
      %shift_right_arithmetic3A_351 = vector.broadcast %shift_right_arithmetic3A_350 : i32 to vector<16xi32>
      %shift_right_arithmetic3A_352 = arith.shrsi %bitcast3A_349, %shift_right_arithmetic3A_351 : vector<16xi32>
      %add3A_353 = arith.addi %add3A_293, %shift_right_arithmetic3A_352 : vector<16xi32>
      %add3A_354 = arith.constant 80 : i32
      %add3A_355 = arith.addi %mul3A_282, %add3A_354 : i32
      %get3A_356 = arith.constant 7 : i32
      %get3A_357 = arith.index_cast %get3A_356 : i32 to index
      %get3A_358 = arith.index_cast %add3A_355 : i32 to index
      %get3A_359 = tpu.vector_load %arg4[%get3A_357, %get3A_358] {strides = array<i32>} : memref<8x7808xf32, #tpu.memory_space<vmem>>, vector<16xf32>,
      %min3A_360 = arith.constant 0.000000e+00 : f32
      %min3A_361 = vector.broadcast %min3A_360 : f32 to vector<16xf32>
      %min3A_362 = arith.minimumf %get3A_359, %min3A_361 : vector<16xf32>
      %add3A_363 = arith.addf %add3A_303, %min3A_362 : vector<16xf32>
      %bitcast3A_364 = vector.bitcast %get3A_359 : vector<16xf32> to vector<16xi32>
      %shift_right_arithmetic3A_365 = arith.constant 31 : i32
      %shift_right_arithmetic3A_366 = vector.broadcast %shift_right_arithmetic3A_365 : i32 to vector<16xi32>
      %shift_right_arithmetic3A_367 = arith.shrsi %bitcast3A_364, %shift_right_arithmetic3A_366 : vector<16xi32>
      %add3A_368 = arith.addi %add3A_308, %shift_right_arithmetic3A_367 : vector<16xi32>
      %add3A_369 = arith.constant 96 : i32
      %add3A_370 = arith.addi %mul3A_282, %add3A_369 : i32
      %get3A_371 = arith.constant 7 : i32
      %get3A_372 = arith.index_cast %get3A_371 : i32 to index
      %get3A_373 = arith.index_cast %add3A_370 : i32 to index
      %get3A_374 = tpu.vector_load %arg4[%get3A_372, %get3A_373] {strides = array<i32>} : memref<8x7808xf32, #tpu.memory_space<vmem>>, vector<16xf32>,
      %min3A_375 = arith.constant 0.000000e+00 : f32
      %min3A_376 = vector.broadcast %min3A_375 : f32 to vector<16xf32>
      %min3A_377 = arith.minimumf %get3A_374, %min3A_376 : vector<16xf32>
      %add3A_378 = arith.addf %add3A_318, %min3A_377 : vector<16xf32>
      %bitcast3A_379 = vector.bitcast %get3A_374 : vector<16xf32> to vector<16xi32>
      %shift_right_arithmetic3A_380 = arith.constant 31 : i32
      %shift_right_arithmetic3A_381 = vector.broadcast %shift_right_arithmetic3A_380 : i32 to vector<16xi32>
      %shift_right_arithmetic3A_382 = arith.shrsi %bitcast3A_379, %shift_right_arithmetic3A_381 : vector<16xi32>
      %add3A_383 = arith.addi %add3A_323, %shift_right_arithmetic3A_382 : vector<16xi32>
      %add3A_384 = arith.constant 112 : i32
      %add3A_385 = arith.addi %mul3A_282, %add3A_384 : i32
      %get3A_386 = arith.constant 7 : i32
      %get3A_387 = arith.index_cast %get3A_386 : i32 to index
      %get3A_388 = arith.index_cast %add3A_385 : i32 to index
      %get3A_389 = tpu.vector_load %arg4[%get3A_387, %get3A_388] {strides = array<i32>} : memref<8x7808xf32, #tpu.memory_space<vmem>>, vector<16xf32>,
      %min3A_390 = arith.constant 0.000000e+00 : f32
      %min3A_391 = vector.broadcast %min3A_390 : f32 to vector<16xf32>
      %min3A_392 = arith.minimumf %get3A_389, %min3A_391 : vector<16xf32>
      %add3A_393 = arith.addf %add3A_333, %min3A_392 : vector<16xf32>
      %bitcast3A_394 = vector.bitcast %get3A_389 : vector<16xf32> to vector<16xi32>
      %shift_right_arithmetic3A_395 = arith.constant 31 : i32
      %shift_right_arithmetic3A_396 = vector.broadcast %shift_right_arithmetic3A_395 : i32 to vector<16xi32>
      %shift_right_arithmetic3A_397 = arith.shrsi %bitcast3A_394, %shift_right_arithmetic3A_396 : vector<16xi32>
      %add3A_398 = arith.addi %add3A_338, %shift_right_arithmetic3A_397 : vector<16xi32>
      scf.yield %add3A_348, %add3A_363, %add3A_378, %add3A_393, %add3A_353, %add3A_368, %add3A_383, %add3A_398 : vector<16xf32>, vector<16xf32>, vector<16xf32>, vector<16xf32>, vector<16xi32>, vector<16xi32>, vector<16xi32>, vector<16xi32>
    }
    %scan3A_255 = arith.constant 61 : i32
    %add3A_256 = arith.addf %scan3A_254#0, %scan3A_254#1 : vector<16xf32>
    %add3A_257 = arith.addf %scan3A_254#2, %scan3A_254#3 : vector<16xf32>
    %add3A_258 = arith.addi %scan3A_254#4, %scan3A_254#5 : vector<16xi32>
    %add3A_259 = arith.addi %scan3A_254#6, %scan3A_254#7 : vector<16xi32>
    %add3A_260 = arith.addf %add3A_256, %add3A_257 : vector<16xf32>
    %add3A_261 = arith.addi %add3A_258, %add3A_259 : vector<16xi32>
    %swap3A = arith.constant 0 : index
    %swap3A_262 = tpu.vector_load %arg6[%swap3A] {strides = array<i32>} : memref<16xf32, #tpu.memory_space<vmem>>, vector<16xf32>,
    tpu.vector_store %arg6[%swap3A], %add3A_260 {strides = array<i32>} : memref<16xf32, #tpu.memory_space<vmem>>, vector<16xf32>,
    %swap3A_263 = arith.constant 0 : index
    %swap3A_264 = tpu.vector_load %arg7[%swap3A_263] {strides = array<i32>} : memref<16xi32, #tpu.memory_space<vmem>>, vector<16xi32>,
    tpu.vector_store %arg7[%swap3A_263], %add3A_261 {strides = array<i32>} : memref<16xi32, #tpu.memory_space<vmem>>, vector<16xi32>,
    %eq3A = arith.constant 0 : i32
    %eq3A_265 = arith.cmpi eq, %arg1, %eq3A : i32
    %convert_element_type3A = arith.extui %eq3A_265 : i1 to i32
    %cond3A = arith.constant 0 : i32
    %cond3A_266 = arith.cmpi ne, %convert_element_type3A, %cond3A : i32
    scf.if %cond3A_266 {
      "tpu.region"() ({
        %run_scoped3A = tpu.sem_alloc : memref<!tpu.dma_semaphore, #tpu.memory_space<semaphore_mem>>
        %dma_start3A_672 = arith.constant 999424 : i32
        %dma_start3A_673 = tpu.memref_slice %arg2[%dma_start3A_672] : memref<1000000xf32, #tpu.memory_space<hbm>> -> memref<576xf32, #tpu.memory_space<hbm>>
        %dma_start3A_674 = arith.constant 999424 : i32
        %dma_start3A_675 = tpu.memref_slice %arg2[%dma_start3A_674] : memref<1000000xf32, #tpu.memory_space<hbm>> -> memref<576xf32, #tpu.memory_space<hbm>>
        tpu.enqueue_dma source(%dma_start3A_675 : memref<576xf32, #tpu.memory_space<hbm>>) target(%arg5 : memref<576xf32, #tpu.memory_space<vmem>>) target_semaphore(%run_scoped3A : memref<!tpu.dma_semaphore, #tpu.memory_space<semaphore_mem>>)
        %dma_wait3A_676 = arith.constant 999424 : i32
        %dma_wait3A_677 = tpu.memref_slice %arg2[%dma_wait3A_676] : memref<1000000xf32, #tpu.memory_space<hbm>> -> memref<576xf32, #tpu.memory_space<hbm>>
        %dma_wait3A_678 = arith.constant 999424 : i32
        %dma_wait3A_679 = tpu.memref_slice %arg2[%dma_wait3A_678] : memref<1000000xf32, #tpu.memory_space<hbm>> -> memref<576xf32, #tpu.memory_space<hbm>>
        tpu.wait_dma2 semaphore(%run_scoped3A : memref<!tpu.dma_semaphore, #tpu.memory_space<semaphore_mem>>) src(%dma_wait3A_679 : memref<576xf32, #tpu.memory_space<hbm>>) dst(%arg5 : memref<576xf32, #tpu.memory_space<vmem>>)
        tpu.yield
      }) : () -> ()
      %get3A = arith.constant 0 : index
      %get3A_272 = tpu.vector_load %arg6[%get3A] {strides = array<i32>} : memref<16xf32, #tpu.memory_space<vmem>>, vector<16xf32>,
      %get3A_273 = arith.constant 0 : index
      %get3A_274 = tpu.vector_load %arg7[%get3A_273] {strides = array<i32>} : memref<16xi32, #tpu.memory_space<vmem>>, vector<16xi32>,
      %get3A_275 = arith.constant 0 : index
      %get3A_276 = tpu.vector_load %arg5[%get3A_275] {strides = array<i32>} : memref<576xf32, #tpu.memory_space<vmem>>, vector<16xf32>,
      %min3A = arith.constant 0.000000e+00 : f32
      %min3A_277 = vector.broadcast %min3A : f32 to vector<16xf32>
      %min3A_278 = arith.minimumf %get3A_276, %min3A_277 : vector<16xf32>
      %add3A_279 = arith.addf %get3A_272, %min3A_278 : vector<16xf32>
      %bitcast3A = vector.bitcast %get3A_276 : vector<16xf32> to vector<16xi32>
      %shift_right_arithmetic3A = arith.constant 31 : i32
      %shift_right_arithmetic3A_280 = vector.broadcast %shift_right_arithmetic3A : i32 to vector<16xi32>
      %shift_right_arithmetic3A_281 = arith.shrsi %bitcast3A, %shift_right_arithmetic3A_280 : vector<16xi32>
      %add3A_282 = arith.addi %get3A_274, %shift_right_arithmetic3A_281 : vector<16xi32>
      %get3A_283 = arith.constant 16 : index
      %get3A_284 = tpu.vector_load %arg5[%get3A_283] {strides = array<i32>} : memref<576xf32, #tpu.memory_space<vmem>>, vector<16xf32>,
      %min3A_285 = arith.constant 0.000000e+00 : f32
      %min3A_286 = vector.broadcast %min3A_285 : f32 to vector<16xf32>
      %min3A_287 = arith.minimumf %get3A_284, %min3A_286 : vector<16xf32>
      %add3A_288 = arith.addf %add3A_279, %min3A_287 : vector<16xf32>
      %bitcast3A_289 = vector.bitcast %get3A_284 : vector<16xf32> to vector<16xi32>
      %shift_right_arithmetic3A_290 = arith.constant 31 : i32
      %shift_right_arithmetic3A_291 = vector.broadcast %shift_right_arithmetic3A_290 : i32 to vector<16xi32>
      %shift_right_arithmetic3A_292 = arith.shrsi %bitcast3A_289, %shift_right_arithmetic3A_291 : vector<16xi32>
      %add3A_293 = arith.addi %add3A_282, %shift_right_arithmetic3A_292 : vector<16xi32>
      %get3A_294 = arith.constant 32 : index
      %get3A_295 = tpu.vector_load %arg5[%get3A_294] {strides = array<i32>} : memref<576xf32, #tpu.memory_space<vmem>>, vector<16xf32>,
      %min3A_296 = arith.constant 0.000000e+00 : f32
      %min3A_297 = vector.broadcast %min3A_296 : f32 to vector<16xf32>
      %min3A_298 = arith.minimumf %get3A_295, %min3A_297 : vector<16xf32>
      %add3A_299 = arith.addf %add3A_288, %min3A_298 : vector<16xf32>
      %bitcast3A_300 = vector.bitcast %get3A_295 : vector<16xf32> to vector<16xi32>
      %shift_right_arithmetic3A_301 = arith.constant 31 : i32
      %shift_right_arithmetic3A_302 = vector.broadcast %shift_right_arithmetic3A_301 : i32 to vector<16xi32>
      %shift_right_arithmetic3A_303 = arith.shrsi %bitcast3A_300, %shift_right_arithmetic3A_302 : vector<16xi32>
      %add3A_304 = arith.addi %add3A_293, %shift_right_arithmetic3A_303 : vector<16xi32>
      %get3A_305 = arith.constant 48 : index
      %get3A_306 = tpu.vector_load %arg5[%get3A_305] {strides = array<i32>} : memref<576xf32, #tpu.memory_space<vmem>>, vector<16xf32>,
      %min3A_307 = arith.constant 0.000000e+00 : f32
      %min3A_308 = vector.broadcast %min3A_307 : f32 to vector<16xf32>
      %min3A_309 = arith.minimumf %get3A_306, %min3A_308 : vector<16xf32>
      %add3A_310 = arith.addf %add3A_299, %min3A_309 : vector<16xf32>
      %bitcast3A_311 = vector.bitcast %get3A_306 : vector<16xf32> to vector<16xi32>
      %shift_right_arithmetic3A_312 = arith.constant 31 : i32
      %shift_right_arithmetic3A_313 = vector.broadcast %shift_right_arithmetic3A_312 : i32 to vector<16xi32>
      %shift_right_arithmetic3A_314 = arith.shrsi %bitcast3A_311, %shift_right_arithmetic3A_313 : vector<16xi32>
      %add3A_315 = arith.addi %add3A_304, %shift_right_arithmetic3A_314 : vector<16xi32>
      %get3A_316 = arith.constant 64 : index
      %get3A_317 = tpu.vector_load %arg5[%get3A_316] {strides = array<i32>} : memref<576xf32, #tpu.memory_space<vmem>>, vector<16xf32>,
      %min3A_318 = arith.constant 0.000000e+00 : f32
      %min3A_319 = vector.broadcast %min3A_318 : f32 to vector<16xf32>
      %min3A_320 = arith.minimumf %get3A_317, %min3A_319 : vector<16xf32>
      %add3A_321 = arith.addf %add3A_310, %min3A_320 : vector<16xf32>
      %bitcast3A_322 = vector.bitcast %get3A_317 : vector<16xf32> to vector<16xi32>
      %shift_right_arithmetic3A_323 = arith.constant 31 : i32
      %shift_right_arithmetic3A_324 = vector.broadcast %shift_right_arithmetic3A_323 : i32 to vector<16xi32>
      %shift_right_arithmetic3A_325 = arith.shrsi %bitcast3A_322, %shift_right_arithmetic3A_324 : vector<16xi32>
      %add3A_326 = arith.addi %add3A_315, %shift_right_arithmetic3A_325 : vector<16xi32>
      %get3A_327 = arith.constant 80 : index
      %get3A_328 = tpu.vector_load %arg5[%get3A_327] {strides = array<i32>} : memref<576xf32, #tpu.memory_space<vmem>>, vector<16xf32>,
      %min3A_329 = arith.constant 0.000000e+00 : f32
      %min3A_330 = vector.broadcast %min3A_329 : f32 to vector<16xf32>
      %min3A_331 = arith.minimumf %get3A_328, %min3A_330 : vector<16xf32>
      %add3A_332 = arith.addf %add3A_321, %min3A_331 : vector<16xf32>
      %bitcast3A_333 = vector.bitcast %get3A_328 : vector<16xf32> to vector<16xi32>
      %shift_right_arithmetic3A_334 = arith.constant 31 : i32
      %shift_right_arithmetic3A_335 = vector.broadcast %shift_right_arithmetic3A_334 : i32 to vector<16xi32>
      %shift_right_arithmetic3A_336 = arith.shrsi %bitcast3A_333, %shift_right_arithmetic3A_335 : vector<16xi32>
      %add3A_337 = arith.addi %add3A_326, %shift_right_arithmetic3A_336 : vector<16xi32>
      %get3A_338 = arith.constant 96 : index
      %get3A_339 = tpu.vector_load %arg5[%get3A_338] {strides = array<i32>} : memref<576xf32, #tpu.memory_space<vmem>>, vector<16xf32>,
      %min3A_340 = arith.constant 0.000000e+00 : f32
      %min3A_341 = vector.broadcast %min3A_340 : f32 to vector<16xf32>
      %min3A_342 = arith.minimumf %get3A_339, %min3A_341 : vector<16xf32>
      %add3A_343 = arith.addf %add3A_332, %min3A_342 : vector<16xf32>
      %bitcast3A_344 = vector.bitcast %get3A_339 : vector<16xf32> to vector<16xi32>
      %shift_right_arithmetic3A_345 = arith.constant 31 : i32
      %shift_right_arithmetic3A_346 = vector.broadcast %shift_right_arithmetic3A_345 : i32 to vector<16xi32>
      %shift_right_arithmetic3A_347 = arith.shrsi %bitcast3A_344, %shift_right_arithmetic3A_346 : vector<16xi32>
      %add3A_348 = arith.addi %add3A_337, %shift_right_arithmetic3A_347 : vector<16xi32>
      %get3A_349 = arith.constant 112 : index
      %get3A_350 = tpu.vector_load %arg5[%get3A_349] {strides = array<i32>} : memref<576xf32, #tpu.memory_space<vmem>>, vector<16xf32>,
      %min3A_351 = arith.constant 0.000000e+00 : f32
      %min3A_352 = vector.broadcast %min3A_351 : f32 to vector<16xf32>
      %min3A_353 = arith.minimumf %get3A_350, %min3A_352 : vector<16xf32>
      %add3A_354 = arith.addf %add3A_343, %min3A_353 : vector<16xf32>
      %bitcast3A_355 = vector.bitcast %get3A_350 : vector<16xf32> to vector<16xi32>
      %shift_right_arithmetic3A_356 = arith.constant 31 : i32
      %shift_right_arithmetic3A_357 = vector.broadcast %shift_right_arithmetic3A_356 : i32 to vector<16xi32>
      %shift_right_arithmetic3A_358 = arith.shrsi %bitcast3A_355, %shift_right_arithmetic3A_357 : vector<16xi32>
      %add3A_359 = arith.addi %add3A_348, %shift_right_arithmetic3A_358 : vector<16xi32>
      %get3A_360 = arith.constant 128 : index
      %get3A_361 = tpu.vector_load %arg5[%get3A_360] {strides = array<i32>} : memref<576xf32, #tpu.memory_space<vmem>>, vector<16xf32>,
      %min3A_362 = arith.constant 0.000000e+00 : f32
      %min3A_363 = vector.broadcast %min3A_362 : f32 to vector<16xf32>
      %min3A_364 = arith.minimumf %get3A_361, %min3A_363 : vector<16xf32>
      %add3A_365 = arith.addf %add3A_354, %min3A_364 : vector<16xf32>
      %bitcast3A_366 = vector.bitcast %get3A_361 : vector<16xf32> to vector<16xi32>
      %shift_right_arithmetic3A_367 = arith.constant 31 : i32
      %shift_right_arithmetic3A_368 = vector.broadcast %shift_right_arithmetic3A_367 : i32 to vector<16xi32>
      %shift_right_arithmetic3A_369 = arith.shrsi %bitcast3A_366, %shift_right_arithmetic3A_368 : vector<16xi32>
      %add3A_370 = arith.addi %add3A_359, %shift_right_arithmetic3A_369 : vector<16xi32>
      %get3A_371 = arith.constant 144 : index
      %get3A_372 = tpu.vector_load %arg5[%get3A_371] {strides = array<i32>} : memref<576xf32, #tpu.memory_space<vmem>>, vector<16xf32>,
      %min3A_373 = arith.constant 0.000000e+00 : f32
      %min3A_374 = vector.broadcast %min3A_373 : f32 to vector<16xf32>
      %min3A_375 = arith.minimumf %get3A_372, %min3A_374 : vector<16xf32>
      %add3A_376 = arith.addf %add3A_365, %min3A_375 : vector<16xf32>
      %bitcast3A_377 = vector.bitcast %get3A_372 : vector<16xf32> to vector<16xi32>
      %shift_right_arithmetic3A_378 = arith.constant 31 : i32
      %shift_right_arithmetic3A_379 = vector.broadcast %shift_right_arithmetic3A_378 : i32 to vector<16xi32>
      %shift_right_arithmetic3A_380 = arith.shrsi %bitcast3A_377, %shift_right_arithmetic3A_379 : vector<16xi32>
      %add3A_381 = arith.addi %add3A_370, %shift_right_arithmetic3A_380 : vector<16xi32>
      %get3A_382 = arith.constant 160 : index
      %get3A_383 = tpu.vector_load %arg5[%get3A_382] {strides = array<i32>} : memref<576xf32, #tpu.memory_space<vmem>>, vector<16xf32>,
      %min3A_384 = arith.constant 0.000000e+00 : f32
      %min3A_385 = vector.broadcast %min3A_384 : f32 to vector<16xf32>
      %min3A_386 = arith.minimumf %get3A_383, %min3A_385 : vector<16xf32>
      %add3A_387 = arith.addf %add3A_376, %min3A_386 : vector<16xf32>
      %bitcast3A_388 = vector.bitcast %get3A_383 : vector<16xf32> to vector<16xi32>
      %shift_right_arithmetic3A_389 = arith.constant 31 : i32
      %shift_right_arithmetic3A_390 = vector.broadcast %shift_right_arithmetic3A_389 : i32 to vector<16xi32>
      %shift_right_arithmetic3A_391 = arith.shrsi %bitcast3A_388, %shift_right_arithmetic3A_390 : vector<16xi32>
      %add3A_392 = arith.addi %add3A_381, %shift_right_arithmetic3A_391 : vector<16xi32>
      %get3A_393 = arith.constant 176 : index
      %get3A_394 = tpu.vector_load %arg5[%get3A_393] {strides = array<i32>} : memref<576xf32, #tpu.memory_space<vmem>>, vector<16xf32>,
      %min3A_395 = arith.constant 0.000000e+00 : f32
      %min3A_396 = vector.broadcast %min3A_395 : f32 to vector<16xf32>
      %min3A_397 = arith.minimumf %get3A_394, %min3A_396 : vector<16xf32>
      %add3A_398 = arith.addf %add3A_387, %min3A_397 : vector<16xf32>
      %bitcast3A_399 = vector.bitcast %get3A_394 : vector<16xf32> to vector<16xi32>
      %shift_right_arithmetic3A_400 = arith.constant 31 : i32
      %shift_right_arithmetic3A_401 = vector.broadcast %shift_right_arithmetic3A_400 : i32 to vector<16xi32>
      %shift_right_arithmetic3A_402 = arith.shrsi %bitcast3A_399, %shift_right_arithmetic3A_401 : vector<16xi32>
      %add3A_403 = arith.addi %add3A_392, %shift_right_arithmetic3A_402 : vector<16xi32>
      %get3A_404 = arith.constant 192 : index
      %get3A_405 = tpu.vector_load %arg5[%get3A_404] {strides = array<i32>} : memref<576xf32, #tpu.memory_space<vmem>>, vector<16xf32>,
      %min3A_406 = arith.constant 0.000000e+00 : f32
      %min3A_407 = vector.broadcast %min3A_406 : f32 to vector<16xf32>
      %min3A_408 = arith.minimumf %get3A_405, %min3A_407 : vector<16xf32>
      %add3A_409 = arith.addf %add3A_398, %min3A_408 : vector<16xf32>
      %bitcast3A_410 = vector.bitcast %get3A_405 : vector<16xf32> to vector<16xi32>
      %shift_right_arithmetic3A_411 = arith.constant 31 : i32
      %shift_right_arithmetic3A_412 = vector.broadcast %shift_right_arithmetic3A_411 : i32 to vector<16xi32>
      %shift_right_arithmetic3A_413 = arith.shrsi %bitcast3A_410, %shift_right_arithmetic3A_412 : vector<16xi32>
      %add3A_414 = arith.addi %add3A_403, %shift_right_arithmetic3A_413 : vector<16xi32>
      %get3A_415 = arith.constant 208 : index
      %get3A_416 = tpu.vector_load %arg5[%get3A_415] {strides = array<i32>} : memref<576xf32, #tpu.memory_space<vmem>>, vector<16xf32>,
      %min3A_417 = arith.constant 0.000000e+00 : f32
      %min3A_418 = vector.broadcast %min3A_417 : f32 to vector<16xf32>
      %min3A_419 = arith.minimumf %get3A_416, %min3A_418 : vector<16xf32>
      %add3A_420 = arith.addf %add3A_409, %min3A_419 : vector<16xf32>
      %bitcast3A_421 = vector.bitcast %get3A_416 : vector<16xf32> to vector<16xi32>
      %shift_right_arithmetic3A_422 = arith.constant 31 : i32
      %shift_right_arithmetic3A_423 = vector.broadcast %shift_right_arithmetic3A_422 : i32 to vector<16xi32>
      %shift_right_arithmetic3A_424 = arith.shrsi %bitcast3A_421, %shift_right_arithmetic3A_423 : vector<16xi32>
      %add3A_425 = arith.addi %add3A_414, %shift_right_arithmetic3A_424 : vector<16xi32>
      %get3A_426 = arith.constant 224 : index
      %get3A_427 = tpu.vector_load %arg5[%get3A_426] {strides = array<i32>} : memref<576xf32, #tpu.memory_space<vmem>>, vector<16xf32>,
      %min3A_428 = arith.constant 0.000000e+00 : f32
      %min3A_429 = vector.broadcast %min3A_428 : f32 to vector<16xf32>
      %min3A_430 = arith.minimumf %get3A_427, %min3A_429 : vector<16xf32>
      %add3A_431 = arith.addf %add3A_420, %min3A_430 : vector<16xf32>
      %bitcast3A_432 = vector.bitcast %get3A_427 : vector<16xf32> to vector<16xi32>
      %shift_right_arithmetic3A_433 = arith.constant 31 : i32
      %shift_right_arithmetic3A_434 = vector.broadcast %shift_right_arithmetic3A_433 : i32 to vector<16xi32>
      %shift_right_arithmetic3A_435 = arith.shrsi %bitcast3A_432, %shift_right_arithmetic3A_434 : vector<16xi32>
      %add3A_436 = arith.addi %add3A_425, %shift_right_arithmetic3A_435 : vector<16xi32>
      %get3A_437 = arith.constant 240 : index
      %get3A_438 = tpu.vector_load %arg5[%get3A_437] {strides = array<i32>} : memref<576xf32, #tpu.memory_space<vmem>>, vector<16xf32>,
      %min3A_439 = arith.constant 0.000000e+00 : f32
      %min3A_440 = vector.broadcast %min3A_439 : f32 to vector<16xf32>
      %min3A_441 = arith.minimumf %get3A_438, %min3A_440 : vector<16xf32>
      %add3A_442 = arith.addf %add3A_431, %min3A_441 : vector<16xf32>
      %bitcast3A_443 = vector.bitcast %get3A_438 : vector<16xf32> to vector<16xi32>
      %shift_right_arithmetic3A_444 = arith.constant 31 : i32
      %shift_right_arithmetic3A_445 = vector.broadcast %shift_right_arithmetic3A_444 : i32 to vector<16xi32>
      %shift_right_arithmetic3A_446 = arith.shrsi %bitcast3A_443, %shift_right_arithmetic3A_445 : vector<16xi32>
      %add3A_447 = arith.addi %add3A_436, %shift_right_arithmetic3A_446 : vector<16xi32>
      %get3A_448 = arith.constant 256 : index
      %get3A_449 = tpu.vector_load %arg5[%get3A_448] {strides = array<i32>} : memref<576xf32, #tpu.memory_space<vmem>>, vector<16xf32>,
      %min3A_450 = arith.constant 0.000000e+00 : f32
      %min3A_451 = vector.broadcast %min3A_450 : f32 to vector<16xf32>
      %min3A_452 = arith.minimumf %get3A_449, %min3A_451 : vector<16xf32>
      %add3A_453 = arith.addf %add3A_442, %min3A_452 : vector<16xf32>
      %bitcast3A_454 = vector.bitcast %get3A_449 : vector<16xf32> to vector<16xi32>
      %shift_right_arithmetic3A_455 = arith.constant 31 : i32
      %shift_right_arithmetic3A_456 = vector.broadcast %shift_right_arithmetic3A_455 : i32 to vector<16xi32>
      %shift_right_arithmetic3A_457 = arith.shrsi %bitcast3A_454, %shift_right_arithmetic3A_456 : vector<16xi32>
      %add3A_458 = arith.addi %add3A_447, %shift_right_arithmetic3A_457 : vector<16xi32>
      %get3A_459 = arith.constant 272 : index
      %get3A_460 = tpu.vector_load %arg5[%get3A_459] {strides = array<i32>} : memref<576xf32, #tpu.memory_space<vmem>>, vector<16xf32>,
      %min3A_461 = arith.constant 0.000000e+00 : f32
      %min3A_462 = vector.broadcast %min3A_461 : f32 to vector<16xf32>
      %min3A_463 = arith.minimumf %get3A_460, %min3A_462 : vector<16xf32>
      %add3A_464 = arith.addf %add3A_453, %min3A_463 : vector<16xf32>
      %bitcast3A_465 = vector.bitcast %get3A_460 : vector<16xf32> to vector<16xi32>
      %shift_right_arithmetic3A_466 = arith.constant 31 : i32
      %shift_right_arithmetic3A_467 = vector.broadcast %shift_right_arithmetic3A_466 : i32 to vector<16xi32>
      %shift_right_arithmetic3A_468 = arith.shrsi %bitcast3A_465, %shift_right_arithmetic3A_467 : vector<16xi32>
      %add3A_469 = arith.addi %add3A_458, %shift_right_arithmetic3A_468 : vector<16xi32>
      %get3A_470 = arith.constant 288 : index
      %get3A_471 = tpu.vector_load %arg5[%get3A_470] {strides = array<i32>} : memref<576xf32, #tpu.memory_space<vmem>>, vector<16xf32>,
      %min3A_472 = arith.constant 0.000000e+00 : f32
      %min3A_473 = vector.broadcast %min3A_472 : f32 to vector<16xf32>
      %min3A_474 = arith.minimumf %get3A_471, %min3A_473 : vector<16xf32>
      %add3A_475 = arith.addf %add3A_464, %min3A_474 : vector<16xf32>
      %bitcast3A_476 = vector.bitcast %get3A_471 : vector<16xf32> to vector<16xi32>
      %shift_right_arithmetic3A_477 = arith.constant 31 : i32
      %shift_right_arithmetic3A_478 = vector.broadcast %shift_right_arithmetic3A_477 : i32 to vector<16xi32>
      %shift_right_arithmetic3A_479 = arith.shrsi %bitcast3A_476, %shift_right_arithmetic3A_478 : vector<16xi32>
      %add3A_480 = arith.addi %add3A_469, %shift_right_arithmetic3A_479 : vector<16xi32>
      %get3A_481 = arith.constant 304 : index
      %get3A_482 = tpu.vector_load %arg5[%get3A_481] {strides = array<i32>} : memref<576xf32, #tpu.memory_space<vmem>>, vector<16xf32>,
      %min3A_483 = arith.constant 0.000000e+00 : f32
      %min3A_484 = vector.broadcast %min3A_483 : f32 to vector<16xf32>
      %min3A_485 = arith.minimumf %get3A_482, %min3A_484 : vector<16xf32>
      %add3A_486 = arith.addf %add3A_475, %min3A_485 : vector<16xf32>
      %bitcast3A_487 = vector.bitcast %get3A_482 : vector<16xf32> to vector<16xi32>
      %shift_right_arithmetic3A_488 = arith.constant 31 : i32
      %shift_right_arithmetic3A_489 = vector.broadcast %shift_right_arithmetic3A_488 : i32 to vector<16xi32>
      %shift_right_arithmetic3A_490 = arith.shrsi %bitcast3A_487, %shift_right_arithmetic3A_489 : vector<16xi32>
      %add3A_491 = arith.addi %add3A_480, %shift_right_arithmetic3A_490 : vector<16xi32>
      %get3A_492 = arith.constant 320 : index
      %get3A_493 = tpu.vector_load %arg5[%get3A_492] {strides = array<i32>} : memref<576xf32, #tpu.memory_space<vmem>>, vector<16xf32>,
      %min3A_494 = arith.constant 0.000000e+00 : f32
      %min3A_495 = vector.broadcast %min3A_494 : f32 to vector<16xf32>
      %min3A_496 = arith.minimumf %get3A_493, %min3A_495 : vector<16xf32>
      %add3A_497 = arith.addf %add3A_486, %min3A_496 : vector<16xf32>
      %bitcast3A_498 = vector.bitcast %get3A_493 : vector<16xf32> to vector<16xi32>
      %shift_right_arithmetic3A_499 = arith.constant 31 : i32
      %shift_right_arithmetic3A_500 = vector.broadcast %shift_right_arithmetic3A_499 : i32 to vector<16xi32>
      %shift_right_arithmetic3A_501 = arith.shrsi %bitcast3A_498, %shift_right_arithmetic3A_500 : vector<16xi32>
      %add3A_502 = arith.addi %add3A_491, %shift_right_arithmetic3A_501 : vector<16xi32>
      %get3A_503 = arith.constant 336 : index
      %get3A_504 = tpu.vector_load %arg5[%get3A_503] {strides = array<i32>} : memref<576xf32, #tpu.memory_space<vmem>>, vector<16xf32>,
      %min3A_505 = arith.constant 0.000000e+00 : f32
      %min3A_506 = vector.broadcast %min3A_505 : f32 to vector<16xf32>
      %min3A_507 = arith.minimumf %get3A_504, %min3A_506 : vector<16xf32>
      %add3A_508 = arith.addf %add3A_497, %min3A_507 : vector<16xf32>
      %bitcast3A_509 = vector.bitcast %get3A_504 : vector<16xf32> to vector<16xi32>
      %shift_right_arithmetic3A_510 = arith.constant 31 : i32
      %shift_right_arithmetic3A_511 = vector.broadcast %shift_right_arithmetic3A_510 : i32 to vector<16xi32>
      %shift_right_arithmetic3A_512 = arith.shrsi %bitcast3A_509, %shift_right_arithmetic3A_511 : vector<16xi32>
      %add3A_513 = arith.addi %add3A_502, %shift_right_arithmetic3A_512 : vector<16xi32>
      %get3A_514 = arith.constant 352 : index
      %get3A_515 = tpu.vector_load %arg5[%get3A_514] {strides = array<i32>} : memref<576xf32, #tpu.memory_space<vmem>>, vector<16xf32>,
      %min3A_516 = arith.constant 0.000000e+00 : f32
      %min3A_517 = vector.broadcast %min3A_516 : f32 to vector<16xf32>
      %min3A_518 = arith.minimumf %get3A_515, %min3A_517 : vector<16xf32>
      %add3A_519 = arith.addf %add3A_508, %min3A_518 : vector<16xf32>
      %bitcast3A_520 = vector.bitcast %get3A_515 : vector<16xf32> to vector<16xi32>
      %shift_right_arithmetic3A_521 = arith.constant 31 : i32
      %shift_right_arithmetic3A_522 = vector.broadcast %shift_right_arithmetic3A_521 : i32 to vector<16xi32>
      %shift_right_arithmetic3A_523 = arith.shrsi %bitcast3A_520, %shift_right_arithmetic3A_522 : vector<16xi32>
      %add3A_524 = arith.addi %add3A_513, %shift_right_arithmetic3A_523 : vector<16xi32>
      %get3A_525 = arith.constant 368 : index
      %get3A_526 = tpu.vector_load %arg5[%get3A_525] {strides = array<i32>} : memref<576xf32, #tpu.memory_space<vmem>>, vector<16xf32>,
      %min3A_527 = arith.constant 0.000000e+00 : f32
      %min3A_528 = vector.broadcast %min3A_527 : f32 to vector<16xf32>
      %min3A_529 = arith.minimumf %get3A_526, %min3A_528 : vector<16xf32>
      %add3A_530 = arith.addf %add3A_519, %min3A_529 : vector<16xf32>
      %bitcast3A_531 = vector.bitcast %get3A_526 : vector<16xf32> to vector<16xi32>
      %shift_right_arithmetic3A_532 = arith.constant 31 : i32
      %shift_right_arithmetic3A_533 = vector.broadcast %shift_right_arithmetic3A_532 : i32 to vector<16xi32>
      %shift_right_arithmetic3A_534 = arith.shrsi %bitcast3A_531, %shift_right_arithmetic3A_533 : vector<16xi32>
      %add3A_535 = arith.addi %add3A_524, %shift_right_arithmetic3A_534 : vector<16xi32>
      %get3A_536 = arith.constant 384 : index
      %get3A_537 = tpu.vector_load %arg5[%get3A_536] {strides = array<i32>} : memref<576xf32, #tpu.memory_space<vmem>>, vector<16xf32>,
      %min3A_538 = arith.constant 0.000000e+00 : f32
      %min3A_539 = vector.broadcast %min3A_538 : f32 to vector<16xf32>
      %min3A_540 = arith.minimumf %get3A_537, %min3A_539 : vector<16xf32>
      %add3A_541 = arith.addf %add3A_530, %min3A_540 : vector<16xf32>
      %bitcast3A_542 = vector.bitcast %get3A_537 : vector<16xf32> to vector<16xi32>
      %shift_right_arithmetic3A_543 = arith.constant 31 : i32
      %shift_right_arithmetic3A_544 = vector.broadcast %shift_right_arithmetic3A_543 : i32 to vector<16xi32>
      %shift_right_arithmetic3A_545 = arith.shrsi %bitcast3A_542, %shift_right_arithmetic3A_544 : vector<16xi32>
      %add3A_546 = arith.addi %add3A_535, %shift_right_arithmetic3A_545 : vector<16xi32>
      %get3A_547 = arith.constant 400 : index
      %get3A_548 = tpu.vector_load %arg5[%get3A_547] {strides = array<i32>} : memref<576xf32, #tpu.memory_space<vmem>>, vector<16xf32>,
      %min3A_549 = arith.constant 0.000000e+00 : f32
      %min3A_550 = vector.broadcast %min3A_549 : f32 to vector<16xf32>
      %min3A_551 = arith.minimumf %get3A_548, %min3A_550 : vector<16xf32>
      %add3A_552 = arith.addf %add3A_541, %min3A_551 : vector<16xf32>
      %bitcast3A_553 = vector.bitcast %get3A_548 : vector<16xf32> to vector<16xi32>
      %shift_right_arithmetic3A_554 = arith.constant 31 : i32
      %shift_right_arithmetic3A_555 = vector.broadcast %shift_right_arithmetic3A_554 : i32 to vector<16xi32>
      %shift_right_arithmetic3A_556 = arith.shrsi %bitcast3A_553, %shift_right_arithmetic3A_555 : vector<16xi32>
      %add3A_557 = arith.addi %add3A_546, %shift_right_arithmetic3A_556 : vector<16xi32>
      %get3A_558 = arith.constant 416 : index
      %get3A_559 = tpu.vector_load %arg5[%get3A_558] {strides = array<i32>} : memref<576xf32, #tpu.memory_space<vmem>>, vector<16xf32>,
      %min3A_560 = arith.constant 0.000000e+00 : f32
      %min3A_561 = vector.broadcast %min3A_560 : f32 to vector<16xf32>
      %min3A_562 = arith.minimumf %get3A_559, %min3A_561 : vector<16xf32>
      %add3A_563 = arith.addf %add3A_552, %min3A_562 : vector<16xf32>
      %bitcast3A_564 = vector.bitcast %get3A_559 : vector<16xf32> to vector<16xi32>
      %shift_right_arithmetic3A_565 = arith.constant 31 : i32
      %shift_right_arithmetic3A_566 = vector.broadcast %shift_right_arithmetic3A_565 : i32 to vector<16xi32>
      %shift_right_arithmetic3A_567 = arith.shrsi %bitcast3A_564, %shift_right_arithmetic3A_566 : vector<16xi32>
      %add3A_568 = arith.addi %add3A_557, %shift_right_arithmetic3A_567 : vector<16xi32>
      %get3A_569 = arith.constant 432 : index
      %get3A_570 = tpu.vector_load %arg5[%get3A_569] {strides = array<i32>} : memref<576xf32, #tpu.memory_space<vmem>>, vector<16xf32>,
      %min3A_571 = arith.constant 0.000000e+00 : f32
      %min3A_572 = vector.broadcast %min3A_571 : f32 to vector<16xf32>
      %min3A_573 = arith.minimumf %get3A_570, %min3A_572 : vector<16xf32>
      %add3A_574 = arith.addf %add3A_563, %min3A_573 : vector<16xf32>
      %bitcast3A_575 = vector.bitcast %get3A_570 : vector<16xf32> to vector<16xi32>
      %shift_right_arithmetic3A_576 = arith.constant 31 : i32
      %shift_right_arithmetic3A_577 = vector.broadcast %shift_right_arithmetic3A_576 : i32 to vector<16xi32>
      %shift_right_arithmetic3A_578 = arith.shrsi %bitcast3A_575, %shift_right_arithmetic3A_577 : vector<16xi32>
      %add3A_579 = arith.addi %add3A_568, %shift_right_arithmetic3A_578 : vector<16xi32>
      %get3A_580 = arith.constant 448 : index
      %get3A_581 = tpu.vector_load %arg5[%get3A_580] {strides = array<i32>} : memref<576xf32, #tpu.memory_space<vmem>>, vector<16xf32>,
      %min3A_582 = arith.constant 0.000000e+00 : f32
      %min3A_583 = vector.broadcast %min3A_582 : f32 to vector<16xf32>
      %min3A_584 = arith.minimumf %get3A_581, %min3A_583 : vector<16xf32>
      %add3A_585 = arith.addf %add3A_574, %min3A_584 : vector<16xf32>
      %bitcast3A_586 = vector.bitcast %get3A_581 : vector<16xf32> to vector<16xi32>
      %shift_right_arithmetic3A_587 = arith.constant 31 : i32
      %shift_right_arithmetic3A_588 = vector.broadcast %shift_right_arithmetic3A_587 : i32 to vector<16xi32>
      %shift_right_arithmetic3A_589 = arith.shrsi %bitcast3A_586, %shift_right_arithmetic3A_588 : vector<16xi32>
      %add3A_590 = arith.addi %add3A_579, %shift_right_arithmetic3A_589 : vector<16xi32>
      %get3A_591 = arith.constant 464 : index
      %get3A_592 = tpu.vector_load %arg5[%get3A_591] {strides = array<i32>} : memref<576xf32, #tpu.memory_space<vmem>>, vector<16xf32>,
      %min3A_593 = arith.constant 0.000000e+00 : f32
      %min3A_594 = vector.broadcast %min3A_593 : f32 to vector<16xf32>
      %min3A_595 = arith.minimumf %get3A_592, %min3A_594 : vector<16xf32>
      %add3A_596 = arith.addf %add3A_585, %min3A_595 : vector<16xf32>
      %bitcast3A_597 = vector.bitcast %get3A_592 : vector<16xf32> to vector<16xi32>
      %shift_right_arithmetic3A_598 = arith.constant 31 : i32
      %shift_right_arithmetic3A_599 = vector.broadcast %shift_right_arithmetic3A_598 : i32 to vector<16xi32>
      %shift_right_arithmetic3A_600 = arith.shrsi %bitcast3A_597, %shift_right_arithmetic3A_599 : vector<16xi32>
      %add3A_601 = arith.addi %add3A_590, %shift_right_arithmetic3A_600 : vector<16xi32>
      %get3A_602 = arith.constant 480 : index
      %get3A_603 = tpu.vector_load %arg5[%get3A_602] {strides = array<i32>} : memref<576xf32, #tpu.memory_space<vmem>>, vector<16xf32>,
      %min3A_604 = arith.constant 0.000000e+00 : f32
      %min3A_605 = vector.broadcast %min3A_604 : f32 to vector<16xf32>
      %min3A_606 = arith.minimumf %get3A_603, %min3A_605 : vector<16xf32>
      %add3A_607 = arith.addf %add3A_596, %min3A_606 : vector<16xf32>
      %bitcast3A_608 = vector.bitcast %get3A_603 : vector<16xf32> to vector<16xi32>
      %shift_right_arithmetic3A_609 = arith.constant 31 : i32
      %shift_right_arithmetic3A_610 = vector.broadcast %shift_right_arithmetic3A_609 : i32 to vector<16xi32>
      %shift_right_arithmetic3A_611 = arith.shrsi %bitcast3A_608, %shift_right_arithmetic3A_610 : vector<16xi32>
      %add3A_612 = arith.addi %add3A_601, %shift_right_arithmetic3A_611 : vector<16xi32>
      %get3A_613 = arith.constant 496 : index
      %get3A_614 = tpu.vector_load %arg5[%get3A_613] {strides = array<i32>} : memref<576xf32, #tpu.memory_space<vmem>>, vector<16xf32>,
      %min3A_615 = arith.constant 0.000000e+00 : f32
      %min3A_616 = vector.broadcast %min3A_615 : f32 to vector<16xf32>
      %min3A_617 = arith.minimumf %get3A_614, %min3A_616 : vector<16xf32>
      %add3A_618 = arith.addf %add3A_607, %min3A_617 : vector<16xf32>
      %bitcast3A_619 = vector.bitcast %get3A_614 : vector<16xf32> to vector<16xi32>
      %shift_right_arithmetic3A_620 = arith.constant 31 : i32
      %shift_right_arithmetic3A_621 = vector.broadcast %shift_right_arithmetic3A_620 : i32 to vector<16xi32>
      %shift_right_arithmetic3A_622 = arith.shrsi %bitcast3A_619, %shift_right_arithmetic3A_621 : vector<16xi32>
      %add3A_623 = arith.addi %add3A_612, %shift_right_arithmetic3A_622 : vector<16xi32>
      %get3A_624 = arith.constant 512 : index
      %get3A_625 = tpu.vector_load %arg5[%get3A_624] {strides = array<i32>} : memref<576xf32, #tpu.memory_space<vmem>>, vector<16xf32>,
      %min3A_626 = arith.constant 0.000000e+00 : f32
      %min3A_627 = vector.broadcast %min3A_626 : f32 to vector<16xf32>
      %min3A_628 = arith.minimumf %get3A_625, %min3A_627 : vector<16xf32>
      %add3A_629 = arith.addf %add3A_618, %min3A_628 : vector<16xf32>
      %bitcast3A_630 = vector.bitcast %get3A_625 : vector<16xf32> to vector<16xi32>
      %shift_right_arithmetic3A_631 = arith.constant 31 : i32
      %shift_right_arithmetic3A_632 = vector.broadcast %shift_right_arithmetic3A_631 : i32 to vector<16xi32>
      %shift_right_arithmetic3A_633 = arith.shrsi %bitcast3A_630, %shift_right_arithmetic3A_632 : vector<16xi32>
      %add3A_634 = arith.addi %add3A_623, %shift_right_arithmetic3A_633 : vector<16xi32>
      %get3A_635 = arith.constant 528 : index
      %get3A_636 = tpu.vector_load %arg5[%get3A_635] {strides = array<i32>} : memref<576xf32, #tpu.memory_space<vmem>>, vector<16xf32>,
      %min3A_637 = arith.constant 0.000000e+00 : f32
      %min3A_638 = vector.broadcast %min3A_637 : f32 to vector<16xf32>
      %min3A_639 = arith.minimumf %get3A_636, %min3A_638 : vector<16xf32>
      %add3A_640 = arith.addf %add3A_629, %min3A_639 : vector<16xf32>
      %bitcast3A_641 = vector.bitcast %get3A_636 : vector<16xf32> to vector<16xi32>
      %shift_right_arithmetic3A_642 = arith.constant 31 : i32
      %shift_right_arithmetic3A_643 = vector.broadcast %shift_right_arithmetic3A_642 : i32 to vector<16xi32>
      %shift_right_arithmetic3A_644 = arith.shrsi %bitcast3A_641, %shift_right_arithmetic3A_643 : vector<16xi32>
      %add3A_645 = arith.addi %add3A_634, %shift_right_arithmetic3A_644 : vector<16xi32>
      %get3A_646 = arith.constant 544 : index
      %get3A_647 = tpu.vector_load %arg5[%get3A_646] {strides = array<i32>} : memref<576xf32, #tpu.memory_space<vmem>>, vector<16xf32>,
      %min3A_648 = arith.constant 0.000000e+00 : f32
      %min3A_649 = vector.broadcast %min3A_648 : f32 to vector<16xf32>
      %min3A_650 = arith.minimumf %get3A_647, %min3A_649 : vector<16xf32>
      %add3A_651 = arith.addf %add3A_640, %min3A_650 : vector<16xf32>
      %bitcast3A_652 = vector.bitcast %get3A_647 : vector<16xf32> to vector<16xi32>
      %shift_right_arithmetic3A_653 = arith.constant 31 : i32
      %shift_right_arithmetic3A_654 = vector.broadcast %shift_right_arithmetic3A_653 : i32 to vector<16xi32>
      %shift_right_arithmetic3A_655 = arith.shrsi %bitcast3A_652, %shift_right_arithmetic3A_654 : vector<16xi32>
      %add3A_656 = arith.addi %add3A_645, %shift_right_arithmetic3A_655 : vector<16xi32>
      %get3A_657 = arith.constant 560 : index
      %get3A_658 = tpu.vector_load %arg5[%get3A_657] {strides = array<i32>} : memref<576xf32, #tpu.memory_space<vmem>>, vector<16xf32>,
      %min3A_659 = arith.constant 0.000000e+00 : f32
      %min3A_660 = vector.broadcast %min3A_659 : f32 to vector<16xf32>
      %min3A_661 = arith.minimumf %get3A_658, %min3A_660 : vector<16xf32>
      %add3A_662 = arith.addf %add3A_651, %min3A_661 : vector<16xf32>
      %bitcast3A_663 = vector.bitcast %get3A_658 : vector<16xf32> to vector<16xi32>
      %shift_right_arithmetic3A_664 = arith.constant 31 : i32
      %shift_right_arithmetic3A_665 = vector.broadcast %shift_right_arithmetic3A_664 : i32 to vector<16xi32>
      %shift_right_arithmetic3A_666 = arith.shrsi %bitcast3A_663, %shift_right_arithmetic3A_665 : vector<16xi32>
      %add3A_667 = arith.addi %add3A_656, %shift_right_arithmetic3A_666 : vector<16xi32>
      %swap3A_668 = arith.constant 0 : index
      %swap3A_669 = tpu.vector_load %arg6[%swap3A_668] {strides = array<i32>} : memref<16xf32, #tpu.memory_space<vmem>>, vector<16xf32>,
      tpu.vector_store %arg6[%swap3A_668], %add3A_662 {strides = array<i32>} : memref<16xf32, #tpu.memory_space<vmem>>, vector<16xf32>,
      %swap3A_670 = arith.constant 0 : index
      %swap3A_671 = tpu.vector_load %arg7[%swap3A_670] {strides = array<i32>} : memref<16xi32, #tpu.memory_space<vmem>>, vector<16xi32>,
      tpu.vector_store %arg7[%swap3A_670], %add3A_667 {strides = array<i32>} : memref<16xi32, #tpu.memory_space<vmem>>, vector<16xi32>,
    } else {
    }
    "tpu.region"() ({
      %run_scoped3A = tpu.sem_alloc : memref<!tpu.dma_semaphore, #tpu.memory_space<semaphore_mem>>
      %dma_start3A_272 = arith.constant 0 : i32
      %dma_start3A_273 = tpu.memref_slice %arg8[%arg1, %dma_start3A_272] : memref<16x16xf32, #tpu.memory_space<vmem_shared>> -> memref<1x16xf32, #tpu.memory_space<vmem_shared>>
      %dma_start3A_274 = tpu.memref_squeeze %dma_start3A_273 : memref<1x16xf32, #tpu.memory_space<vmem_shared>> -> memref<16xf32, #tpu.memory_space<vmem_shared>>
      %dma_start3A_275 = arith.constant 0 : i32
      %dma_start3A_276 = tpu.memref_slice %arg8[%arg1, %dma_start3A_275] : memref<16x16xf32, #tpu.memory_space<vmem_shared>> -> memref<1x16xf32, #tpu.memory_space<vmem_shared>>
      %dma_start3A_277 = tpu.memref_squeeze %dma_start3A_276 : memref<1x16xf32, #tpu.memory_space<vmem_shared>> -> memref<16xf32, #tpu.memory_space<vmem_shared>>
      tpu.enqueue_dma source(%arg6 : memref<16xf32, #tpu.memory_space<vmem>>) target(%dma_start3A_277 : memref<16xf32, #tpu.memory_space<vmem_shared>>) target_semaphore(%run_scoped3A : memref<!tpu.dma_semaphore, #tpu.memory_space<semaphore_mem>>)
      %dma_wait3A_278 = arith.constant 0 : i32
      %dma_wait3A_279 = tpu.memref_slice %arg8[%arg1, %dma_wait3A_278] : memref<16x16xf32, #tpu.memory_space<vmem_shared>> -> memref<1x16xf32, #tpu.memory_space<vmem_shared>>
      %dma_wait3A_280 = tpu.memref_squeeze %dma_wait3A_279 : memref<1x16xf32, #tpu.memory_space<vmem_shared>> -> memref<16xf32, #tpu.memory_space<vmem_shared>>
      %dma_wait3A_281 = arith.constant 0 : i32
      %dma_wait3A_282 = tpu.memref_slice %arg8[%arg1, %dma_wait3A_281] : memref<16x16xf32, #tpu.memory_space<vmem_shared>> -> memref<1x16xf32, #tpu.memory_space<vmem_shared>>
      %dma_wait3A_283 = tpu.memref_squeeze %dma_wait3A_282 : memref<1x16xf32, #tpu.memory_space<vmem_shared>> -> memref<16xf32, #tpu.memory_space<vmem_shared>>
      tpu.wait_dma2 semaphore(%run_scoped3A : memref<!tpu.dma_semaphore, #tpu.memory_space<semaphore_mem>>) src(%arg6 : memref<16xf32, #tpu.memory_space<vmem>>) dst(%dma_wait3A_283 : memref<16xf32, #tpu.memory_space<vmem_shared>>)
      tpu.yield
    }) : () -> ()
    "tpu.region"() ({
      %run_scoped3A = tpu.sem_alloc : memref<!tpu.dma_semaphore, #tpu.memory_space<semaphore_mem>>
      %dma_start3A_272 = arith.constant 0 : i32
      %dma_start3A_273 = tpu.memref_slice %arg9[%arg1, %dma_start3A_272] : memref<16x16xi32, #tpu.memory_space<vmem_shared>> -> memref<1x16xi32, #tpu.memory_space<vmem_shared>>
      %dma_start3A_274 = tpu.memref_squeeze %dma_start3A_273 : memref<1x16xi32, #tpu.memory_space<vmem_shared>> -> memref<16xi32, #tpu.memory_space<vmem_shared>>
      %dma_start3A_275 = arith.constant 0 : i32
      %dma_start3A_276 = tpu.memref_slice %arg9[%arg1, %dma_start3A_275] : memref<16x16xi32, #tpu.memory_space<vmem_shared>> -> memref<1x16xi32, #tpu.memory_space<vmem_shared>>
      %dma_start3A_277 = tpu.memref_squeeze %dma_start3A_276 : memref<1x16xi32, #tpu.memory_space<vmem_shared>> -> memref<16xi32, #tpu.memory_space<vmem_shared>>
      tpu.enqueue_dma source(%arg7 : memref<16xi32, #tpu.memory_space<vmem>>) target(%dma_start3A_277 : memref<16xi32, #tpu.memory_space<vmem_shared>>) target_semaphore(%run_scoped3A : memref<!tpu.dma_semaphore, #tpu.memory_space<semaphore_mem>>)
      %dma_wait3A_278 = arith.constant 0 : i32
      %dma_wait3A_279 = tpu.memref_slice %arg9[%arg1, %dma_wait3A_278] : memref<16x16xi32, #tpu.memory_space<vmem_shared>> -> memref<1x16xi32, #tpu.memory_space<vmem_shared>>
      %dma_wait3A_280 = tpu.memref_squeeze %dma_wait3A_279 : memref<1x16xi32, #tpu.memory_space<vmem_shared>> -> memref<16xi32, #tpu.memory_space<vmem_shared>>
      %dma_wait3A_281 = arith.constant 0 : i32
      %dma_wait3A_282 = tpu.memref_slice %arg9[%arg1, %dma_wait3A_281] : memref<16x16xi32, #tpu.memory_space<vmem_shared>> -> memref<1x16xi32, #tpu.memory_space<vmem_shared>>
      %dma_wait3A_283 = tpu.memref_squeeze %dma_wait3A_282 : memref<1x16xi32, #tpu.memory_space<vmem_shared>> -> memref<16xi32, #tpu.memory_space<vmem_shared>>
      tpu.wait_dma2 semaphore(%run_scoped3A : memref<!tpu.dma_semaphore, #tpu.memory_space<semaphore_mem>>) src(%arg7 : memref<16xi32, #tpu.memory_space<vmem>>) dst(%dma_wait3A_283 : memref<16xi32, #tpu.memory_space<vmem_shared>>)
      tpu.yield
    }) : () -> ()
    %barrier3A = arith.constant 0 : index
    tpu.barrier barrier_id(%barrier3A)
    %eq3A_267 = arith.constant 0 : i32
    %eq3A_268 = arith.cmpi eq, %arg1, %eq3A_267 : i32
    %convert_element_type3A_269 = arith.extui %eq3A_268 : i1 to i32
    %cond3A_270 = arith.constant 0 : i32
    %cond3A_271 = arith.cmpi ne, %convert_element_type3A_269, %cond3A_270 : i32
    scf.if %cond3A_271 {
      "tpu.region"() ({
        %run_scoped3A = tpu.sem_alloc : memref<!tpu.dma_semaphore, #tpu.memory_space<semaphore_mem>>
        tpu.enqueue_dma source(%arg8 : memref<16x16xf32, #tpu.memory_space<vmem_shared>>) target(%arg10 : memref<16x16xf32, #tpu.memory_space<vmem>>) target_semaphore(%run_scoped3A : memref<!tpu.dma_semaphore, #tpu.memory_space<semaphore_mem>>)
        tpu.wait_dma2 semaphore(%run_scoped3A : memref<!tpu.dma_semaphore, #tpu.memory_space<semaphore_mem>>) src(%arg8 : memref<16x16xf32, #tpu.memory_space<vmem_shared>>) dst(%arg10 : memref<16x16xf32, #tpu.memory_space<vmem>>)
        tpu.yield
      }) : () -> ()
      "tpu.region"() ({
        %run_scoped3A = tpu.sem_alloc : memref<!tpu.dma_semaphore, #tpu.memory_space<semaphore_mem>>
        tpu.enqueue_dma source(%arg9 : memref<16x16xi32, #tpu.memory_space<vmem_shared>>) target(%arg11 : memref<16x16xi32, #tpu.memory_space<vmem>>) target_semaphore(%run_scoped3A : memref<!tpu.dma_semaphore, #tpu.memory_space<semaphore_mem>>)
        tpu.wait_dma2 semaphore(%run_scoped3A : memref<!tpu.dma_semaphore, #tpu.memory_space<semaphore_mem>>) src(%arg9 : memref<16x16xi32, #tpu.memory_space<vmem_shared>>) dst(%arg11 : memref<16x16xi32, #tpu.memory_space<vmem>>)
        tpu.yield
      }) : () -> ()
      %get3A = arith.constant 0 : i32
      %get3A_272 = arith.index_cast %get3A : i32 to index
      %get3A_273 = arith.constant 0 : index
      %get3A_274 = tpu.vector_load %arg10[%get3A_272, %get3A_273] {strides = array<i32>} : memref<16x16xf32, #tpu.memory_space<vmem>>, vector<16xf32>,
      %get3A_275 = arith.constant 0 : i32
      %get3A_276 = arith.index_cast %get3A_275 : i32 to index
      %get3A_277 = arith.constant 0 : index
      %get3A_278 = tpu.vector_load %arg11[%get3A_276, %get3A_277] {strides = array<i32>} : memref<16x16xi32, #tpu.memory_space<vmem>>, vector<16xi32>,
      %get3A_279 = arith.constant 1 : i32
      %get3A_280 = arith.index_cast %get3A_279 : i32 to index
      %get3A_281 = arith.constant 0 : index
      %get3A_282 = tpu.vector_load %arg10[%get3A_280, %get3A_281] {strides = array<i32>} : memref<16x16xf32, #tpu.memory_space<vmem>>, vector<16xf32>,
      %add3A_283 = arith.addf %get3A_274, %get3A_282 : vector<16xf32>
      %get3A_284 = arith.constant 1 : i32
      %get3A_285 = arith.index_cast %get3A_284 : i32 to index
      %get3A_286 = arith.constant 0 : index
      %get3A_287 = tpu.vector_load %arg11[%get3A_285, %get3A_286] {strides = array<i32>} : memref<16x16xi32, #tpu.memory_space<vmem>>, vector<16xi32>,
      %add3A_288 = arith.addi %get3A_278, %get3A_287 : vector<16xi32>
      %get3A_289 = arith.constant 2 : i32
      %get3A_290 = arith.index_cast %get3A_289 : i32 to index
      %get3A_291 = arith.constant 0 : index
      %get3A_292 = tpu.vector_load %arg10[%get3A_290, %get3A_291] {strides = array<i32>} : memref<16x16xf32, #tpu.memory_space<vmem>>, vector<16xf32>,
      %add3A_293 = arith.addf %add3A_283, %get3A_292 : vector<16xf32>
      %get3A_294 = arith.constant 2 : i32
      %get3A_295 = arith.index_cast %get3A_294 : i32 to index
      %get3A_296 = arith.constant 0 : index
      %get3A_297 = tpu.vector_load %arg11[%get3A_295, %get3A_296] {strides = array<i32>} : memref<16x16xi32, #tpu.memory_space<vmem>>, vector<16xi32>,
      %add3A_298 = arith.addi %add3A_288, %get3A_297 : vector<16xi32>
      %get3A_299 = arith.constant 3 : i32
      %get3A_300 = arith.index_cast %get3A_299 : i32 to index
      %get3A_301 = arith.constant 0 : index
      %get3A_302 = tpu.vector_load %arg10[%get3A_300, %get3A_301] {strides = array<i32>} : memref<16x16xf32, #tpu.memory_space<vmem>>, vector<16xf32>,
      %add3A_303 = arith.addf %add3A_293, %get3A_302 : vector<16xf32>
      %get3A_304 = arith.constant 3 : i32
      %get3A_305 = arith.index_cast %get3A_304 : i32 to index
      %get3A_306 = arith.constant 0 : index
      %get3A_307 = tpu.vector_load %arg11[%get3A_305, %get3A_306] {strides = array<i32>} : memref<16x16xi32, #tpu.memory_space<vmem>>, vector<16xi32>,
      %add3A_308 = arith.addi %add3A_298, %get3A_307 : vector<16xi32>
      %get3A_309 = arith.constant 4 : i32
      %get3A_310 = arith.index_cast %get3A_309 : i32 to index
      %get3A_311 = arith.constant 0 : index
      %get3A_312 = tpu.vector_load %arg10[%get3A_310, %get3A_311] {strides = array<i32>} : memref<16x16xf32, #tpu.memory_space<vmem>>, vector<16xf32>,
      %add3A_313 = arith.addf %add3A_303, %get3A_312 : vector<16xf32>
      %get3A_314 = arith.constant 4 : i32
      %get3A_315 = arith.index_cast %get3A_314 : i32 to index
      %get3A_316 = arith.constant 0 : index
      %get3A_317 = tpu.vector_load %arg11[%get3A_315, %get3A_316] {strides = array<i32>} : memref<16x16xi32, #tpu.memory_space<vmem>>, vector<16xi32>,
      %add3A_318 = arith.addi %add3A_308, %get3A_317 : vector<16xi32>
      %get3A_319 = arith.constant 5 : i32
      %get3A_320 = arith.index_cast %get3A_319 : i32 to index
      %get3A_321 = arith.constant 0 : index
      %get3A_322 = tpu.vector_load %arg10[%get3A_320, %get3A_321] {strides = array<i32>} : memref<16x16xf32, #tpu.memory_space<vmem>>, vector<16xf32>,
      %add3A_323 = arith.addf %add3A_313, %get3A_322 : vector<16xf32>
      %get3A_324 = arith.constant 5 : i32
      %get3A_325 = arith.index_cast %get3A_324 : i32 to index
      %get3A_326 = arith.constant 0 : index
      %get3A_327 = tpu.vector_load %arg11[%get3A_325, %get3A_326] {strides = array<i32>} : memref<16x16xi32, #tpu.memory_space<vmem>>, vector<16xi32>,
      %add3A_328 = arith.addi %add3A_318, %get3A_327 : vector<16xi32>
      %get3A_329 = arith.constant 6 : i32
      %get3A_330 = arith.index_cast %get3A_329 : i32 to index
      %get3A_331 = arith.constant 0 : index
      %get3A_332 = tpu.vector_load %arg10[%get3A_330, %get3A_331] {strides = array<i32>} : memref<16x16xf32, #tpu.memory_space<vmem>>, vector<16xf32>,
      %add3A_333 = arith.addf %add3A_323, %get3A_332 : vector<16xf32>
      %get3A_334 = arith.constant 6 : i32
      %get3A_335 = arith.index_cast %get3A_334 : i32 to index
      %get3A_336 = arith.constant 0 : index
      %get3A_337 = tpu.vector_load %arg11[%get3A_335, %get3A_336] {strides = array<i32>} : memref<16x16xi32, #tpu.memory_space<vmem>>, vector<16xi32>,
      %add3A_338 = arith.addi %add3A_328, %get3A_337 : vector<16xi32>
      %get3A_339 = arith.constant 7 : i32
      %get3A_340 = arith.index_cast %get3A_339 : i32 to index
      %get3A_341 = arith.constant 0 : index
      %get3A_342 = tpu.vector_load %arg10[%get3A_340, %get3A_341] {strides = array<i32>} : memref<16x16xf32, #tpu.memory_space<vmem>>, vector<16xf32>,
      %add3A_343 = arith.addf %add3A_333, %get3A_342 : vector<16xf32>
      %get3A_344 = arith.constant 7 : i32
      %get3A_345 = arith.index_cast %get3A_344 : i32 to index
      %get3A_346 = arith.constant 0 : index
      %get3A_347 = tpu.vector_load %arg11[%get3A_345, %get3A_346] {strides = array<i32>} : memref<16x16xi32, #tpu.memory_space<vmem>>, vector<16xi32>,
      %add3A_348 = arith.addi %add3A_338, %get3A_347 : vector<16xi32>
      %get3A_349 = arith.constant 8 : i32
      %get3A_350 = arith.index_cast %get3A_349 : i32 to index
      %get3A_351 = arith.constant 0 : index
      %get3A_352 = tpu.vector_load %arg10[%get3A_350, %get3A_351] {strides = array<i32>} : memref<16x16xf32, #tpu.memory_space<vmem>>, vector<16xf32>,
      %add3A_353 = arith.addf %add3A_343, %get3A_352 : vector<16xf32>
      %get3A_354 = arith.constant 8 : i32
      %get3A_355 = arith.index_cast %get3A_354 : i32 to index
      %get3A_356 = arith.constant 0 : index
      %get3A_357 = tpu.vector_load %arg11[%get3A_355, %get3A_356] {strides = array<i32>} : memref<16x16xi32, #tpu.memory_space<vmem>>, vector<16xi32>,
      %add3A_358 = arith.addi %add3A_348, %get3A_357 : vector<16xi32>
      %get3A_359 = arith.constant 9 : i32
      %get3A_360 = arith.index_cast %get3A_359 : i32 to index
      %get3A_361 = arith.constant 0 : index
      %get3A_362 = tpu.vector_load %arg10[%get3A_360, %get3A_361] {strides = array<i32>} : memref<16x16xf32, #tpu.memory_space<vmem>>, vector<16xf32>,
      %add3A_363 = arith.addf %add3A_353, %get3A_362 : vector<16xf32>
      %get3A_364 = arith.constant 9 : i32
      %get3A_365 = arith.index_cast %get3A_364 : i32 to index
      %get3A_366 = arith.constant 0 : index
      %get3A_367 = tpu.vector_load %arg11[%get3A_365, %get3A_366] {strides = array<i32>} : memref<16x16xi32, #tpu.memory_space<vmem>>, vector<16xi32>,
      %add3A_368 = arith.addi %add3A_358, %get3A_367 : vector<16xi32>
      %get3A_369 = arith.constant 10 : i32
      %get3A_370 = arith.index_cast %get3A_369 : i32 to index
      %get3A_371 = arith.constant 0 : index
      %get3A_372 = tpu.vector_load %arg10[%get3A_370, %get3A_371] {strides = array<i32>} : memref<16x16xf32, #tpu.memory_space<vmem>>, vector<16xf32>,
      %add3A_373 = arith.addf %add3A_363, %get3A_372 : vector<16xf32>
      %get3A_374 = arith.constant 10 : i32
      %get3A_375 = arith.index_cast %get3A_374 : i32 to index
      %get3A_376 = arith.constant 0 : index
      %get3A_377 = tpu.vector_load %arg11[%get3A_375, %get3A_376] {strides = array<i32>} : memref<16x16xi32, #tpu.memory_space<vmem>>, vector<16xi32>,
      %add3A_378 = arith.addi %add3A_368, %get3A_377 : vector<16xi32>
      %get3A_379 = arith.constant 11 : i32
      %get3A_380 = arith.index_cast %get3A_379 : i32 to index
      %get3A_381 = arith.constant 0 : index
      %get3A_382 = tpu.vector_load %arg10[%get3A_380, %get3A_381] {strides = array<i32>} : memref<16x16xf32, #tpu.memory_space<vmem>>, vector<16xf32>,
      %add3A_383 = arith.addf %add3A_373, %get3A_382 : vector<16xf32>
      %get3A_384 = arith.constant 11 : i32
      %get3A_385 = arith.index_cast %get3A_384 : i32 to index
      %get3A_386 = arith.constant 0 : index
      %get3A_387 = tpu.vector_load %arg11[%get3A_385, %get3A_386] {strides = array<i32>} : memref<16x16xi32, #tpu.memory_space<vmem>>, vector<16xi32>,
      %add3A_388 = arith.addi %add3A_378, %get3A_387 : vector<16xi32>
      %get3A_389 = arith.constant 12 : i32
      %get3A_390 = arith.index_cast %get3A_389 : i32 to index
      %get3A_391 = arith.constant 0 : index
      %get3A_392 = tpu.vector_load %arg10[%get3A_390, %get3A_391] {strides = array<i32>} : memref<16x16xf32, #tpu.memory_space<vmem>>, vector<16xf32>,
      %add3A_393 = arith.addf %add3A_383, %get3A_392 : vector<16xf32>
      %get3A_394 = arith.constant 12 : i32
      %get3A_395 = arith.index_cast %get3A_394 : i32 to index
      %get3A_396 = arith.constant 0 : index
      %get3A_397 = tpu.vector_load %arg11[%get3A_395, %get3A_396] {strides = array<i32>} : memref<16x16xi32, #tpu.memory_space<vmem>>, vector<16xi32>,
      %add3A_398 = arith.addi %add3A_388, %get3A_397 : vector<16xi32>
      %get3A_399 = arith.constant 13 : i32
      %get3A_400 = arith.index_cast %get3A_399 : i32 to index
      %get3A_401 = arith.constant 0 : index
      %get3A_402 = tpu.vector_load %arg10[%get3A_400, %get3A_401] {strides = array<i32>} : memref<16x16xf32, #tpu.memory_space<vmem>>, vector<16xf32>,
      %add3A_403 = arith.addf %add3A_393, %get3A_402 : vector<16xf32>
      %get3A_404 = arith.constant 13 : i32
      %get3A_405 = arith.index_cast %get3A_404 : i32 to index
      %get3A_406 = arith.constant 0 : index
      %get3A_407 = tpu.vector_load %arg11[%get3A_405, %get3A_406] {strides = array<i32>} : memref<16x16xi32, #tpu.memory_space<vmem>>, vector<16xi32>,
      %add3A_408 = arith.addi %add3A_398, %get3A_407 : vector<16xi32>
      %get3A_409 = arith.constant 14 : i32
      %get3A_410 = arith.index_cast %get3A_409 : i32 to index
      %get3A_411 = arith.constant 0 : index
      %get3A_412 = tpu.vector_load %arg10[%get3A_410, %get3A_411] {strides = array<i32>} : memref<16x16xf32, #tpu.memory_space<vmem>>, vector<16xf32>,
      %add3A_413 = arith.addf %add3A_403, %get3A_412 : vector<16xf32>
      %get3A_414 = arith.constant 14 : i32
      %get3A_415 = arith.index_cast %get3A_414 : i32 to index
      %get3A_416 = arith.constant 0 : index
      %get3A_417 = tpu.vector_load %arg11[%get3A_415, %get3A_416] {strides = array<i32>} : memref<16x16xi32, #tpu.memory_space<vmem>>, vector<16xi32>,
      %add3A_418 = arith.addi %add3A_408, %get3A_417 : vector<16xi32>
      %get3A_419 = arith.constant 15 : i32
      %get3A_420 = arith.index_cast %get3A_419 : i32 to index
      %get3A_421 = arith.constant 0 : index
      %get3A_422 = tpu.vector_load %arg10[%get3A_420, %get3A_421] {strides = array<i32>} : memref<16x16xf32, #tpu.memory_space<vmem>>, vector<16xf32>,
      %add3A_423 = arith.addf %add3A_413, %get3A_422 : vector<16xf32>
      %get3A_424 = arith.constant 15 : i32
      %get3A_425 = arith.index_cast %get3A_424 : i32 to index
      %get3A_426 = arith.constant 0 : index
      %get3A_427 = tpu.vector_load %arg11[%get3A_425, %get3A_426] {strides = array<i32>} : memref<16x16xi32, #tpu.memory_space<vmem>>, vector<16xi32>,
      %add3A_428 = arith.addi %add3A_418, %get3A_427 : vector<16xi32>
      %reduce_sum3A = arith.constant true
      %reduce_sum3A_429 = vector.broadcast %reduce_sum3A : i1 to vector<16xi1>
      %reduce_sum3A_430 = tpu.scan <sum>, %add3A_423 masked %reduce_sum3A_429 : vector<16xf32>, vector<16xi1> -> vector<16xf32>
      %reduce_sum3A_431 = vector.extract %reduce_sum3A_430[15] : f32 from vector<16xf32>
      %reduce_sum3A_432 = arith.constant true
      %reduce_sum3A_433 = vector.broadcast %reduce_sum3A_432 : i1 to vector<16xi1>
      %reduce_sum3A_434 = tpu.scan <sum>, %add3A_428 masked %reduce_sum3A_433 : vector<16xi32>, vector<16xi1> -> vector<16xi32>
      %reduce_sum3A_435 = vector.extract %reduce_sum3A_434[15] : i32 from vector<16xi32>
      %neg3A = arith.constant 0 : i32
      %neg3A_436 = arith.subi %neg3A, %reduce_sum3A_435 : i32
      %convert_element_type3A_437 = arith.sitofp %neg3A_436 : i32 to f32
      %broadcast_in_dim3A_438 = vector.broadcast %reduce_sum3A_431 : f32 to vector<16xf32>
      %broadcast_in_dim3A_439 = vector.broadcast %convert_element_type3A_437 : f32 to vector<16xf32>
      %div3A = arith.divf %broadcast_in_dim3A_438, %broadcast_in_dim3A_439 : vector<16xf32>
      %swap3A_440 = arith.constant 0 : index
      %swap3A_441 = tpu.vector_load %arg12[%swap3A_440] {strides = array<i32>} : memref<16xf32, #tpu.memory_space<vmem>>, vector<16xf32>,
      tpu.vector_store %arg12[%swap3A_440], %div3A {strides = array<i32>} : memref<16xf32, #tpu.memory_space<vmem>>, vector<16xf32>,
      "tpu.region"() ({
        %run_scoped3A = tpu.sem_alloc : memref<!tpu.dma_semaphore, #tpu.memory_space<semaphore_mem>>
        tpu.enqueue_dma source(%arg12 : memref<16xf32, #tpu.memory_space<vmem>>) target(%arg3 : memref<16xf32, #tpu.memory_space<hbm>>) target_semaphore(%run_scoped3A : memref<!tpu.dma_semaphore, #tpu.memory_space<semaphore_mem>>)
        tpu.wait_dma2 semaphore(%run_scoped3A : memref<!tpu.dma_semaphore, #tpu.memory_space<semaphore_mem>>) src(%arg12 : memref<16xf32, #tpu.memory_space<vmem>>) dst(%arg3 : memref<16xf32, #tpu.memory_space<hbm>>)
        tpu.yield
      }) : () -> ()
    } else {
    }
    return
  }
}

</mosaic_0001>

<sc_bundles>
// kernel: kernel.3.cloned.1.call-start
scs
__scs_entry_jumppad:
0x0: {  	(pc) =	sbr.rel $0x88, $3  }
0x1: {  	(tag) =	ssettag $0x0;
	lr =	simm.s32 $0x1  }
0x2: {  	[smem:$0x3FA0] =	sst lr;
	_ =	strace $0xD0000000  }
0x3: {  	_ = 	snop  }
0x4: {  	_ = 	snop  }
0x5: {  	_ = 	snop  }
0x6: {  	_ = 	snop  }
0x7: {  	_ = 	snop  }
__scs_overlays_trampoline_lowered:
0x8: {  	[smem:$0x3FAF] =	sst s0  }
0x9: {  	[smem:$0x3FB0] =	sst s1  }
0xa: {  	[smem:$0x3FB1] =	sst s2  }
0xb: {  	[smem:$0x3FB2] =	sst s3  }
0xc: {  	[smem:$0x3FB3] =	sst s4  }
0xd: {  	[smem:$0x3FB4] =	sst s5  }
0xe: {  	[smem:$0x3FB5] =	sst s6  }
0xf: {  	[smem:$0x3FB6] =	sst s7  }
0x10: {  	[smem:$0x3FB7] =	sst s8  }
0x11: {  	[smem:$0x3FB8] =	sst s9;
	s0 =	simm.s32 @!p0 $0x0  }
0x12: {  	s1 =	sld [smem:$0x3F9E];
	s0 =	simm.s32 @p0 $0x1  }
0x13: {  	[smem:$0x3FB9] =	sst s0;
	s0 =	simm.s32 @!p1 $0x0  }
0x14: {  	s2 =	sld [smem:$0x3F9D];
	s0 =	simm.s32 @p1 $0x1  }
0x15: {  	[smem:$0x3FBA] =	sst s0;
	s0 =	simm.s32 @!p2 $0x0  }
0x16: {  	s3 =	sld [smem:$0x3FDB];
	s0 =	simm.s32 @p2 $0x1  }
0x17: {  	s4 =	simm.s32 $0x1BF5;
	[smem:$0x3FBC] =	sst s0  }
0x18: {  	s0 =	sld [smem:$0x3F9F];
	_ =	swait.ge [sflag:s4], $0x0  }
0x19: {  	s7 =	sld [smem:$0x3FA0]  }
0x1a: {  	s8 =	sadd.s32 $0xFFFFE003, lr  }
0x1b: {  	s9 =	sadd.s32 $0xFFFFFEF7, lr;
	s5 =	simm.s32 $0xFFFFFFFF;
	p2 =	slt.u32 s8, $0xFFFFF086  }
0x1c: {  	p1 =	slt.u32 s9, $0xF7A;
	s5 =	simm.s32 @!p2 $0x0  }
0x1d: {  	s5 =	simm.s32 @p1 $0x1;
	p0 =	seq.s32 s7, s2  }
0x1e: {  	s7 =	smul.u32 @!p0 $0xF7A, s2;
	p2 =	seq.s32 @!p0 s5, $0x0  }
0x1f: {  	s9 =	smul.u32 $0xF7A, s1;
	s8 =	simm.s32 @!p0 $0x1BF5;
	p2 =	por !p2, p0  }
0x20: {  	[sflag:s8] =	ssyncset.s32 @!p0 $0xFFFFF086;
	s6 =	sadd.s32 @!p0 s3, s7;
	s7 =	simm.s32 @!p0 $0x108  }
0x21: {  	s3 =	sadd.s32 s3, s9;
	s6 =	sadd.s32 @!p0 $0x88, s6;
	s7 =	simm.s32 @p2 $0x1082  }
0x22: {  	[simem:s7], [sflag:s8] =	dma.local @!p0 [hbm:s6], $0xF7A  }
0x23: {  	s9 =	sor.u32 $0xD0000000, s2;
	s6 =	simm.s32 $0x108;
	_ =	swait.ge @!p0 [sflag:s8], $0x0  }
0x24: {  	s3 =	sadd.s32 $0x88, s3;
	s6 =	simm.s32 @!p1 $0x1082;
	[sflag:s4] =	ssyncset.s32 $0xFFFFF086  }
0x25: {  	[simem:s6], [sflag:s4] =	dma.local [hbm:s3], $0xF7A  }
0x26: {  	[smem:$0x3FA0] =	sst s1;
	(tag) =	ssettag s2;
	_ =	strace s9  }
0x27: {  	s1 =	sld [smem:$0x3FB0]  }
0x28: {  	s2 =	sld [smem:$0x3FB1]  }
0x29: {  	s4 =	sld [smem:$0x3FB3]  }
0x2a: {  	p0 =	seq.s32 s5, $0x0;
	s5 =	sld [smem:$0x3FB4]  }
0x2b: {  	s6 =	sld [smem:$0x3FB5]  }
0x2c: {  	s7 =	sld [smem:$0x3FB6]  }
0x2d: {  	s3 =	simm.s32 $0x108;
	s8 =	sld [smem:$0x3FB7]  }
0x2e: {  	s3 =	simm.s32 @!p0 $0x1082;
	s9 =	sld [smem:$0x3FB8]  }
0x2f: {  	lr =	sadd.s32 s0, s3;
	s0 =	sld [smem:$0x3FAF]  }
0x30: {  	s3 =	sld [smem:$0x3FB2]  }
0x31: {  	[smem:$0x3FBB] =	sst s10  }
0x32: {  	s10 =	sld [smem:$0x3FB9];
	_ =	sdelay $0x3  }
0x33: {  	p0 =	seq.s32 s10, $0x1;
	s10 =	sld [smem:$0x3FBB];
	_ =	sdelay $0x3  }
0x34: {  	[smem:$0x3FBB] =	sst s10  }
0x35: {  	s10 =	sld [smem:$0x3FBA];
	_ =	sdelay $0x3  }
0x36: {  	p1 =	seq.s32 s10, $0x1;
	s10 =	sld [smem:$0x3FBB];
	_ =	sdelay $0x3  }
0x37: {  	[smem:$0x3FBB] =	sst s10  }
0x38: {  	s10 =	sld [smem:$0x3FBC]  }
0x39: {  	_ = 	snop;
	(pc) =	sbr.ind lr, $3  }
0x3a: {  	_ = 	snop  }
0x3b: {  	_ = 	snop  }
0x3c: {  	p2 =	seq.s32 s10, $0x1;
	s10 =	sld [smem:$0x3FBB]  }
0x3d: {  	_ =	shalt  }
0x3e: {  	_ =	shalt  }
0x3f: {  	_ =	shalt  }
0x40: {  	_ =	shalt  }
0x41: {  	_ =	shalt  }
0x42: {  	_ =	shalt  }
0x43: {  	_ =	shalt  }
0x44: {  	_ =	shalt  }
0x45: {  	_ =	shalt  }
0x46: {  	_ =	shalt  }
0x47: {  	_ =	shalt  }
0x48: {  	_ =	shalt  }
0x49: {  	_ =	shalt  }
0x4a: {  	_ =	shalt  }
0x4b: {  	_ =	shalt  }
0x4c: {  	_ =	shalt  }
0x4d: {  	_ =	shalt  }
0x4e: {  	_ =	shalt  }
0x4f: {  	_ =	shalt  }
0x50: {  	_ =	shalt  }
0x51: {  	_ =	shalt  }
0x52: {  	_ =	shalt  }
0x53: {  	_ =	shalt  }
0x54: {  	_ =	shalt  }
0x55: {  	_ =	shalt  }
0x56: {  	_ =	shalt  }
0x57: {  	_ =	shalt  }
0x58: {  	_ =	shalt  }
0x59: {  	_ =	shalt  }
0x5a: {  	_ =	shalt  }
0x5b: {  	_ =	shalt  }
0x5c: {  	_ =	shalt  }
0x5d: {  	_ =	shalt  }
0x5e: {  	_ =	shalt  }
0x5f: {  	_ =	shalt  }
0x60: {  	_ =	shalt  }
0x61: {  	_ =	shalt  }
0x62: {  	_ =	shalt  }
0x63: {  	_ =	shalt  }
0x64: {  	_ =	shalt  }
0x65: {  	_ =	shalt  }
0x66: {  	_ =	shalt  }
0x67: {  	_ =	shalt  }
0x68: {  	_ =	shalt  }
0x69: {  	_ =	shalt  }
0x6a: {  	_ =	shalt  }
0x6b: {  	_ =	shalt  }
0x6c: {  	_ =	shalt  }
0x6d: {  	_ =	shalt  }
0x6e: {  	_ =	shalt  }
0x6f: {  	_ =	shalt  }
0x70: {  	_ =	shalt  }
0x71: {  	_ =	shalt  }
0x72: {  	_ =	shalt  }
0x73: {  	_ =	shalt  }
0x74: {  	_ =	shalt  }
0x75: {  	_ =	shalt  }
0x76: {  	_ =	shalt  }
0x77: {  	_ =	shalt  }
0x78: {  	_ =	shalt  }
0x79: {  	_ =	shalt  }
0x7a: {  	_ =	shalt  }
0x7b: {  	_ =	shalt  }
0x7c: {  	_ =	shalt  }
0x7d: {  	_ =	shalt  }
0x7e: {  	_ =	shalt  }
0x7f: {  	_ =	shalt  }
0x80: {  	_ =	shalt  }
0x81: {  	_ =	shalt  }
0x82: {  	_ =	shalt  }
0x83: {  	_ =	shalt  }
0x84: {  	_ =	shalt  }
0x85: {  	_ =	shalt  }
0x86: {  	_ =	shalt  }
0x87: {  	_ =	shalt  }
.Lfunc_end0:
.L_simem_size_0:
called_computation_lowered:
.L_overlay_start_0:
0x88: {  	s0 =	sld [smem:$0x3FD9]  }
0x89: {  	s1 =	sld [smem:$0x3FFE];
	_ =	sdelay $0x3  }
0x8a: {  	s0 =	sadd.s32 s1, s0  }
0x8b: {  	[smem:$0x3FC7] =	sst s0  }
0x8c: {  	_ = 	snop  }
0x8d: {  	s0 =	sld [smem:$0x3FC9]  }
0x8e: {  	s17 =	sld [smem:$0x3FD0];
	(tm) =	ssettm $0x1  }
0x8f: {  	s2 =	sld [smem:$0x3FFB];
	_ =	sdelay $0x3  }
0x90: {  	_ =	strace s2  }
0x91: {  	s2 =	sld [smem:$0x3FFC];
	_ =	sdelay $0x3  }
0x92: {  	_ =	strace s2  }
0x93: {  	s2 =	sld [smem:$0x3FFD];
	_ =	sdelay $0x3  }
0x94: {  	_ =	strace s2  }
0x95: {  	_ =	strace $0x8FFFFFFF  }
0x96: {  	s18 =	sld [smem:$0x3FDB];
	_ =	sdelay $0x1  }
0x97: {  	s3 =	simm.s32 $_scs_section_size  }
0x98: {  	s4 =	simm.s32 $_size__tile_overlayer_lowered;
	s5 =	simm.s32 $_tile_overlayer_lowered  }
0x99: {  	s21 =	simm.s32 $0x1BFF;
	s20 =	sshll.u32 s5, $0x1;
	s2 =	sadd.s32 s3, s18  }
0x9a: {  	s6 =	simm.s32 $0x0;
	s19 =	sshll.u32 s4, $0x1;
	s4 =	sadd.s32 s20, s2  }
0x9b: {  	[timem:s6], [sflag:s21] =	dma.local [hbm:s4], s19  }
0x9c: {  	_ =	swait.ge [sflag:s21], s19  }
0x9d: {  	s3 =	ssub.s32 $0x0, s19;
	[sflag:s21] =	ssyncset.done $0x0  }
0x9e: {  	[sflag:s21] =	ssyncadd.s32 s3;
	_ =	sdelay $0x1  }
0x9f: {  	s22 =	simm.s32 $0x1B8B  }
0xa0: {  	_ =	swait.ge [sflag:s22], $0x1  }
0xa1: {  	[sflag:s22] =	ssyncset.done $0x0  }
0xa2: {  	s23 =	simm.s32 $0x1B8E;
	[sflag:s22] =	ssyncadd.s32 $0xFFFFFFFF  }
0xa3: {  	s24 =	simm.s32 $execute0_lowered;
	[smem:$0x3FD2] =	sst s23  }
0xa4: {  	s3 =	sshll.u32 s24, $0x1;
	_ =	strace $0x80000046;
	[dreg:$0x1] =	wrdreg $0xFFFFFFFF  }
0xa5: {  	s25 =	simm.s32 $_size_execute0_lowered;
	s2 =	sadd.s32 s2, s3;
	[dreg:$0x0] =	wrdreg $0x0  }
0xa6: {  	s3 =	sshll.u32 s25, $0x1;
	[dreg:$0x2] =	wrdreg s2  }
0xa7: {  	[dreg:$0x3] =	wrdreg s3  }
0xa8: {  	[dreg:$0x4] =	wrdreg $0xC0  }
0xa9: {  	_ =	task [dreg:s6], $0x5FFFF  }
0xaa: {  	[dreg:$0x1] =	wrdreg $0xFFFFFFFF  }
0xab: {  	[dreg:$0x0] =	wrdreg $0x60  }
0xac: {  	[dreg:$0x2] =	wrdreg s0  }
0xad: {  	[dreg:$0x3] =	wrdreg s17  }
0xae: {  	[dreg:$0x4] =	wrdreg $0xF7800  }
0xaf: {  	[dreg:$0x5] =	wrdreg $0xF7900  }
0xb0: {  	[dreg:$0x6] =	wrdreg $0x9  }
0xb1: {  	_ =	task.clear_ibuf [dreg:s6], $0x7FFFF;
	_ =	strace $0x90000046  }
0xb2: {  	s26 =	simm.s32 $0x9;
	_ =	strace $0x80000048  }
0xb3: {  	_ =	swait.ge [sflag:s26], $0x1  }
0xb4: {  	[sflag:s26] =	ssyncadd.s32 $0xFFFFFFFF  }
0xb5: {  	_ =	strace $0x90000048  }
0xb6: {  	_ =	sfence  }
0xb7: {  	s28 =	sld [smem:$0x0];
	_ =	sdelay $0x1  }
0xb8: {  	s29 =	srdreg.scid  }
0xb9: {  	s30 =	sshll.u32 s29, $0xD;
	s31 =	sshrl.u32 s29, $0x2  }
0xba: {  	s1 =	sand.u32 $0x1, s29;
	s2 =	sand.u32 $0x4000, s30;
	s0 =	sadd.s32 s31, s28  }
0xbb: {  	s1 =	sor.u32 s2, s1;
	s0 =	sshll.u32 s0, $0x11  }
0xbc: {  	s0 =	sor.u32 s0, s1  }
0xbd: {  	s0 =	sadd.s32 $0x8F2B, s0  }
0xbe: {  	[sflag:s0] =	ssyncadd.remote.s32 $0x1  }
0xbf: {  	_ =	sfence.sel $0xFFFF  }
0xc0: {  	[dreg:$0x0] =	wrdreg $0xFFFFFFFF;
	(pc) =	sbr.abs _section_cstart, $3  }
0xc1: {  	[dreg:$0x1] =	wrdreg $0xFFFFFFFF  }
0xc2: {  	_ =	task.clear_ibuf [dreg:s6], $0x2FFFF;
	_ =	strace $0x9FFFFFFF  }
0xc3: {  	(tm) =	ssettm $0x7FFFFFFF  }
tec
execute0_lowered:
.L_overlay_start_1:
0x0: {  	(tag) =	ssettag $0x1  }
0x1: {  	s4 =	rddreg [dreg:$0x0]  }
0x2: {  	s1 =	rddreg [dreg:$0x1]  }
0x3: {  	s3 =	rddreg [dreg:$0x2];
	s5 =	stileid.u32  }
0x4: {  	s2 =	rddreg [dreg:$0x3];
	s6 =	smul.u32 $0xF400, s5  }
0x5: {  	s0 =	rddreg [dreg:$0x4]  }
0x6: {  	s7 =	simm.s32 $0x0;
	s8 =	simm.s32 $0x10;
	s6 =	sshrl.u32 s6, $0x3  }
0x7: {  	s9 =	simm.s32 $0x400;
	[smem:$0x7FF] =	sst s7;
	s6 =	sadd.s32 s4, s6  }
0x8: {  	s10 =	simm.s32 $0x0;
	_ =	strace $0x80000047;
	s11 =	sadd.s32 $0x0, s6  }
.LBB2_1:
0x9: {  	[tilespmem:s10], [sflag:$0x1] =	stream.linear.gather [hbm4b:s11+s7], $0x80, $0x38;
	[tilespmem:$0x10820] =	vst v63  }
0xa: {  	s11 =	smov.u32 s8;
	s10 =	smov.u32 s9;
	p0 =	sne.s32 s8, $0x3C0  }
.Ltmp0:
0xb: {  	s8 =	sadd.s32 $0x10, s8;
	(pc) =	sbr.rel @p0 .LBB2_1-.Ltmp0, $2  }
0xc: {  	_ =	sdelay $0x2  }
0xd: {  	s9 =	sadd.s32 $0x400, s9;
	s11 =	sadd.s32 s11, s6  }
0xe: {  	[tilespmem:s10], [sflag:$0x1] =	stream.linear.gather [hbm4b:s11+s7], $0x80, $0x38;
	[tilespmem:$0x10820] =	vst v63  }
0xf: {  	s8 =	sadd.s32 $0x3D0, s6;
	s7 =	simm.s32 $0x0;
	s9 =	simm.s32 $0x80  }
0x10: {  	s10 =	simm.s32 $0x10;
	s11 =	simm.s32 $0x480;
	s12 =	sadd.s32 $0x0, s8  }
.LBB2_3:
0x11: {  	[tilespmem:s9], [sflag:$0x2] =	stream.linear.gather [hbm4b:s12+s7], $0x80, $0x38;
	[tilespmem:$0x10820] =	vst v63  }
0x12: {  	s12 =	smov.u32 s10;
	s9 =	smov.u32 s11;
	p0 =	sne.s32 s10, $0x3C0  }
.Ltmp1:
0x13: {  	s10 =	sadd.s32 $0x10, s10;
	(pc) =	sbr.rel @p0 .LBB2_3-.Ltmp1, $2  }
0x14: {  	_ =	sdelay $0x2  }
0x15: {  	s11 =	sadd.s32 $0x400, s11;
	s12 =	sadd.s32 s12, s8  }
0x16: {  	[tilespmem:s9], [sflag:$0x2] =	stream.linear.gather [hbm4b:s12+s7], $0x80, $0x38;
	[tilespmem:$0x10820] =	vst v63  }
0x17: {  	s8 =	sadd.s32 $0x7A0, s6;
	s7 =	simm.s32 $0x0;
	s9 =	simm.s32 $0x100  }
0x18: {  	s10 =	simm.s32 $0x10;
	s11 =	simm.s32 $0x500;
	s12 =	sadd.s32 $0x0, s8  }
.LBB2_5:
0x19: {  	[tilespmem:s9], [sflag:$0x3] =	stream.linear.gather [hbm4b:s12+s7], $0x80, $0x38;
	[tilespmem:$0x10820] =	vst v63  }
0x1a: {  	s12 =	smov.u32 s10;
	s9 =	smov.u32 s11;
	p0 =	sne.s32 s10, $0x3C0  }
.Ltmp2:
0x1b: {  	s10 =	sadd.s32 $0x10, s10;
	(pc) =	sbr.rel @p0 .LBB2_5-.Ltmp2, $2  }
0x1c: {  	_ =	sdelay $0x2  }
0x1d: {  	s11 =	sadd.s32 $0x400, s11;
	s12 =	sadd.s32 s12, s8  }
0x1e: {  	[tilespmem:s9], [sflag:$0x3] =	stream.linear.gather [hbm4b:s12+s7], $0x80, $0x38;
	[tilespmem:$0x10820] =	vst v63  }
0x1f: {  	s8 =	sadd.s32 $0xB70, s6;
	s7 =	simm.s32 $0x0;
	s9 =	simm.s32 $0x180  }
0x20: {  	s10 =	simm.s32 $0x10;
	s11 =	simm.s32 $0x580;
	s12 =	sadd.s32 $0x0, s8  }
.LBB2_7:
0x21: {  	[tilespmem:s9], [sflag:$0x4] =	stream.linear.gather [hbm4b:s12+s7], $0x80, $0x38;
	[tilespmem:$0x10820] =	vst v63  }
0x22: {  	s12 =	smov.u32 s10;
	s9 =	smov.u32 s11;
	p0 =	sne.s32 s10, $0x3C0  }
.Ltmp3:
0x23: {  	s10 =	sadd.s32 $0x10, s10;
	(pc) =	sbr.rel @p0 .LBB2_7-.Ltmp3, $2  }
0x24: {  	_ =	sdelay $0x2  }
0x25: {  	s11 =	sadd.s32 $0x400, s11;
	s12 =	sadd.s32 s12, s8  }
0x26: {  	[tilespmem:s9], [sflag:$0x4] =	stream.linear.gather [hbm4b:s12+s7], $0x80, $0x38;
	[tilespmem:$0x10820] =	vst v63  }
0x27: {  	s8 =	sadd.s32 $0xF40, s6;
	s7 =	simm.s32 $0x0;
	s9 =	simm.s32 $0x200  }
0x28: {  	s10 =	simm.s32 $0x10;
	s11 =	simm.s32 $0x600;
	s12 =	sadd.s32 $0x0, s8  }
.LBB2_9:
0x29: {  	[tilespmem:s9], [sflag:$0x5] =	stream.linear.gather [hbm4b:s12+s7], $0x80, $0x38;
	[tilespmem:$0x10820] =	vst v63  }
0x2a: {  	s12 =	smov.u32 s10;
	s9 =	smov.u32 s11;
	p0 =	sne.s32 s10, $0x3C0  }
.Ltmp4:
0x2b: {  	s10 =	sadd.s32 $0x10, s10;
	(pc) =	sbr.rel @p0 .LBB2_9-.Ltmp4, $2  }
0x2c: {  	_ =	sdelay $0x2  }
0x2d: {  	s11 =	sadd.s32 $0x400, s11;
	s12 =	sadd.s32 s12, s8  }
0x2e: {  	[tilespmem:s9], [sflag:$0x5] =	stream.linear.gather [hbm4b:s12+s7], $0x80, $0x38;
	[tilespmem:$0x10820] =	vst v63  }
0x2f: {  	s8 =	sadd.s32 $0x1310, s6;
	s7 =	simm.s32 $0x0;
	s9 =	simm.s32 $0x280  }
0x30: {  	s10 =	simm.s32 $0x10;
	s11 =	simm.s32 $0x680;
	s12 =	sadd.s32 $0x0, s8  }
.LBB2_11:
0x31: {  	[tilespmem:s9], [sflag:$0x6] =	stream.linear.gather [hbm4b:s12+s7], $0x80, $0x38;
	[tilespmem:$0x10820] =	vst v63  }
0x32: {  	s12 =	smov.u32 s10;
	s9 =	smov.u32 s11;
	p0 =	sne.s32 s10, $0x3C0  }
.Ltmp5:
0x33: {  	s10 =	sadd.s32 $0x10, s10;
	(pc) =	sbr.rel @p0 .LBB2_11-.Ltmp5, $2  }
0x34: {  	_ =	sdelay $0x2  }
0x35: {  	s11 =	sadd.s32 $0x400, s11;
	s12 =	sadd.s32 s12, s8  }
0x36: {  	[tilespmem:s9], [sflag:$0x6] =	stream.linear.gather [hbm4b:s12+s7], $0x80, $0x38;
	[tilespmem:$0x10820] =	vst v63  }
0x37: {  	s8 =	sadd.s32 $0x16E0, s6;
	s7 =	simm.s32 $0x0;
	s9 =	simm.s32 $0x300  }
0x38: {  	s10 =	simm.s32 $0x10;
	s11 =	simm.s32 $0x700;
	s12 =	sadd.s32 $0x0, s8  }
.LBB2_13:
0x39: {  	[tilespmem:s9], [sflag:$0x7] =	stream.linear.gather [hbm4b:s12+s7], $0x80, $0x38;
	[tilespmem:$0x10820] =	vst v63  }
0x3a: {  	s12 =	smov.u32 s10;
	s9 =	smov.u32 s11;
	p0 =	sne.s32 s10, $0x3C0  }
.Ltmp6:
0x3b: {  	s10 =	sadd.s32 $0x10, s10;
	(pc) =	sbr.rel @p0 .LBB2_13-.Ltmp6, $2  }
0x3c: {  	_ =	sdelay $0x2  }
0x3d: {  	s11 =	sadd.s32 $0x400, s11;
	s12 =	sadd.s32 s12, s8  }
0x3e: {  	[tilespmem:s9], [sflag:$0x7] =	stream.linear.gather [hbm4b:s12+s7], $0x80, $0x38;
	[tilespmem:$0x10820] =	vst v63  }
0x3f: {  	s7 =	sadd.s32 $0x1AB0, s6;
	s6 =	simm.s32 $0x0;
	s8 =	simm.s32 $0x380  }
0x40: {  	s9 =	simm.s32 $0x10;
	s10 =	simm.s32 $0x780;
	s11 =	sadd.s32 $0x0, s7  }
.LBB2_15:
0x41: {  	[tilespmem:s8], [sflag:$0x8] =	stream.linear.gather [hbm4b:s11+s6], $0x80, $0x38;
	[tilespmem:$0x10820] =	vst v63  }
0x42: {  	s11 =	smov.u32 s9;
	s8 =	smov.u32 s10;
	p0 =	sne.s32 s9, $0x3C0  }
.Ltmp7:
0x43: {  	s9 =	sadd.s32 $0x10, s9;
	(pc) =	sbr.rel @p0 .LBB2_15-.Ltmp7, $2  }
0x44: {  	_ =	sdelay $0x2  }
0x45: {  	s10 =	sadd.s32 $0x400, s10;
	s11 =	sadd.s32 s11, s7  }
0x46: {  	[tilespmem:s8], [sflag:$0x8] =	stream.linear.gather [hbm4b:s11+s6], $0x80, $0x38;
	[tilespmem:$0x10820] =	vst v63  }
0x47: {  	s30 =	simm.s32 $0x1  }
0x48: {  	_ =	swait.ge [sflag:s30], $0x1E80  }
0x49: {  	[sflag:s30] =	ssyncset.done $0x0  }
0x4a: {  	s31 =	simm.s32 $0x0;
	[sflag:s30] =	ssyncadd.s32 $0xFFFFE180  }
0x4b: {  	v0 =	vld [tilespmem:s31+$0x40]  }
0x4c: {  	v1 =	vld [tilespmem:s31+$0x50]  }
0x4d: {  	v15 =	vld [tilespmem:s31+$0x60]  }
0x4e: {  	v16 =	vld [tilespmem:s31+$0x70]  }
0x4f: {  	v17 =	vld [tilespmem:s31+$0x0]  }
0x50: {  	v11 =	vimm.f32 $0.0e+00;
	v13 =	vld [tilespmem:s31+$0x10]  }
0x51: {  	v2 =	vimm.s32 $0x0;
	v8 =	vimm.f32 $0.0e+00;
	v3 =	vimm.s32 $0x0;
	v14 =	vld [tilespmem:s31+$0x20]  }
0x52: {  	v9 =	vimm.f32 $0.0e+00;
	v10 =	vimm.f32 $0.0e+00;
	v5 =	vimm.s32 $0x0;
	v18 =	vld [tilespmem:s31+$0x30]  }
0x53: {  	v12 =	vmin.f32 v0, $0.0e+00;
	v7 =	vshra.s32 v0, $0x1F;
	v4 =	vmin.f32 v1, $0.0e+00  }
0x54: {  	s6 =	simm.s32 $0x1000;
	v6 =	vshra.s32 v1, $0x1F;
	v0 =	vmin.f32 v15, $0.0e+00;
	v1 =	vimm.s32 $0x0  }
.LBB2_17:
0x55: {  	s7 =	sshra.s32 s6, $0x2;
	p0 =	sne.s32 s6, $0x3C000;
	v19 =	vshra.s32 v15, $0x1F;
	v20 =	vmin.f32 v16, $0.0e+00;
	v21 =	vshra.s32 v16, $0x1F  }
0x56: {  	v15 =	vmin.f32 v17, $0.0e+00;
	v17 =	vshra.s32 v17, $0x1F;
	v23 =	vshra.s32 v13, $0x1F;
	v22 =	vld [tilespmem:s7+$0x40]  }
0x57: {  	v11 =	vadd.f32 v15, v11;
	v25 =	vshra.s32 v14, $0x1F;
	v24 =	vld [tilespmem:s7+$0x50];
	v26 =	vshra.s32 v18, $0x1F  }
0x58: {  	v13 =	vmin.f32 v13, $0.0e+00;
	v14 =	vmin.f32 v14, $0.0e+00;
	v18 =	vmin.f32 v18, $0.0e+00;
	v15 =	vld [tilespmem:s7+$0x60]  }
0x59: {  	v2 =	vadd.s32 v2, v17;
	v8 =	vadd.f32 v13, v8;
	v11 =	vadd.f32 v12, v11;
	v16 =	vld [tilespmem:s7+$0x70]  }
0x5a: {  	v3 =	vadd.s32 v3, v23;
	v9 =	vadd.f32 v14, v9;
	v2 =	vadd.s32 v7, v2;
	v17 =	vld [tilespmem:s7+$0x0]  }
.Ltmp8:
0x5b: {  	v3 =	vadd.s32 v6, v3;
	v7 =	vadd.f32 v18, v10;
	v8 =	vadd.f32 v4, v8;
	v13 =	vld [tilespmem:s7+$0x10];
	(pc) =	sbr.rel @p0 .LBB2_17-.Ltmp8, $4  }
0x5c: {  	v1 =	vadd.s32 v1, v25;
	v4 =	vadd.s32 v5, v26;
	v9 =	vadd.f32 v0, v9;
	v14 =	vld [tilespmem:s7+$0x20]  }
0x5d: {  	v1 =	vadd.s32 v19, v1;
	v5 =	vadd.s32 v21, v4;
	v10 =	vadd.f32 v20, v7;
	v18 =	vld [tilespmem:s7+$0x30]  }
0x5e: {  	v12 =	vmin.f32 v22, $0.0e+00;
	v7 =	vshra.s32 v22, $0x1F  }
0x5f: {  	s6 =	sadd.s32 $0x1000, s6;
	v4 =	vmin.f32 v24, $0.0e+00;
	v6 =	vshra.s32 v24, $0x1F;
	v0 =	vmin.f32 v15, $0.0e+00  }
0x60: {  	s6 =	simm.s32 $0x2  }
0x61: {  	_ =	swait.ge [sflag:s6], $0x1E80  }
0x62: {  	[sflag:s6] =	ssyncset.done $0x0  }
0x63: {  	v19 =	vmin.f32 v16, $0.0e+00;
	v20 =	vshra.s32 v16, $0x1F;
	v16 =	vmin.f32 v17, $0.0e+00;
	s31 =	simm.s32 $0x0;
	[sflag:s6] =	ssyncadd.s32 $0xFFFFE180  }
0x64: {  	v17 =	vshra.s32 v17, $0x1F;
	v11 =	vadd.f32 v16, v11;
	v24 =	vld [tilespmem:s31+$0xC0]  }
0x65: {  	v21 =	vshra.s32 v13, $0x1F;
	v13 =	vmin.f32 v13, $0.0e+00;
	v2 =	vadd.s32 v2, v17;
	v25 =	vld [tilespmem:s31+$0xD0]  }
0x66: {  	v17 =	vadd.f32 v13, v8;
	v16 =	vmin.f32 v18, $0.0e+00;
	v8 =	vadd.f32 v12, v11;
	v13 =	vld [tilespmem:s31+$0xE0]  }
0x67: {  	v11 =	vadd.s32 v3, v21;
	v3 =	vadd.s32 v7, v2;
	v7 =	vadd.f32 v16, v10;
	v16 =	vld [tilespmem:s31+$0xF0]  }
0x68: {  	v22 =	vshra.s32 v14, $0x1F;
	v14 =	vmin.f32 v14, $0.0e+00;
	v4 =	vadd.f32 v4, v17;
	v17 =	vld [tilespmem:s31+$0x80]  }
0x69: {  	v15 =	vshra.s32 v15, $0x1F;
	v23 =	vshra.s32 v18, $0x1F;
	v9 =	vadd.f32 v14, v9;
	v12 =	vld [tilespmem:s31+$0x90]  }
0x6a: {  	v1 =	vadd.s32 v1, v22;
	v10 =	vadd.s32 v5, v23;
	v2 =	vadd.s32 v6, v11;
	v14 =	vld [tilespmem:s31+$0xA0]  }
0x6b: {  	v6 =	vadd.f32 v0, v9;
	v0 =	vadd.s32 v15, v1;
	v1 =	vadd.s32 v20, v10;
	v18 =	vld [tilespmem:s31+$0xB0]  }
0x6c: {  	v5 =	vadd.f32 v19, v7;
	v15 =	vmin.f32 v24, $0.0e+00;
	v11 =	vshra.s32 v24, $0x1F  }
0x6d: {  	s6 =	simm.s32 $0x1000;
	v10 =	vmin.f32 v25, $0.0e+00;
	v9 =	vshra.s32 v25, $0x1F;
	v7 =	vmin.f32 v13, $0.0e+00  }
.LBB2_19:
0x6e: {  	s7 =	sshra.s32 s6, $0x2;
	p0 =	sne.s32 s6, $0x3C000;
	v19 =	vshra.s32 v13, $0x1F;
	v20 =	vmin.f32 v16, $0.0e+00;
	v21 =	vshra.s32 v16, $0x1F  }
0x6f: {  	v13 =	vmin.f32 v17, $0.0e+00;
	v17 =	vshra.s32 v17, $0x1F;
	v23 =	vshra.s32 v12, $0x1F;
	v22 =	vld [tilespmem:s7+$0xC0]  }
0x70: {  	v8 =	vadd.f32 v13, v8;
	v25 =	vshra.s32 v14, $0x1F;
	v24 =	vld [tilespmem:s7+$0xD0];
	v26 =	vshra.s32 v18, $0x1F  }
0x71: {  	v12 =	vmin.f32 v12, $0.0e+00;
	v14 =	vmin.f32 v14, $0.0e+00;
	v18 =	vmin.f32 v18, $0.0e+00;
	v13 =	vld [tilespmem:s7+$0xE0]  }
0x72: {  	v3 =	vadd.s32 v3, v17;
	v4 =	vadd.f32 v12, v4;
	v8 =	vadd.f32 v15, v8;
	v16 =	vld [tilespmem:s7+$0xF0]  }
0x73: {  	v2 =	vadd.s32 v2, v23;
	v6 =	vadd.f32 v14, v6;
	v3 =	vadd.s32 v11, v3;
	v17 =	vld [tilespmem:s7+$0x80]  }
.Ltmp9:
0x74: {  	v2 =	vadd.s32 v9, v2;
	v5 =	vadd.f32 v18, v5;
	v4 =	vadd.f32 v10, v4;
	v12 =	vld [tilespmem:s7+$0x90];
	(pc) =	sbr.rel @p0 .LBB2_19-.Ltmp9, $4  }
0x75: {  	v0 =	vadd.s32 v0, v25;
	v1 =	vadd.s32 v1, v26;
	v6 =	vadd.f32 v7, v6;
	v14 =	vld [tilespmem:s7+$0xA0]  }
0x76: {  	v0 =	vadd.s32 v19, v0;
	v1 =	vadd.s32 v21, v1;
	v5 =	vadd.f32 v20, v5;
	v18 =	vld [tilespmem:s7+$0xB0]  }
0x77: {  	v15 =	vmin.f32 v22, $0.0e+00;
	v11 =	vshra.s32 v22, $0x1F  }
0x78: {  	s6 =	sadd.s32 $0x1000, s6;
	v10 =	vmin.f32 v24, $0.0e+00;
	v9 =	vshra.s32 v24, $0x1F;
	v7 =	vmin.f32 v13, $0.0e+00  }
0x79: {  	s6 =	simm.s32 $0x3  }
0x7a: {  	_ =	swait.ge [sflag:s6], $0x1E80  }
0x7b: {  	[sflag:s6] =	ssyncset.done $0x0  }
0x7c: {  	v19 =	vshra.s32 v13, $0x1F;
	v20 =	vmin.f32 v16, $0.0e+00;
	s31 =	simm.s32 $0x0;
	[sflag:s6] =	ssyncadd.s32 $0xFFFFE180  }
0x7d: {  	v21 =	vshra.s32 v16, $0x1F;
	v13 =	vmin.f32 v17, $0.0e+00;
	v16 =	vshra.s32 v17, $0x1F;
	v24 =	vld [tilespmem:s31+$0x140]  }
0x7e: {  	v17 =	vshra.s32 v12, $0x1F;
	v8 =	vadd.f32 v13, v8;
	v13 =	vmin.f32 v14, $0.0e+00;
	v25 =	vld [tilespmem:s31+$0x150]  }
0x7f: {  	v12 =	vmin.f32 v12, $0.0e+00;
	v22 =	vshra.s32 v14, $0x1F;
	v6 =	vadd.f32 v13, v6;
	v13 =	vld [tilespmem:s31+$0x160]  }
0x80: {  	v3 =	vadd.s32 v3, v16;
	v4 =	vadd.f32 v12, v4;
	v2 =	vadd.s32 v2, v17;
	v16 =	vld [tilespmem:s31+$0x170]  }
0x81: {  	v23 =	vshra.s32 v18, $0x1F;
	v14 =	vmin.f32 v18, $0.0e+00;
	v3 =	vadd.s32 v11, v3;
	v17 =	vld [tilespmem:s31+$0x100]  }
0x82: {  	v2 =	vadd.s32 v9, v2;
	v0 =	vadd.s32 v0, v22;
	v8 =	vadd.f32 v15, v8;
	v12 =	vld [tilespmem:s31+$0x110]  }
0x83: {  	v5 =	vadd.f32 v14, v5;
	v4 =	vadd.f32 v10, v4;
	v1 =	vadd.s32 v1, v23;
	v14 =	vld [tilespmem:s31+$0x120]  }
0x84: {  	v0 =	vadd.s32 v19, v0;
	v6 =	vadd.f32 v7, v6;
	v1 =	vadd.s32 v21, v1;
	v18 =	vld [tilespmem:s31+$0x130]  }
0x85: {  	v5 =	vadd.f32 v20, v5;
	v15 =	vmin.f32 v24, $0.0e+00;
	v11 =	vshra.s32 v24, $0x1F  }
0x86: {  	s6 =	simm.s32 $0x1000;
	v10 =	vmin.f32 v25, $0.0e+00;
	v9 =	vshra.s32 v25, $0x1F;
	v7 =	vmin.f32 v13, $0.0e+00  }
.LBB2_21:
0x87: {  	s7 =	sshra.s32 s6, $0x2;
	p0 =	sne.s32 s6, $0x3C000;
	v19 =	vshra.s32 v13, $0x1F;
	v20 =	vmin.f32 v16, $0.0e+00;
	v21 =	vshra.s32 v16, $0x1F  }
0x88: {  	v13 =	vmin.f32 v17, $0.0e+00;
	v17 =	vshra.s32 v17, $0x1F;
	v23 =	vshra.s32 v12, $0x1F;
	v22 =	vld [tilespmem:s7+$0x140]  }
0x89: {  	v8 =	vadd.f32 v13, v8;
	v25 =	vshra.s32 v14, $0x1F;
	v24 =	vld [tilespmem:s7+$0x150];
	v26 =	vshra.s32 v18, $0x1F  }
0x8a: {  	v12 =	vmin.f32 v12, $0.0e+00;
	v14 =	vmin.f32 v14, $0.0e+00;
	v18 =	vmin.f32 v18, $0.0e+00;
	v13 =	vld [tilespmem:s7+$0x160]  }
0x8b: {  	v3 =	vadd.s32 v3, v17;
	v4 =	vadd.f32 v12, v4;
	v8 =	vadd.f32 v15, v8;
	v16 =	vld [tilespmem:s7+$0x170]  }
0x8c: {  	v2 =	vadd.s32 v2, v23;
	v6 =	vadd.f32 v14, v6;
	v3 =	vadd.s32 v11, v3;
	v17 =	vld [tilespmem:s7+$0x100]  }
.Ltmp10:
0x8d: {  	v2 =	vadd.s32 v9, v2;
	v5 =	vadd.f32 v18, v5;
	v4 =	vadd.f32 v10, v4;
	v12 =	vld [tilespmem:s7+$0x110];
	(pc) =	sbr.rel @p0 .LBB2_21-.Ltmp10, $4  }
0x8e: {  	v0 =	vadd.s32 v0, v25;
	v1 =	vadd.s32 v1, v26;
	v6 =	vadd.f32 v7, v6;
	v14 =	vld [tilespmem:s7+$0x120]  }
0x8f: {  	v0 =	vadd.s32 v19, v0;
	v1 =	vadd.s32 v21, v1;
	v5 =	vadd.f32 v20, v5;
	v18 =	vld [tilespmem:s7+$0x130]  }
0x90: {  	v15 =	vmin.f32 v22, $0.0e+00;
	v11 =	vshra.s32 v22, $0x1F  }
0x91: {  	s6 =	sadd.s32 $0x1000, s6;
	v10 =	vmin.f32 v24, $0.0e+00;
	v9 =	vshra.s32 v24, $0x1F;
	v7 =	vmin.f32 v13, $0.0e+00  }
0x92: {  	s6 =	simm.s32 $0x4  }
0x93: {  	_ =	swait.ge [sflag:s6], $0x1E80  }
0x94: {  	[sflag:s6] =	ssyncset.done $0x0  }
0x95: {  	v19 =	vshra.s32 v13, $0x1F;
	v20 =	vmin.f32 v16, $0.0e+00;
	s31 =	simm.s32 $0x0;
	[sflag:s6] =	ssyncadd.s32 $0xFFFFE180  }
0x96: {  	v21 =	vshra.s32 v16, $0x1F;
	v13 =	vmin.f32 v17, $0.0e+00;
	v16 =	vshra.s32 v17, $0x1F;
	v24 =	vld [tilespmem:s31+$0x1C0]  }
0x97: {  	v17 =	vshra.s32 v12, $0x1F;
	v8 =	vadd.f32 v13, v8;
	v13 =	vmin.f32 v14, $0.0e+00;
	v25 =	vld [tilespmem:s31+$0x1D0]  }
0x98: {  	v12 =	vmin.f32 v12, $0.0e+00;
	v22 =	vshra.s32 v14, $0x1F;
	v6 =	vadd.f32 v13, v6;
	v13 =	vld [tilespmem:s31+$0x1E0]  }
0x99: {  	v3 =	vadd.s32 v3, v16;
	v4 =	vadd.f32 v12, v4;
	v2 =	vadd.s32 v2, v17;
	v16 =	vld [tilespmem:s31+$0x1F0]  }
0x9a: {  	v23 =	vshra.s32 v18, $0x1F;
	v14 =	vmin.f32 v18, $0.0e+00;
	v3 =	vadd.s32 v11, v3;
	v17 =	vld [tilespmem:s31+$0x180]  }
0x9b: {  	v2 =	vadd.s32 v9, v2;
	v0 =	vadd.s32 v0, v22;
	v8 =	vadd.f32 v15, v8;
	v12 =	vld [tilespmem:s31+$0x190]  }
0x9c: {  	v5 =	vadd.f32 v14, v5;
	v4 =	vadd.f32 v10, v4;
	v1 =	vadd.s32 v1, v23;
	v14 =	vld [tilespmem:s31+$0x1A0]  }
0x9d: {  	v0 =	vadd.s32 v19, v0;
	v6 =	vadd.f32 v7, v6;
	v1 =	vadd.s32 v21, v1;
	v18 =	vld [tilespmem:s31+$0x1B0]  }
0x9e: {  	v5 =	vadd.f32 v20, v5;
	v15 =	vmin.f32 v24, $0.0e+00;
	v11 =	vshra.s32 v24, $0x1F  }
0x9f: {  	s6 =	simm.s32 $0x1000;
	v10 =	vmin.f32 v25, $0.0e+00;
	v9 =	vshra.s32 v25, $0x1F;
	v7 =	vmin.f32 v13, $0.0e+00  }
.LBB2_23:
0xa0: {  	s7 =	sshra.s32 s6, $0x2;
	p0 =	sne.s32 s6, $0x3C000;
	v19 =	vshra.s32 v13, $0x1F;
	v20 =	vmin.f32 v16, $0.0e+00;
	v21 =	vshra.s32 v16, $0x1F  }
0xa1: {  	v13 =	vmin.f32 v17, $0.0e+00;
	v17 =	vshra.s32 v17, $0x1F;
	v23 =	vshra.s32 v12, $0x1F;
	v22 =	vld [tilespmem:s7+$0x1C0]  }
0xa2: {  	v8 =	vadd.f32 v13, v8;
	v25 =	vshra.s32 v14, $0x1F;
	v24 =	vld [tilespmem:s7+$0x1D0];
	v26 =	vshra.s32 v18, $0x1F  }
0xa3: {  	v12 =	vmin.f32 v12, $0.0e+00;
	v14 =	vmin.f32 v14, $0.0e+00;
	v18 =	vmin.f32 v18, $0.0e+00;
	v13 =	vld [tilespmem:s7+$0x1E0]  }
0xa4: {  	v3 =	vadd.s32 v3, v17;
	v4 =	vadd.f32 v12, v4;
	v8 =	vadd.f32 v15, v8;
	v16 =	vld [tilespmem:s7+$0x1F0]  }
0xa5: {  	v2 =	vadd.s32 v2, v23;
	v6 =	vadd.f32 v14, v6;
	v3 =	vadd.s32 v11, v3;
	v17 =	vld [tilespmem:s7+$0x180]  }
.Ltmp11:
0xa6: {  	v2 =	vadd.s32 v9, v2;
	v5 =	vadd.f32 v18, v5;
	v4 =	vadd.f32 v10, v4;
	v12 =	vld [tilespmem:s7+$0x190];
	(pc) =	sbr.rel @p0 .LBB2_23-.Ltmp11, $4  }
0xa7: {  	v0 =	vadd.s32 v0, v25;
	v1 =	vadd.s32 v1, v26;
	v6 =	vadd.f32 v7, v6;
	v14 =	vld [tilespmem:s7+$0x1A0]  }
0xa8: {  	v0 =	vadd.s32 v19, v0;
	v1 =	vadd.s32 v21, v1;
	v5 =	vadd.f32 v20, v5;
	v18 =	vld [tilespmem:s7+$0x1B0]  }
0xa9: {  	v15 =	vmin.f32 v22, $0.0e+00;
	v11 =	vshra.s32 v22, $0x1F  }
0xaa: {  	s6 =	sadd.s32 $0x1000, s6;
	v10 =	vmin.f32 v24, $0.0e+00;
	v9 =	vshra.s32 v24, $0x1F;
	v7 =	vmin.f32 v13, $0.0e+00  }
0xab: {  	s6 =	simm.s32 $0x5  }
0xac: {  	_ =	swait.ge [sflag:s6], $0x1E80  }
0xad: {  	[sflag:s6] =	ssyncset.done $0x0  }
0xae: {  	v19 =	vshra.s32 v13, $0x1F;
	v20 =	vmin.f32 v16, $0.0e+00;
	s31 =	simm.s32 $0x0;
	[sflag:s6] =	ssyncadd.s32 $0xFFFFE180  }
0xaf: {  	v21 =	vshra.s32 v16, $0x1F;
	v13 =	vmin.f32 v17, $0.0e+00;
	v16 =	vshra.s32 v17, $0x1F;
	v24 =	vld [tilespmem:s31+$0x240]  }
0xb0: {  	v17 =	vshra.s32 v12, $0x1F;
	v8 =	vadd.f32 v13, v8;
	v13 =	vmin.f32 v14, $0.0e+00;
	v25 =	vld [tilespmem:s31+$0x250]  }
0xb1: {  	v12 =	vmin.f32 v12, $0.0e+00;
	v22 =	vshra.s32 v14, $0x1F;
	v6 =	vadd.f32 v13, v6;
	v13 =	vld [tilespmem:s31+$0x260]  }
0xb2: {  	v3 =	vadd.s32 v3, v16;
	v4 =	vadd.f32 v12, v4;
	v2 =	vadd.s32 v2, v17;
	v16 =	vld [tilespmem:s31+$0x270]  }
0xb3: {  	v23 =	vshra.s32 v18, $0x1F;
	v14 =	vmin.f32 v18, $0.0e+00;
	v3 =	vadd.s32 v11, v3;
	v17 =	vld [tilespmem:s31+$0x200]  }
0xb4: {  	v2 =	vadd.s32 v9, v2;
	v0 =	vadd.s32 v0, v22;
	v8 =	vadd.f32 v15, v8;
	v12 =	vld [tilespmem:s31+$0x210]  }
0xb5: {  	v5 =	vadd.f32 v14, v5;
	v4 =	vadd.f32 v10, v4;
	v1 =	vadd.s32 v1, v23;
	v14 =	vld [tilespmem:s31+$0x220]  }
0xb6: {  	v0 =	vadd.s32 v19, v0;
	v6 =	vadd.f32 v7, v6;
	v1 =	vadd.s32 v21, v1;
	v18 =	vld [tilespmem:s31+$0x230]  }
0xb7: {  	v5 =	vadd.f32 v20, v5;
	v15 =	vmin.f32 v24, $0.0e+00;
	v11 =	vshra.s32 v24, $0x1F  }
0xb8: {  	s6 =	simm.s32 $0x1000;
	v10 =	vmin.f32 v25, $0.0e+00;
	v9 =	vshra.s32 v25, $0x1F;
	v7 =	vmin.f32 v13, $0.0e+00  }
.LBB2_25:
0xb9: {  	s7 =	sshra.s32 s6, $0x2;
	p0 =	sne.s32 s6, $0x3C000;
	v19 =	vshra.s32 v13, $0x1F;
	v20 =	vmin.f32 v16, $0.0e+00;
	v21 =	vshra.s32 v16, $0x1F  }
0xba: {  	v13 =	vmin.f32 v17, $0.0e+00;
	v17 =	vshra.s32 v17, $0x1F;
	v23 =	vshra.s32 v12, $0x1F;
	v22 =	vld [tilespmem:s7+$0x240]  }
0xbb: {  	v8 =	vadd.f32 v13, v8;
	v25 =	vshra.s32 v14, $0x1F;
	v24 =	vld [tilespmem:s7+$0x250];
	v26 =	vshra.s32 v18, $0x1F  }
0xbc: {  	v12 =	vmin.f32 v12, $0.0e+00;
	v14 =	vmin.f32 v14, $0.0e+00;
	v18 =	vmin.f32 v18, $0.0e+00;
	v13 =	vld [tilespmem:s7+$0x260]  }
0xbd: {  	v3 =	vadd.s32 v3, v17;
	v4 =	vadd.f32 v12, v4;
	v8 =	vadd.f32 v15, v8;
	v16 =	vld [tilespmem:s7+$0x270]  }
0xbe: {  	v2 =	vadd.s32 v2, v23;
	v6 =	vadd.f32 v14, v6;
	v3 =	vadd.s32 v11, v3;
	v17 =	vld [tilespmem:s7+$0x200]  }
.Ltmp12:
0xbf: {  	v2 =	vadd.s32 v9, v2;
	v5 =	vadd.f32 v18, v5;
	v4 =	vadd.f32 v10, v4;
	v12 =	vld [tilespmem:s7+$0x210];
	(pc) =	sbr.rel @p0 .LBB2_25-.Ltmp12, $4  }
0xc0: {  	v0 =	vadd.s32 v0, v25;
	v1 =	vadd.s32 v1, v26;
	v6 =	vadd.f32 v7, v6;
	v14 =	vld [tilespmem:s7+$0x220]  }
0xc1: {  	v0 =	vadd.s32 v19, v0;
	v1 =	vadd.s32 v21, v1;
	v5 =	vadd.f32 v20, v5;
	v18 =	vld [tilespmem:s7+$0x230]  }
0xc2: {  	v15 =	vmin.f32 v22, $0.0e+00;
	v11 =	vshra.s32 v22, $0x1F  }
0xc3: {  	s6 =	sadd.s32 $0x1000, s6;
	v10 =	vmin.f32 v24, $0.0e+00;
	v9 =	vshra.s32 v24, $0x1F;
	v7 =	vmin.f32 v13, $0.0e+00  }
0xc4: {  	s6 =	simm.s32 $0x6  }
0xc5: {  	_ =	swait.ge [sflag:s6], $0x1E80  }
0xc6: {  	[sflag:s6] =	ssyncset.done $0x0  }
0xc7: {  	v19 =	vshra.s32 v13, $0x1F;
	v20 =	vmin.f32 v16, $0.0e+00;
	s31 =	simm.s32 $0x0;
	[sflag:s6] =	ssyncadd.s32 $0xFFFFE180  }
0xc8: {  	v21 =	vshra.s32 v16, $0x1F;
	v13 =	vmin.f32 v17, $0.0e+00;
	v16 =	vshra.s32 v17, $0x1F;
	v24 =	vld [tilespmem:s31+$0x2C0]  }
0xc9: {  	v17 =	vshra.s32 v12, $0x1F;
	v8 =	vadd.f32 v13, v8;
	v13 =	vmin.f32 v14, $0.0e+00;
	v25 =	vld [tilespmem:s31+$0x2D0]  }
0xca: {  	v12 =	vmin.f32 v12, $0.0e+00;
	v22 =	vshra.s32 v14, $0x1F;
	v6 =	vadd.f32 v13, v6;
	v13 =	vld [tilespmem:s31+$0x2E0]  }
0xcb: {  	v3 =	vadd.s32 v3, v16;
	v4 =	vadd.f32 v12, v4;
	v2 =	vadd.s32 v2, v17;
	v16 =	vld [tilespmem:s31+$0x2F0]  }
0xcc: {  	v23 =	vshra.s32 v18, $0x1F;
	v14 =	vmin.f32 v18, $0.0e+00;
	v3 =	vadd.s32 v11, v3;
	v17 =	vld [tilespmem:s31+$0x280]  }
0xcd: {  	v2 =	vadd.s32 v9, v2;
	v0 =	vadd.s32 v0, v22;
	v8 =	vadd.f32 v15, v8;
	v12 =	vld [tilespmem:s31+$0x290]  }
0xce: {  	v5 =	vadd.f32 v14, v5;
	v4 =	vadd.f32 v10, v4;
	v1 =	vadd.s32 v1, v23;
	v14 =	vld [tilespmem:s31+$0x2A0]  }
0xcf: {  	v0 =	vadd.s32 v19, v0;
	v6 =	vadd.f32 v7, v6;
	v1 =	vadd.s32 v21, v1;
	v18 =	vld [tilespmem:s31+$0x2B0]  }
0xd0: {  	v5 =	vadd.f32 v20, v5;
	v15 =	vmin.f32 v24, $0.0e+00;
	v11 =	vshra.s32 v24, $0x1F  }
0xd1: {  	s6 =	simm.s32 $0x1000;
	v10 =	vmin.f32 v25, $0.0e+00;
	v9 =	vshra.s32 v25, $0x1F;
	v7 =	vmin.f32 v13, $0.0e+00  }
.LBB2_27:
0xd2: {  	s7 =	sshra.s32 s6, $0x2;
	p0 =	sne.s32 s6, $0x3C000;
	v19 =	vshra.s32 v13, $0x1F;
	v20 =	vmin.f32 v16, $0.0e+00;
	v21 =	vshra.s32 v16, $0x1F  }
0xd3: {  	v13 =	vmin.f32 v17, $0.0e+00;
	v17 =	vshra.s32 v17, $0x1F;
	v23 =	vshra.s32 v12, $0x1F;
	v22 =	vld [tilespmem:s7+$0x2C0]  }
0xd4: {  	v8 =	vadd.f32 v13, v8;
	v25 =	vshra.s32 v14, $0x1F;
	v24 =	vld [tilespmem:s7+$0x2D0];
	v26 =	vshra.s32 v18, $0x1F  }
0xd5: {  	v12 =	vmin.f32 v12, $0.0e+00;
	v14 =	vmin.f32 v14, $0.0e+00;
	v18 =	vmin.f32 v18, $0.0e+00;
	v13 =	vld [tilespmem:s7+$0x2E0]  }
0xd6: {  	v3 =	vadd.s32 v3, v17;
	v4 =	vadd.f32 v12, v4;
	v8 =	vadd.f32 v15, v8;
	v16 =	vld [tilespmem:s7+$0x2F0]  }
0xd7: {  	v2 =	vadd.s32 v2, v23;
	v6 =	vadd.f32 v14, v6;
	v3 =	vadd.s32 v11, v3;
	v17 =	vld [tilespmem:s7+$0x280]  }
.Ltmp13:
0xd8: {  	v2 =	vadd.s32 v9, v2;
	v5 =	vadd.f32 v18, v5;
	v4 =	vadd.f32 v10, v4;
	v12 =	vld [tilespmem:s7+$0x290];
	(pc) =	sbr.rel @p0 .LBB2_27-.Ltmp13, $4  }
0xd9: {  	v0 =	vadd.s32 v0, v25;
	v1 =	vadd.s32 v1, v26;
	v6 =	vadd.f32 v7, v6;
	v14 =	vld [tilespmem:s7+$0x2A0]  }
0xda: {  	v0 =	vadd.s32 v19, v0;
	v1 =	vadd.s32 v21, v1;
	v5 =	vadd.f32 v20, v5;
	v18 =	vld [tilespmem:s7+$0x2B0]  }
0xdb: {  	v15 =	vmin.f32 v22, $0.0e+00;
	v11 =	vshra.s32 v22, $0x1F  }
0xdc: {  	s6 =	sadd.s32 $0x1000, s6;
	v10 =	vmin.f32 v24, $0.0e+00;
	v9 =	vshra.s32 v24, $0x1F;
	v7 =	vmin.f32 v13, $0.0e+00  }
0xdd: {  	s6 =	simm.s32 $0x7  }
0xde: {  	_ =	swait.ge [sflag:s6], $0x1E80  }
0xdf: {  	[sflag:s6] =	ssyncset.done $0x0  }
0xe0: {  	v19 =	vshra.s32 v13, $0x1F;
	v20 =	vmin.f32 v16, $0.0e+00;
	s31 =	simm.s32 $0x0;
	[sflag:s6] =	ssyncadd.s32 $0xFFFFE180  }
0xe1: {  	v21 =	vshra.s32 v16, $0x1F;
	v13 =	vmin.f32 v17, $0.0e+00;
	v16 =	vshra.s32 v17, $0x1F;
	v24 =	vld [tilespmem:s31+$0x340]  }
0xe2: {  	v17 =	vshra.s32 v12, $0x1F;
	v8 =	vadd.f32 v13, v8;
	v13 =	vmin.f32 v14, $0.0e+00;
	v25 =	vld [tilespmem:s31+$0x350]  }
0xe3: {  	v12 =	vmin.f32 v12, $0.0e+00;
	v22 =	vshra.s32 v14, $0x1F;
	v6 =	vadd.f32 v13, v6;
	v13 =	vld [tilespmem:s31+$0x360]  }
0xe4: {  	v3 =	vadd.s32 v3, v16;
	v4 =	vadd.f32 v12, v4;
	v2 =	vadd.s32 v2, v17;
	v16 =	vld [tilespmem:s31+$0x370]  }
0xe5: {  	v23 =	vshra.s32 v18, $0x1F;
	v14 =	vmin.f32 v18, $0.0e+00;
	v3 =	vadd.s32 v11, v3;
	v17 =	vld [tilespmem:s31+$0x300]  }
0xe6: {  	v2 =	vadd.s32 v9, v2;
	v0 =	vadd.s32 v0, v22;
	v8 =	vadd.f32 v15, v8;
	v12 =	vld [tilespmem:s31+$0x310]  }
0xe7: {  	v5 =	vadd.f32 v14, v5;
	v4 =	vadd.f32 v10, v4;
	v1 =	vadd.s32 v1, v23;
	v14 =	vld [tilespmem:s31+$0x320]  }
0xe8: {  	v0 =	vadd.s32 v19, v0;
	v6 =	vadd.f32 v7, v6;
	v1 =	vadd.s32 v21, v1;
	v18 =	vld [tilespmem:s31+$0x330]  }
0xe9: {  	v5 =	vadd.f32 v20, v5;
	v15 =	vmin.f32 v24, $0.0e+00;
	v11 =	vshra.s32 v24, $0x1F  }
0xea: {  	s6 =	simm.s32 $0x1000;
	v10 =	vmin.f32 v25, $0.0e+00;
	v9 =	vshra.s32 v25, $0x1F;
	v7 =	vmin.f32 v13, $0.0e+00  }
.LBB2_29:
0xeb: {  	s7 =	sshra.s32 s6, $0x2;
	p0 =	sne.s32 s6, $0x3C000;
	v19 =	vshra.s32 v13, $0x1F;
	v20 =	vmin.f32 v16, $0.0e+00;
	v21 =	vshra.s32 v16, $0x1F  }
0xec: {  	v13 =	vmin.f32 v17, $0.0e+00;
	v17 =	vshra.s32 v17, $0x1F;
	v23 =	vshra.s32 v12, $0x1F;
	v22 =	vld [tilespmem:s7+$0x340]  }
0xed: {  	v8 =	vadd.f32 v13, v8;
	v25 =	vshra.s32 v14, $0x1F;
	v24 =	vld [tilespmem:s7+$0x350];
	v26 =	vshra.s32 v18, $0x1F  }
0xee: {  	v12 =	vmin.f32 v12, $0.0e+00;
	v14 =	vmin.f32 v14, $0.0e+00;
	v18 =	vmin.f32 v18, $0.0e+00;
	v13 =	vld [tilespmem:s7+$0x360]  }
0xef: {  	v3 =	vadd.s32 v3, v17;
	v4 =	vadd.f32 v12, v4;
	v8 =	vadd.f32 v15, v8;
	v16 =	vld [tilespmem:s7+$0x370]  }
0xf0: {  	v2 =	vadd.s32 v2, v23;
	v6 =	vadd.f32 v14, v6;
	v3 =	vadd.s32 v11, v3;
	v17 =	vld [tilespmem:s7+$0x300]  }
.Ltmp14:
0xf1: {  	v2 =	vadd.s32 v9, v2;
	v5 =	vadd.f32 v18, v5;
	v4 =	vadd.f32 v10, v4;
	v12 =	vld [tilespmem:s7+$0x310];
	(pc) =	sbr.rel @p0 .LBB2_29-.Ltmp14, $4  }
0xf2: {  	v0 =	vadd.s32 v0, v25;
	v1 =	vadd.s32 v1, v26;
	v6 =	vadd.f32 v7, v6;
	v14 =	vld [tilespmem:s7+$0x320]  }
0xf3: {  	v0 =	vadd.s32 v19, v0;
	v1 =	vadd.s32 v21, v1;
	v5 =	vadd.f32 v20, v5;
	v18 =	vld [tilespmem:s7+$0x330]  }
0xf4: {  	v15 =	vmin.f32 v22, $0.0e+00;
	v11 =	vshra.s32 v22, $0x1F  }
0xf5: {  	s6 =	sadd.s32 $0x1000, s6;
	v10 =	vmin.f32 v24, $0.0e+00;
	v9 =	vshra.s32 v24, $0x1F;
	v7 =	vmin.f32 v13, $0.0e+00  }
0xf6: {  	s6 =	simm.s32 $0x8  }
0xf7: {  	_ =	swait.ge [sflag:s6], $0x1E80  }
0xf8: {  	[sflag:s6] =	ssyncset.done $0x0  }
0xf9: {  	v19 =	vshra.s32 v13, $0x1F;
	v13 =	vmin.f32 v17, $0.0e+00;
	v17 =	vshra.s32 v17, $0x1F;
	s31 =	simm.s32 $0x0;
	[sflag:s6] =	ssyncadd.s32 $0xFFFFE180  }
0xfa: {  	v20 =	vmin.f32 v16, $0.0e+00;
	v3 =	vadd.s32 v3, v17;
	v17 =	vld [tilespmem:s31+$0x3C0]  }
0xfb: {  	v21 =	vshra.s32 v12, $0x1F;
	v12 =	vmin.f32 v12, $0.0e+00;
	v8 =	vadd.f32 v13, v8;
	v24 =	vld [tilespmem:s31+$0x3D0]  }
0xfc: {  	v16 =	vshra.s32 v16, $0x1F;
	v13 =	vshra.s32 v14, $0x1F;
	v23 =	vadd.f32 v12, v4;
	v12 =	vld [tilespmem:s31+$0x3E0]  }
0xfd: {  	v14 =	vmin.f32 v14, $0.0e+00;
	v22 =	vshra.s32 v18, $0x1F;
	v4 =	vadd.f32 v15, v8;
	v15 =	vld [tilespmem:s31+$0x3F0]  }
0xfe: {  	v18 =	vmin.f32 v18, $0.0e+00;
	v0 =	vadd.s32 v0, v13;
	v8 =	vadd.s32 v2, v21;
	v13 =	vld [tilespmem:s31+$0x380]  }
0xff: {  	v2 =	vadd.s32 v11, v3;
	v11 =	vadd.f32 v18, v5;
	v5 =	vadd.f32 v10, v23;
	v10 =	vld [tilespmem:s31+$0x390]  }
0x100: {  	v6 =	vadd.f32 v14, v6;
	v1 =	vadd.s32 v1, v22;
	v0 =	vadd.s32 v19, v0;
	v14 =	vld [tilespmem:s31+$0x3A0]  }
0x101: {  	v3 =	vadd.s32 v9, v8;
	v18 =	vmin.f32 v17, $0.0e+00;
	v9 =	vshra.s32 v17, $0x1F;
	v17 =	vld [tilespmem:s31+$0x3B0]  }
0x102: {  	v6 =	vadd.f32 v7, v6;
	v1 =	vadd.s32 v16, v1;
	v7 =	vadd.f32 v20, v11  }
0x103: {  	s6 =	simm.s32 $0x1000;
	v16 =	vmin.f32 v24, $0.0e+00;
	v8 =	vshra.s32 v24, $0x1F;
	v11 =	vmin.f32 v12, $0.0e+00  }
.LBB2_31:
0x104: {  	s7 =	sshra.s32 s6, $0x2;
	p0 =	sne.s32 s6, $0x3C000;
	v19 =	vshra.s32 v12, $0x1F;
	v20 =	vmin.f32 v15, $0.0e+00;
	v21 =	vshra.s32 v15, $0x1F  }
0x105: {  	v12 =	vmin.f32 v13, $0.0e+00;
	v13 =	vshra.s32 v13, $0x1F;
	v23 =	vshra.s32 v10, $0x1F;
	v22 =	vld [tilespmem:s7+$0x3C0]  }
0x106: {  	v4 =	vadd.f32 v12, v4;
	v25 =	vshra.s32 v14, $0x1F;
	v24 =	vld [tilespmem:s7+$0x3D0];
	v26 =	vshra.s32 v17, $0x1F  }
0x107: {  	v10 =	vmin.f32 v10, $0.0e+00;
	v14 =	vmin.f32 v14, $0.0e+00;
	v17 =	vmin.f32 v17, $0.0e+00;
	v12 =	vld [tilespmem:s7+$0x3E0]  }
0x108: {  	v2 =	vadd.s32 v2, v13;
	v5 =	vadd.f32 v10, v5;
	v4 =	vadd.f32 v18, v4;
	v15 =	vld [tilespmem:s7+$0x3F0]  }
0x109: {  	v3 =	vadd.s32 v3, v23;
	v6 =	vadd.f32 v14, v6;
	v2 =	vadd.s32 v9, v2;
	v13 =	vld [tilespmem:s7+$0x380]  }
.Ltmp15:
0x10a: {  	v3 =	vadd.s32 v8, v3;
	v7 =	vadd.f32 v17, v7;
	v5 =	vadd.f32 v16, v5;
	v10 =	vld [tilespmem:s7+$0x390];
	(pc) =	sbr.rel @p0 .LBB2_31-.Ltmp15, $4  }
0x10b: {  	v0 =	vadd.s32 v0, v25;
	v1 =	vadd.s32 v1, v26;
	v6 =	vadd.f32 v11, v6;
	v14 =	vld [tilespmem:s7+$0x3A0]  }
0x10c: {  	v0 =	vadd.s32 v19, v0;
	v1 =	vadd.s32 v21, v1;
	v7 =	vadd.f32 v20, v7;
	v17 =	vld [tilespmem:s7+$0x3B0]  }
0x10d: {  	v18 =	vmin.f32 v22, $0.0e+00;
	v9 =	vshra.s32 v22, $0x1F  }
0x10e: {  	s6 =	sadd.s32 $0x1000, s6;
	v16 =	vmin.f32 v24, $0.0e+00;
	v8 =	vshra.s32 v24, $0x1F;
	v11 =	vmin.f32 v12, $0.0e+00  }
0x10f: {  	v12 =	vshra.s32 v12, $0x1F;
	v19 =	vmin.f32 v15, $0.0e+00  }
0x110: {  	v20 =	vmin.f32 v13, $0.0e+00;
	v57 =	vshra.s32 v15, $0x1F;
	v58 =	vmin.f32 v10, $0.0e+00  }
0x111: {  	v59 =	vshra.s32 v13, $0x1F;
	v60 =	vshra.s32 v10, $0x1F;
	v4 =	vadd.f32 v20, v4  }
0x112: {  	v21 =	vmin.f32 v14, $0.0e+00;
	v5 =	vadd.f32 v58, v5;
	v61 =	vshra.s32 v14, $0x1F  }
0x113: {  	v2 =	vadd.s32 v2, v59;
	v3 =	vadd.s32 v3, v60;
	v22 =	vmin.f32 v17, $0.0e+00  }
0x114: {  	v6 =	vadd.f32 v21, v6;
	v62 =	vshra.s32 v17, $0x1F;
	v7 =	vadd.f32 v22, v7  }
0x115: {  	v2 =	vadd.s32 v9, v2;
	v4 =	vadd.f32 v18, v4;
	v5 =	vadd.f32 v16, v5  }
0x116: {  	v0 =	vadd.s32 v0, v61;
	v6 =	vadd.f32 v11, v6;
	v7 =	vadd.f32 v19, v7  }
0x117: {  	p0 =	sne.s32 s5, $0x0;
	v3 =	vadd.s32 v8, v3;
	v1 =	vadd.s32 v1, v62;
	v0 =	vadd.s32 v12, v0  }
.Ltmp16:
0x118: {  	v2 =	vadd.s32 v2, v3;
	v4 =	vadd.f32 v5, v4;
	v63 =	vadd.f32 v7, v6;
	(pc) =	sbr.rel @p0 .LBB2_34-.Ltmp16, $4  }
0x119: {  	v1 =	vadd.s32 v57, v1;
	v0 =	vadd.s32 v0, v2  }
0x11a: {  	v0 =	vadd.s32 v1, v0;
	v4 =	vadd.f32 v63, v4  }
0x11b: {  	s31 =	sshll.u32 s5, $0x7;
	[tilespmem:$0xF700] =	vst v0  }
0x11c: {  	s6 =	sadd.s32 s31, s3;
	s5 =	sadd.s32 s31, s2;
	[tilespmem:$0xF680] =	vst v4  }
0x11d: {  	s4 =	sadd.s32 $0x1E800, s4  }
0x11e: {  	s7 =	simm.s32 $0x0;
	s8 =	simm.s32 $0xF400;
	s31 =	simm.s32 $0x9  }
0x11f: {  	[tilespmem:s8], [sflag:$0x9] =	stream.linear.gather [hbm4b:s4+s7], $0x240, $0x38;
	[tilespmem:$0x10820] =	vst v63  }
0x120: {  	_ =	swait.ge [sflag:s31], $0x240  }
0x121: {  	[sflag:s31] =	ssyncset.done $0x0  }
0x122: {  	[sflag:s31] =	ssyncadd.s32 $0xFFFFFDC0  }
0x123: {  	v0 =	vld [tilespmem:$0xF400]  }
0x124: {  	v1 =	vld [tilespmem:$0xF680]  }
0x125: {  	v2 =	vld [tilespmem:$0xF410];
	_ =	sdelay $0x1  }
0x126: {  	v3 =	vld [tilespmem:$0xF420]  }
0x127: {  	v4 =	vmin.f32 v0, $0.0e+00  }
0x128: {  	v62 =	vld [tilespmem:$0xF430];
	v1 =	vadd.f32 v4, v1  }
0x129: {  	v5 =	vmin.f32 v2, $0.0e+00  }
0x12a: {  	v63 =	vld [tilespmem:$0xF440];
	v1 =	vadd.f32 v5, v1  }
0x12b: {  	v6 =	vmin.f32 v3, $0.0e+00  }
0x12c: {  	v24 =	vld [tilespmem:$0xF450];
	v1 =	vadd.f32 v6, v1  }
0x12d: {  	v7 =	vmin.f32 v62, $0.0e+00  }
0x12e: {  	v25 =	vld [tilespmem:$0xF460];
	v1 =	vadd.f32 v7, v1  }
0x12f: {  	v8 =	vmin.f32 v63, $0.0e+00  }
0x130: {  	v26 =	vld [tilespmem:$0xF470];
	v1 =	vadd.f32 v8, v1  }
0x131: {  	v9 =	vmin.f32 v24, $0.0e+00  }
0x132: {  	v27 =	vld [tilespmem:$0xF480];
	v1 =	vadd.f32 v9, v1  }
0x133: {  	v10 =	vmin.f32 v25, $0.0e+00  }
0x134: {  	v28 =	vld [tilespmem:$0xF490];
	v1 =	vadd.f32 v10, v1  }
0x135: {  	v11 =	vmin.f32 v26, $0.0e+00  }
0x136: {  	v29 =	vld [tilespmem:$0xF4A0];
	v1 =	vadd.f32 v11, v1  }
0x137: {  	v12 =	vmin.f32 v27, $0.0e+00  }
0x138: {  	v30 =	vld [tilespmem:$0xF4B0];
	v1 =	vadd.f32 v12, v1  }
0x139: {  	v13 =	vmin.f32 v28, $0.0e+00  }
0x13a: {  	v31 =	vld [tilespmem:$0xF4C0];
	v1 =	vadd.f32 v13, v1  }
0x13b: {  	v14 =	vmin.f32 v29, $0.0e+00  }
0x13c: {  	v32 =	vld [tilespmem:$0xF4D0];
	v1 =	vadd.f32 v14, v1  }
0x13d: {  	v15 =	vmin.f32 v30, $0.0e+00  }
0x13e: {  	v33 =	vld [tilespmem:$0xF4E0];
	v1 =	vadd.f32 v15, v1  }
0x13f: {  	v16 =	vmin.f32 v31, $0.0e+00  }
0x140: {  	v34 =	vld [tilespmem:$0xF4F0];
	v1 =	vadd.f32 v16, v1  }
0x141: {  	v17 =	vmin.f32 v32, $0.0e+00  }
0x142: {  	v35 =	vld [tilespmem:$0xF500];
	v1 =	vadd.f32 v17, v1  }
0x143: {  	v18 =	vmin.f32 v33, $0.0e+00  }
0x144: {  	v36 =	vld [tilespmem:$0xF510];
	v1 =	vadd.f32 v18, v1  }
0x145: {  	v37 =	vld [tilespmem:$0xF520];
	v19 =	vmin.f32 v34, $0.0e+00  }
0x146: {  	v20 =	vld [tilespmem:$0xF700];
	v1 =	vadd.f32 v19, v1  }
0x147: {  	v21 =	vmin.f32 v35, $0.0e+00  }
0x148: {  	v38 =	vld [tilespmem:$0xF530];
	v1 =	vadd.f32 v21, v1  }
0x149: {  	v22 =	vmin.f32 v36, $0.0e+00  }
0x14a: {  	v39 =	vld [tilespmem:$0xF540];
	v0 =	vshra.s32 v0, $0x1F;
	v1 =	vadd.f32 v22, v1  }
0x14b: {  	v23 =	vmin.f32 v37, $0.0e+00;
	v2 =	vshra.s32 v2, $0x1F;
	v0 =	vadd.s32 v20, v0  }
0x14c: {  	v40 =	vld [tilespmem:$0xF550];
	v42 =	vshra.s32 v3, $0x1F;
	v0 =	vadd.s32 v2, v0;
	v1 =	vadd.f32 v23, v1  }
0x14d: {  	v41 =	vmin.f32 v38, $0.0e+00;
	v44 =	vshra.s32 v62, $0x1F;
	v0 =	vadd.s32 v42, v0  }
0x14e: {  	v43 =	vld [tilespmem:$0xF560];
	v46 =	vshra.s32 v63, $0x1F;
	v0 =	vadd.s32 v44, v0;
	v1 =	vadd.f32 v41, v1  }
0x14f: {  	v45 =	vmin.f32 v39, $0.0e+00;
	v48 =	vshra.s32 v24, $0x1F;
	v0 =	vadd.s32 v46, v0  }
0x150: {  	v47 =	vld [tilespmem:$0xF570];
	v50 =	vshra.s32 v25, $0x1F;
	v0 =	vadd.s32 v48, v0;
	v1 =	vadd.f32 v45, v1  }
0x151: {  	v49 =	vmin.f32 v40, $0.0e+00;
	v52 =	vshra.s32 v26, $0x1F;
	v0 =	vadd.s32 v50, v0  }
0x152: {  	v51 =	vld [tilespmem:$0xF580];
	v54 =	vshra.s32 v27, $0x1F;
	v0 =	vadd.s32 v52, v0;
	v1 =	vadd.f32 v49, v1  }
0x153: {  	v53 =	vmin.f32 v43, $0.0e+00;
	v56 =	vshra.s32 v28, $0x1F;
	v0 =	vadd.s32 v54, v0  }
0x154: {  	v55 =	vld [tilespmem:$0xF590];
	v58 =	vshra.s32 v29, $0x1F;
	v0 =	vadd.s32 v56, v0;
	v1 =	vadd.f32 v53, v1  }
0x155: {  	v57 =	vmin.f32 v47, $0.0e+00;
	v60 =	vshra.s32 v30, $0x1F;
	v0 =	vadd.s32 v58, v0  }
0x156: {  	v59 =	vld [tilespmem:$0xF5A0];
	v62 =	vshra.s32 v31, $0x1F;
	v0 =	vadd.s32 v60, v0;
	v1 =	vadd.f32 v57, v1  }
0x157: {  	v61 =	vmin.f32 v51, $0.0e+00;
	v0 =	vadd.s32 v62, v0;
	v14 =	vshra.s32 v32, $0x1F  }
0x158: {  	v63 =	vld [tilespmem:$0xF5B0];
	v24 =	vshra.s32 v33, $0x1F;
	v0 =	vadd.s32 v14, v0;
	v1 =	vadd.f32 v61, v1  }
0x159: {  	v26 =	vshra.s32 v34, $0x1F;
	v20 =	vmin.f32 v55, $0.0e+00;
	v0 =	vadd.s32 v24, v0  }
0x15a: {  	v25 =	vld [tilespmem:$0xF5C0];
	v28 =	vshra.s32 v35, $0x1F;
	v0 =	vadd.s32 v26, v0;
	v1 =	vadd.f32 v20, v1  }
0x15b: {  	v27 =	vmin.f32 v59, $0.0e+00;
	v30 =	vshra.s32 v36, $0x1F;
	v0 =	vadd.s32 v28, v0  }
0x15c: {  	v29 =	vld [tilespmem:$0xF5D0];
	v32 =	vshra.s32 v37, $0x1F;
	v0 =	vadd.s32 v30, v0;
	v1 =	vadd.f32 v27, v1  }
0x15d: {  	v34 =	vshra.s32 v38, $0x1F;
	v31 =	vmin.f32 v63, $0.0e+00;
	v0 =	vadd.s32 v32, v0  }
0x15e: {  	v33 =	vld [tilespmem:$0xF5E0];
	v36 =	vshra.s32 v39, $0x1F;
	v0 =	vadd.s32 v34, v0;
	v1 =	vadd.f32 v31, v1  }
0x15f: {  	v38 =	vshra.s32 v40, $0x1F;
	v35 =	vmin.f32 v25, $0.0e+00;
	v0 =	vadd.s32 v36, v0  }
0x160: {  	v40 =	vshra.s32 v43, $0x1F;
	v37 =	vld [tilespmem:$0xF5F0];
	v0 =	vadd.s32 v38, v0;
	v1 =	vadd.f32 v35, v1  }
0x161: {  	v42 =	vshra.s32 v47, $0x1F;
	v39 =	vmin.f32 v29, $0.0e+00;
	v0 =	vadd.s32 v40, v0  }
0x162: {  	v44 =	vshra.s32 v51, $0x1F;
	v0 =	vadd.s32 v42, v0;
	v41 =	vld [tilespmem:$0xF600];
	v1 =	vadd.f32 v39, v1  }
0x163: {  	v43 =	vmin.f32 v33, $0.0e+00;
	v46 =	vshra.s32 v55, $0x1F;
	v0 =	vadd.s32 v44, v0  }
0x164: {  	v48 =	vshra.s32 v59, $0x1F;
	v0 =	vadd.s32 v46, v0;
	v45 =	vld [tilespmem:$0xF610];
	v1 =	vadd.f32 v43, v1  }
0x165: {  	v50 =	vshra.s32 v63, $0x1F;
	v47 =	vmin.f32 v37, $0.0e+00;
	v0 =	vadd.s32 v48, v0  }
0x166: {  	v52 =	vshra.s32 v25, $0x1F;
	v0 =	vadd.s32 v50, v0;
	v49 =	vld [tilespmem:$0xF620];
	v1 =	vadd.f32 v47, v1  }
0x167: {  	v54 =	vshra.s32 v29, $0x1F;
	v0 =	vadd.s32 v52, v0;
	v51 =	vmin.f32 v41, $0.0e+00  }
0x168: {  	v56 =	vshra.s32 v33, $0x1F;
	v0 =	vadd.s32 v54, v0;
	v53 =	vld [tilespmem:$0xF630];
	v1 =	vadd.f32 v51, v1  }
0x169: {  	v0 =	vadd.s32 v56, v0;
	v55 =	vmin.f32 v45, $0.0e+00;
	v57 =	vshra.s32 v37, $0x1F  }
0x16a: {  	v59 =	vshra.s32 v41, $0x1F;
	v0 =	vadd.s32 v57, v0;
	v1 =	vadd.f32 v55, v1  }
0x16b: {  	v60 =	vshra.s32 v45, $0x1F;
	v58 =	vmin.f32 v49, $0.0e+00;
	v0 =	vadd.s32 v59, v0  }
0x16c: {  	v62 =	vshra.s32 v49, $0x1F;
	v0 =	vadd.s32 v60, v0;
	v1 =	vadd.f32 v58, v1  }
0x16d: {  	v61 =	vmin.f32 v53, $0.0e+00;
	v63 =	vshra.s32 v53, $0x1F;
	v0 =	vadd.s32 v62, v0  }
0x16e: {  	v0 =	vadd.s32 v63, v0;
	v1 =	vadd.f32 v61, v1  }
0x16f: {  	[tilespmem:$0xF700] =	vst v0  }
0x170: {  	[tilespmem:$0xF680] =	vst v1  }
.LBB2_34:
0x171: {  	s4 =	simm.s32 $0xF680  }
0x172: {  	[spmem:s6] =	stream.linear.scatter [tilespmem:s4], [sflag:$0x9], $0x80, $0x38;
	[tilespmem:$0x10820] =	vst v63  }
0x173: {  	s4 =	simm.s32 $0x9  }
0x174: {  	_ =	swait.ge [sflag:s4], $0x80  }
0x175: {  	[sflag:s4] =	ssyncset.done $0x0  }
0x176: {  	s31 =	simm.s32 $0xF700;
	[sflag:s4] =	ssyncadd.s32 $0xFFFFFF80  }
0x177: {  	[spmem:s5] =	stream.linear.scatter [tilespmem:s31], [sflag:$0x9], $0x80, $0x38;
	[tilespmem:$0x10820] =	vst v63  }
0x178: {  	_ =	swait.ge [sflag:s4], $0x80  }
0x179: {  	[sflag:s4] =	ssyncset.done $0x0  }
0x17a: {  	[sflag:s4] =	ssyncadd.s32 $0xFFFFFF80  }
0x17b: {  	[bflag:$0x0] =	sbarrier.arrive $0xFFFF  }
0x17c: {  	_ =	sfence.sel @p0 $0x180000  }
0x17d: {  	[bflag:$0x0] =	sbarrier.arrive @p0 $0xFFFF  }
0x17e: {  	_ =	strace @p0 $0x90000047  }
0x17f: {  	[bflag:$0x2] =	sbarrier.arrive @p0 $0xFFFF  }
0x180: {  	_ =	shalt @p0  }
.LBB2_35:
0x181: {  	s5 =	simm.s32 $0xF7A0  }
0x182: {  	[tilespmem:s5], [sflag:$0x9] =	stream.linear.gather [spmem:s3], $0x800, $0x38;
	[tilespmem:$0x10820] =	vst v63  }
0x183: {  	_ =	swait.ge [sflag:s4], $0x800  }
0x184: {  	[sflag:s4] =	ssyncset.done $0x0  }
0x185: {  	s28 =	simm.s32 $0xFFA0;
	[sflag:s4] =	ssyncadd.s32 $0xFFFFF800  }
0x186: {  	[tilespmem:s28], [sflag:$0x9] =	stream.linear.gather [spmem:s2], $0x800, $0x38;
	[tilespmem:$0x10820] =	vst v63  }
0x187: {  	_ =	swait.ge [sflag:s4], $0x800  }
0x188: {  	[sflag:s4] =	ssyncset.done $0x0  }
0x189: {  	[sflag:s4] =	ssyncadd.s32 $0xFFFFF800  }
0x18a: {  	v0 =	vld [tilespmem:$0xF7A0]  }
0x18b: {  	v1 =	vld [tilespmem:$0xFFA0]  }
0x18c: {  	v2 =	vld [tilespmem:$0xF820]  }
0x18d: {  	v3 =	vld [tilespmem:$0x10020]  }
0x18e: {  	v4 =	vld [tilespmem:$0xF8A0]  }
0x18f: {  	v5 =	vld [tilespmem:$0x100A0]  }
0x190: {  	v6 =	vld [tilespmem:$0xF920]  }
0x191: {  	v7 =	vld [tilespmem:$0x10120]  }
0x192: {  	v8 =	vld [tilespmem:$0x101A0]  }
0x193: {  	v9 =	vld [tilespmem:$0x10220]  }
0x194: {  	v38 =	vld [tilespmem:$0x102A0];
	v1 =	vadd.s32 v1, v3  }
0x195: {  	v39 =	vld [tilespmem:$0x10320];
	v1 =	vadd.s32 v5, v1  }
0x196: {  	v40 =	vld [tilespmem:$0x103A0];
	v1 =	vadd.s32 v7, v1  }
0x197: {  	v41 =	vld [tilespmem:$0x10420];
	v1 =	vadd.s32 v8, v1  }
0x198: {  	v42 =	vld [tilespmem:$0x104A0];
	v1 =	vadd.s32 v9, v1  }
0x199: {  	v43 =	vld [tilespmem:$0x10520];
	v1 =	vadd.s32 v38, v1  }
0x19a: {  	v44 =	vld [tilespmem:$0x105A0];
	v1 =	vadd.s32 v39, v1  }
0x19b: {  	v45 =	vld [tilespmem:$0x10620];
	v1 =	vadd.s32 v40, v1  }
0x19c: {  	v46 =	vld [tilespmem:$0x106A0];
	v1 =	vadd.s32 v41, v1  }
0x19d: {  	v47 =	vld [tilespmem:$0x10720];
	v0 =	vadd.f32 v2, v0;
	v1 =	vadd.s32 v42, v1  }
0x19e: {  	v48 =	vld [tilespmem:$0xF9A0];
	v1 =	vadd.s32 v43, v1  }
0x19f: {  	v0 =	vadd.f32 v4, v0;
	v1 =	vadd.s32 v44, v1  }
0x1a0: {  	v49 =	vld [tilespmem:$0xFA20];
	v1 =	vadd.s32 v45, v1  }
0x1a1: {  	v0 =	vadd.f32 v6, v0;
	v1 =	vadd.s32 v46, v1  }
0x1a2: {  	v50 =	vld [tilespmem:$0xFAA0];
	v1 =	vadd.s32 v47, v1  }
0x1a3: {  	v0 =	vadd.f32 v48, v0;
	(xrf0) =	vadd.scan.msk.s32 $0xffff, v1  }
0x1a4: {  	v51 =	vld [tilespmem:$0xFB20]  }
0x1a5: {  	v0 =	vadd.f32 v49, v0  }
0x1a6: {  	v52 =	vld [tilespmem:$0xFBA0]  }
0x1a7: {  	v0 =	vadd.f32 v50, v0  }
0x1a8: {  	v53 =	vld [tilespmem:$0xFC20]  }
0x1a9: {  	v0 =	vadd.f32 v51, v0;
	v54, _, _ =	vpop (xrf0)  }
0x1aa: {  	v55 =	vld [tilespmem:$0xFCA0];
	(v2sf) =	vpush v54, $0xF  }
0x1ab: {  	v0 =	vadd.f32 v52, v0  }
0x1ac: {  	v56 =	vld [tilespmem:$0xFD20]  }
0x1ad: {  	v0 =	vadd.f32 v53, v0  }
0x1ae: {  	v57 =	vld [tilespmem:$0xFDA0]  }
0x1af: {  	v0 =	vadd.f32 v55, v0  }
0x1b0: {  	v58 =	vld [tilespmem:$0xFE20]  }
0x1b1: {  	v0 =	vadd.f32 v56, v0  }
0x1b2: {  	v59 =	vld [tilespmem:$0xFEA0]  }
0x1b3: {  	v0 =	vadd.f32 v57, v0  }
0x1b4: {  	v60 =	vld [tilespmem:$0xFF20]  }
0x1b5: {  	v0 =	vadd.f32 v58, v0;
	_ =	sdelay $0x1  }
0x1b6: {  	v0 =	vadd.f32 v59, v0;
	_ =	sdelay $0x1  }
0x1b7: {  	v0 =	vadd.f32 v60, v0;
	s29 =	spop (v2sf)  }
0x1b8: {  	s2 =	ssub.s32 $0x0, s29  }
0x1b9: {  	(xrf2) =	vadd.scan.msk.f32 $0xffff, v0;
	s2 =	scvt.s32.f32 s2;
	_ =	sdelay $0x1  }
0x1ba: {  	v61 =	vmov s2  }
0x1bb: {  	(erf) = vrcp.f32 v61;
	_ =	sdelay $0x6  }
0x1bc: {  	v62, _, _ =	vpop (xrf2)  }
0x1bd: {  	v0 =	vbroadcast v62, $0xF  }
0x1be: {  	v63 =	vpop (erf)  }
0x1bf: {  	v0 =	vmul.f32 v63, v0;
	_ =	sdelay $0x1  }
0x1c0: {  	s30 =	simm.s32 $0x0;
	s31 =	simm.s32 $0x107A0;
	[tilespmem:$0x107A0] =	vst v0  }
0x1c1: {  	[hbm4b:s1+s30] =	stream.linear.scatter [tilespmem:s31], [sflag:$0x9], $0x80, $0x38;
	[tilespmem:$0x10820] =	vst v63  }
0x1c2: {  	_ =	swait.ge [sflag:s4], $0x80  }
0x1c3: {  	[sflag:s4] =	ssyncset.done $0x0  }
0x1c4: {  	[sflag:s4] =	ssyncadd.s32 $0xFFFFFF80  }
0x1c5: {  	_ =	sfence.sel $0x180000  }
0x1c6: {  	[bflag:$0x0] =	sbarrier.arrive $0xFFFF  }
0x1c7: {  	_ =	strace $0x90000047  }
0x1c8: {  	s0 =	sadd.s32 $0x100000, s0;
	[bflag:$0x2] =	sbarrier.arrive $0xFFFF  }
0x1c9: {  	[sflag:s0] =	ssyncadd.tile.s32 $0x1;
	_ =	shalt  }
.Lfunc_end2:
_tile_overlayer_lowered:
.L_overlay_start_2:
0x1ca: {  	(tag) =	ssettag $0x2  }
0x1cb: {  	s0 =	rddreg [dreg:$0x0];
	s2 =	stileid.u32  }
0x1cc: {  	s1 =	rddreg [dreg:$0x1];
	p0 =	sne.s32 s2, $0x0  }
0x1cd: {  	s3 =	rddreg [dreg:$0x2];
	[bflag:$0x3] =	sbarrier.arrive $0xFFFF;
	s2 =	simm.s32 @!p0 $0x1C09  }
0x1ce: {  	[timem:s3], [sflag:s2] =	dma.local @!p0 [hbm:s0], s1  }
0x1cf: {  	s0 =	simm.s32 @!p0 $0x9  }
0x1d0: {  	_ =	swait.ge @!p0 [sflag:s0], s1  }
0x1d1: {  	s1 =	ssub.s32 @!p0 $0x0, s1;
	[sflag:s0] =	ssyncset.done @!p0 $0x0  }
0x1d2: {  	[sflag:s0] =	ssyncadd.s32 @!p0 s1  }
0x1d3: {  	[bflag:$0x3] =	sbarrier.arrive $0xFFFF  }
0x1d4: {  	_ =	shalt  }

</sc_bundles>
